<compile_context>
chip_gen: v7x
topology: tpu7x:2x2x1
jax: 0.10.2.dev20260603
libtpu: 0.0.44.dev20260713+nightly
codegen_flags: <defaults>
</compile_context>

<pallas_src>
import functools

import jax
import jax.numpy as jnp
from jax import lax
from jax.experimental import pallas as pl
from jax.experimental.pallas import tpu as pltpu
from jax.experimental.pallas import tpu_sc as plsc

L_SEQ, B, NFEAT = 200, 1024, 3
N = L_SEQ * B
NW = 32
BPW = N // NW
GR = 64
NGROUPS = BPW // GR
NB = 4

_mesh = plsc.VectorSubcoreMesh(core_axis_name="c", subcore_axis_name="s")


@functools.partial(
    pl.kernel,
    out_type=jax.ShapeDtypeStruct((N, 256), jnp.float32),
    mesh=_mesh,
    scratch_types=[
        pltpu.VMEM((NGROUPS // 2, 2 * GR), jnp.int32),
        pltpu.VMEM((NGROUPS // 2, 2 * GR), jnp.int32),
        pltpu.VMEM((NGROUPS // 2, 2 * GR), jnp.int32),
        pltpu.VMEM((NB, GR, 256), jnp.float32),
        pltpu.VMEM((NB, GR, 128), jnp.float32),
        [pltpu.SemaphoreType.DMA] * NB,
        [pltpu.SemaphoreType.DMA] * NB,
        [pltpu.SemaphoreType.DMA] * NB,
    ],
)
def _embed_sc(w0, w12, i0, i1, i2, out,
              i0_v, i1_v, i2_v, obuf, cbuf, gsems, csems, ssems):
    wid = lax.axis_index("s") * 2 + lax.axis_index("c")
    base = wid * BPW

    pltpu.sync_copy(i0.at[wid], i0_v)
    pltpu.sync_copy(i1.at[wid], i1_v)
    pltpu.sync_copy(i2.at[wid], i2_v)

    def _irow(iv, g):
        return iv.at[g >> 1, pl.ds((g & 1) * GR, GR)]

    def _fire_gathers(g, slot):
        pltpu.async_copy(w0.at[_irow(i0_v, g)], obuf.at[slot, :, pl.ds(0, 128)],
                         gsems[slot])
        pltpu.async_copy(w12.at[_irow(i1_v, g)],
                         obuf.at[slot, :, pl.ds(128, 128)], gsems[slot])
        pltpu.async_copy(w12.at[_irow(i2_v, g)], cbuf.at[slot], csems[slot])

    def _wait_gathers(g, slot):
        pltpu.make_async_copy(w0.at[_irow(i0_v, g)],
                              obuf.at[slot, :, pl.ds(0, 128)],
                              gsems[slot]).wait()
        pltpu.make_async_copy(w12.at[_irow(i1_v, g)],
                              obuf.at[slot, :, pl.ds(128, 128)],
                              gsems[slot]).wait()
        pltpu.make_async_copy(w12.at[_irow(i2_v, g)], cbuf.at[slot],
                              csems[slot]).wait()

    def _merge(slot):
        @pl.loop(0, GR, unroll=4)
        def _rows(r):
            for q in range(4):
                obuf[slot, r, pl.ds(192 + q * 16, 16)] = \
                    cbuf[slot, r, pl.ds(64 + q * 16, 16)]

    def _fire_scatter(g, slot):
        pltpu.async_copy(obuf.at[slot], out.at[pl.ds(base + g * GR, GR)],
                         ssems[slot])

    def _wait_scatter(g, slot):
        pltpu.make_async_copy(obuf.at[slot],
                              out.at[pl.ds(base + g * GR, GR)],
                              ssems[slot]).wait()

    for g in range(NB - 1):
        _fire_gathers(g, g)

    @pl.loop(0, NGROUPS, step=NB)
    def _groups(g0):
        for slot in range(NB):
            g = g0 + slot
            _wait_gathers(g, slot)
            _merge(slot)
            _fire_scatter(g, slot)
            slot_prev = (slot - 1) % NB
            @pl.when(g + NB - 1 < NGROUPS)
            def _():
                @pl.when(g >= 1)
                def _():
                    _wait_scatter(g - 1, slot_prev)
                _fire_gathers(g + NB - 1, slot_prev)

    for g in range(NGROUPS - NB, NGROUPS):
        _wait_scatter(g, g % NB)


def kernel(input, W0, W1, W2):
    inp = input.reshape(N, NFEAT).astype(jnp.int32)
    i0 = inp[:, 0].reshape(NW, NGROUPS // 2, 2 * GR)
    i1 = inp[:, 1].reshape(NW, NGROUPS // 2, 2 * GR)
    i2 = inp[:, 2].reshape(NW, NGROUPS // 2, 2 * GR)
    w12 = jnp.concatenate([W1, W2], axis=1)
    out = _embed_sc(W0, w12, i0, i1, i2)
    return out.reshape(L_SEQ, B, 256)

# --- scband reference (transcript-rebuilt; emitter-appended) ---
"""Pipeline reference for scband-embeddings-54434415510142 (READ-ONLY COPY).

The authoritative reference and input builder live on the scoring server;
editing this copy changes nothing except your own understanding.
"""

import jax, jax.numpy as jnp
import numpy as np

VOCABS = [100000, 1000, 1000]
DIMS = [128, 64, 64]
L, B, NFEAT = 200, 1024, 3


def setup_inputs(seed: int = 0) -> dict:
    key = jax.random.key(seed)
    k_idx, k0, k1, k2 = jax.random.split(key, 4)
    # index values must be in-range for the smallest vocab (1000)
    inp = jax.random.randint(k_idx, (L, B, NFEAT), 0, 1000)
    W0 = jax.random.normal(k0, (VOCABS[0], DIMS[0]), dtype=jnp.float32) * 0.02
    W1 = jax.random.normal(k1, (VOCABS[1], DIMS[1]), dtype=jnp.float32) * 0.02
    W2 = jax.random.normal(k2, (VOCABS[2], DIMS[2]), dtype=jnp.float32) * 0.02
    return {"input": inp, "W0": W0, "W1": W1, "W2": W2}


def reference(input, W0, W1, W2):
    # Elementwise: split input along last dim, look up each feature in its own
    # embedding table, concatenate along the embedding dimension.
    e0 = jnp.take(W0, input[..., 0], axis=0)  # [L, B, 128]
    e1 = jnp.take(W1, input[..., 1], axis=0)  # [L, B, 64]
    e2 = jnp.take(W2, input[..., 2], axis=0)  # [L, B, 64]
    return jnp.concatenate([e0, e1, e2], axis=-1)  # [L, B, 256]

if __name__ == "__main__":
    import jax
    _d = setup_inputs()
    print(jax.jit(kernel)(*tuple(_d.values())))

</pallas_src>

<mosaic_0001>
#map = affine_map<(d0, d1) -> (0, 0)>
#map1 = affine_map<(d0, d1) -> (0, 0, 0)>
module attributes {stable_mosaic.version = 14 : i64} {
  func.func @_embed_sc(%arg0: i32, %arg1: i32, %arg2: memref<100000x128xf32, #tpu.memory_space<hbm>>, %arg3: memref<1000x128xf32, #tpu.memory_space<hbm>>, %arg4: memref<32x50x128xi32, #tpu.memory_space<hbm>>, %arg5: memref<32x50x128xi32, #tpu.memory_space<hbm>>, %arg6: memref<32x50x128xi32, #tpu.memory_space<hbm>>, %arg7: memref<204800x256xf32, #tpu.memory_space<hbm>>, %arg8: memref<50x128xi32, #tpu.memory_space<vmem>>, %arg9: memref<50x128xi32, #tpu.memory_space<vmem>>, %arg10: memref<50x128xi32, #tpu.memory_space<vmem>>, %arg11: memref<4x64x256xf32, #tpu.memory_space<vmem>>, %arg12: memref<4x64x128xf32, #tpu.memory_space<vmem>>, %arg13: memref<!tpu.dma_semaphore, #tpu.memory_space<semaphore_mem>>, %arg14: memref<!tpu.dma_semaphore, #tpu.memory_space<semaphore_mem>>, %arg15: memref<!tpu.dma_semaphore, #tpu.memory_space<semaphore_mem>>, %arg16: memref<!tpu.dma_semaphore, #tpu.memory_space<semaphore_mem>>, %arg17: memref<!tpu.dma_semaphore, #tpu.memory_space<semaphore_mem>>, %arg18: memref<!tpu.dma_semaphore, #tpu.memory_space<semaphore_mem>>, %arg19: memref<!tpu.dma_semaphore, #tpu.memory_space<semaphore_mem>>, %arg20: memref<!tpu.dma_semaphore, #tpu.memory_space<semaphore_mem>>, %arg21: memref<!tpu.dma_semaphore, #tpu.memory_space<semaphore_mem>>, %arg22: memref<!tpu.dma_semaphore, #tpu.memory_space<semaphore_mem>>, %arg23: memref<!tpu.dma_semaphore, #tpu.memory_space<semaphore_mem>>, %arg24: memref<!tpu.dma_semaphore, #tpu.memory_space<semaphore_mem>>) attributes {dimension_semantics = [#tpu.dimension_semantics<core_parallel>, #tpu.dimension_semantics<subcore_parallel>], iteration_bounds = array<i64: 2, 16>, scalar_prefetch = 0 : i64, scratch_operands = 17 : i64, tpu.core_type = #tpu.core_type<sc_vector_subcore>, window_params = [{transform_indices = #map}, {transform_indices = #map}, {transform_indices = #map1}, {transform_indices = #map1}, {transform_indices = #map1}, {transform_indices = #map}]} {
    %mul3A = arith.constant 2 : i32
    %mul3A_0 = arith.muli %arg1, %mul3A : i32
    %add3A = arith.addi %mul3A_0, %arg0 : i32
    %mul3A_1 = arith.constant 6400 : i32
    %mul3A_2 = arith.muli %add3A, %mul3A_1 : i32
    "tpu.region"() ({
      %run_scoped3A = tpu.sem_alloc : memref<!tpu.dma_semaphore, #tpu.memory_space<semaphore_mem>>
      %dma_start3A_173 = arith.constant 0 : i32
      %dma_start3A_174 = arith.constant 0 : i32
      %dma_start3A_175 = tpu.memref_slice %arg4[%add3A, %dma_start3A_173, %dma_start3A_174] : memref<32x50x128xi32, #tpu.memory_space<hbm>> -> memref<1x50x128xi32, #tpu.memory_space<hbm>>
      %dma_start3A_176 = tpu.memref_squeeze %dma_start3A_175 : memref<1x50x128xi32, #tpu.memory_space<hbm>> -> memref<50x128xi32, #tpu.memory_space<hbm>>
      %dma_start3A_177 = arith.constant 0 : i32
      %dma_start3A_178 = arith.constant 0 : i32
      %dma_start3A_179 = tpu.memref_slice %arg4[%add3A, %dma_start3A_177, %dma_start3A_178] : memref<32x50x128xi32, #tpu.memory_space<hbm>> -> memref<1x50x128xi32, #tpu.memory_space<hbm>>
      %dma_start3A_180 = tpu.memref_squeeze %dma_start3A_179 : memref<1x50x128xi32, #tpu.memory_space<hbm>> -> memref<50x128xi32, #tpu.memory_space<hbm>>
      tpu.enqueue_dma source(%dma_start3A_180 : memref<50x128xi32, #tpu.memory_space<hbm>>) target(%arg8 : memref<50x128xi32, #tpu.memory_space<vmem>>) target_semaphore(%run_scoped3A : memref<!tpu.dma_semaphore, #tpu.memory_space<semaphore_mem>>)
      %dma_wait3A_181 = arith.constant 0 : i32
      %dma_wait3A_182 = arith.constant 0 : i32
      %dma_wait3A_183 = tpu.memref_slice %arg4[%add3A, %dma_wait3A_181, %dma_wait3A_182] : memref<32x50x128xi32, #tpu.memory_space<hbm>> -> memref<1x50x128xi32, #tpu.memory_space<hbm>>
      %dma_wait3A_184 = tpu.memref_squeeze %dma_wait3A_183 : memref<1x50x128xi32, #tpu.memory_space<hbm>> -> memref<50x128xi32, #tpu.memory_space<hbm>>
      %dma_wait3A_185 = arith.constant 0 : i32
      %dma_wait3A_186 = arith.constant 0 : i32
      %dma_wait3A_187 = tpu.memref_slice %arg4[%add3A, %dma_wait3A_185, %dma_wait3A_186] : memref<32x50x128xi32, #tpu.memory_space<hbm>> -> memref<1x50x128xi32, #tpu.memory_space<hbm>>
      %dma_wait3A_188 = tpu.memref_squeeze %dma_wait3A_187 : memref<1x50x128xi32, #tpu.memory_space<hbm>> -> memref<50x128xi32, #tpu.memory_space<hbm>>
      tpu.wait_dma2 semaphore(%run_scoped3A : memref<!tpu.dma_semaphore, #tpu.memory_space<semaphore_mem>>) src(%dma_wait3A_188 : memref<50x128xi32, #tpu.memory_space<hbm>>) dst(%arg8 : memref<50x128xi32, #tpu.memory_space<vmem>>)
      tpu.yield
    }) : () -> ()
    "tpu.region"() ({
      %run_scoped3A = tpu.sem_alloc : memref<!tpu.dma_semaphore, #tpu.memory_space<semaphore_mem>>
      %dma_start3A_173 = arith.constant 0 : i32
      %dma_start3A_174 = arith.constant 0 : i32
      %dma_start3A_175 = tpu.memref_slice %arg5[%add3A, %dma_start3A_173, %dma_start3A_174] : memref<32x50x128xi32, #tpu.memory_space<hbm>> -> memref<1x50x128xi32, #tpu.memory_space<hbm>>
      %dma_start3A_176 = tpu.memref_squeeze %dma_start3A_175 : memref<1x50x128xi32, #tpu.memory_space<hbm>> -> memref<50x128xi32, #tpu.memory_space<hbm>>
      %dma_start3A_177 = arith.constant 0 : i32
      %dma_start3A_178 = arith.constant 0 : i32
      %dma_start3A_179 = tpu.memref_slice %arg5[%add3A, %dma_start3A_177, %dma_start3A_178] : memref<32x50x128xi32, #tpu.memory_space<hbm>> -> memref<1x50x128xi32, #tpu.memory_space<hbm>>
      %dma_start3A_180 = tpu.memref_squeeze %dma_start3A_179 : memref<1x50x128xi32, #tpu.memory_space<hbm>> -> memref<50x128xi32, #tpu.memory_space<hbm>>
      tpu.enqueue_dma source(%dma_start3A_180 : memref<50x128xi32, #tpu.memory_space<hbm>>) target(%arg9 : memref<50x128xi32, #tpu.memory_space<vmem>>) target_semaphore(%run_scoped3A : memref<!tpu.dma_semaphore, #tpu.memory_space<semaphore_mem>>)
      %dma_wait3A_181 = arith.constant 0 : i32
      %dma_wait3A_182 = arith.constant 0 : i32
      %dma_wait3A_183 = tpu.memref_slice %arg5[%add3A, %dma_wait3A_181, %dma_wait3A_182] : memref<32x50x128xi32, #tpu.memory_space<hbm>> -> memref<1x50x128xi32, #tpu.memory_space<hbm>>
      %dma_wait3A_184 = tpu.memref_squeeze %dma_wait3A_183 : memref<1x50x128xi32, #tpu.memory_space<hbm>> -> memref<50x128xi32, #tpu.memory_space<hbm>>
      %dma_wait3A_185 = arith.constant 0 : i32
      %dma_wait3A_186 = arith.constant 0 : i32
      %dma_wait3A_187 = tpu.memref_slice %arg5[%add3A, %dma_wait3A_185, %dma_wait3A_186] : memref<32x50x128xi32, #tpu.memory_space<hbm>> -> memref<1x50x128xi32, #tpu.memory_space<hbm>>
      %dma_wait3A_188 = tpu.memref_squeeze %dma_wait3A_187 : memref<1x50x128xi32, #tpu.memory_space<hbm>> -> memref<50x128xi32, #tpu.memory_space<hbm>>
      tpu.wait_dma2 semaphore(%run_scoped3A : memref<!tpu.dma_semaphore, #tpu.memory_space<semaphore_mem>>) src(%dma_wait3A_188 : memref<50x128xi32, #tpu.memory_space<hbm>>) dst(%arg9 : memref<50x128xi32, #tpu.memory_space<vmem>>)
      tpu.yield
    }) : () -> ()
    "tpu.region"() ({
      %run_scoped3A = tpu.sem_alloc : memref<!tpu.dma_semaphore, #tpu.memory_space<semaphore_mem>>
      %dma_start3A_173 = arith.constant 0 : i32
      %dma_start3A_174 = arith.constant 0 : i32
      %dma_start3A_175 = tpu.memref_slice %arg6[%add3A, %dma_start3A_173, %dma_start3A_174] : memref<32x50x128xi32, #tpu.memory_space<hbm>> -> memref<1x50x128xi32, #tpu.memory_space<hbm>>
      %dma_start3A_176 = tpu.memref_squeeze %dma_start3A_175 : memref<1x50x128xi32, #tpu.memory_space<hbm>> -> memref<50x128xi32, #tpu.memory_space<hbm>>
      %dma_start3A_177 = arith.constant 0 : i32
      %dma_start3A_178 = arith.constant 0 : i32
      %dma_start3A_179 = tpu.memref_slice %arg6[%add3A, %dma_start3A_177, %dma_start3A_178] : memref<32x50x128xi32, #tpu.memory_space<hbm>> -> memref<1x50x128xi32, #tpu.memory_space<hbm>>
      %dma_start3A_180 = tpu.memref_squeeze %dma_start3A_179 : memref<1x50x128xi32, #tpu.memory_space<hbm>> -> memref<50x128xi32, #tpu.memory_space<hbm>>
      tpu.enqueue_dma source(%dma_start3A_180 : memref<50x128xi32, #tpu.memory_space<hbm>>) target(%arg10 : memref<50x128xi32, #tpu.memory_space<vmem>>) target_semaphore(%run_scoped3A : memref<!tpu.dma_semaphore, #tpu.memory_space<semaphore_mem>>)
      %dma_wait3A_181 = arith.constant 0 : i32
      %dma_wait3A_182 = arith.constant 0 : i32
      %dma_wait3A_183 = tpu.memref_slice %arg6[%add3A, %dma_wait3A_181, %dma_wait3A_182] : memref<32x50x128xi32, #tpu.memory_space<hbm>> -> memref<1x50x128xi32, #tpu.memory_space<hbm>>
      %dma_wait3A_184 = tpu.memref_squeeze %dma_wait3A_183 : memref<1x50x128xi32, #tpu.memory_space<hbm>> -> memref<50x128xi32, #tpu.memory_space<hbm>>
      %dma_wait3A_185 = arith.constant 0 : i32
      %dma_wait3A_186 = arith.constant 0 : i32
      %dma_wait3A_187 = tpu.memref_slice %arg6[%add3A, %dma_wait3A_185, %dma_wait3A_186] : memref<32x50x128xi32, #tpu.memory_space<hbm>> -> memref<1x50x128xi32, #tpu.memory_space<hbm>>
      %dma_wait3A_188 = tpu.memref_squeeze %dma_wait3A_187 : memref<1x50x128xi32, #tpu.memory_space<hbm>> -> memref<50x128xi32, #tpu.memory_space<hbm>>
      tpu.wait_dma2 semaphore(%run_scoped3A : memref<!tpu.dma_semaphore, #tpu.memory_space<semaphore_mem>>) src(%dma_wait3A_188 : memref<50x128xi32, #tpu.memory_space<hbm>>) dst(%arg10 : memref<50x128xi32, #tpu.memory_space<vmem>>)
      tpu.yield
    }) : () -> ()
    %dma_start3A = arith.constant 0 : i32
    %dma_start3A_3 = arith.constant 0 : i32
    %dma_start3A_4 = arith.constant 0 : i32
    %dma_start3A_5 = arith.constant 0 : i32
    %dma_start3A_6 = tpu.memref_slice %arg11[%dma_start3A_3, %dma_start3A_4, %dma_start3A_5] : memref<4x64x256xf32, #tpu.memory_space<vmem>> -> memref<1x64x128xf32, #tpu.memory_space<vmem>>
    %dma_start3A_7 = tpu.memref_squeeze %dma_start3A_6 : memref<1x64x128xf32, #tpu.memory_space<vmem>> -> memref<64x128xf32, #tpu.memory_space<vmem>>
    %dma_start3A_8 = arith.constant 0 : i32
    %dma_start3A_9 = tpu.memref_slice %arg8[%dma_start3A, %dma_start3A_8] : memref<50x128xi32, #tpu.memory_space<vmem>> -> memref<1x64xi32, #tpu.memory_space<vmem>>
    %dma_start3A_10 = tpu.memref_squeeze %dma_start3A_9 : memref<1x64xi32, #tpu.memory_space<vmem>> -> memref<64xi32, #tpu.memory_space<vmem>>
    %dma_start3A_11 = arith.constant 0 : i32
    %dma_start3A_12 = arith.constant 0 : i32
    %dma_start3A_13 = tpu.memref_slice %arg2[%dma_start3A_11, %dma_start3A_12] : memref<100000x128xf32, #tpu.memory_space<hbm>> -> memref<100000x128xf32, #tpu.memory_space<hbm>>
    tpu.enqueue_indirect_dma source(%dma_start3A_13 : memref<100000x128xf32, #tpu.memory_space<hbm>>) target(%dma_start3A_7 : memref<64x128xf32, #tpu.memory_space<vmem>>) offsets(%dma_start3A_10 : memref<64xi32, #tpu.memory_space<vmem>>) semaphore(%arg13 : memref<!tpu.dma_semaphore, #tpu.memory_space<semaphore_mem>>)
    %dma_start3A_14 = arith.constant 0 : i32
    %dma_start3A_15 = arith.constant 0 : i32
    %dma_start3A_16 = arith.constant 0 : i32
    %dma_start3A_17 = arith.constant 128 : i32
    %dma_start3A_18 = tpu.memref_slice %arg11[%dma_start3A_15, %dma_start3A_16, %dma_start3A_17] : memref<4x64x256xf32, #tpu.memory_space<vmem>> -> memref<1x64x128xf32, #tpu.memory_space<vmem>>
    %dma_start3A_19 = tpu.memref_squeeze %dma_start3A_18 : memref<1x64x128xf32, #tpu.memory_space<vmem>> -> memref<64x128xf32, #tpu.memory_space<vmem>>
    %dma_start3A_20 = arith.constant 0 : i32
    %dma_start3A_21 = tpu.memref_slice %arg9[%dma_start3A_14, %dma_start3A_20] : memref<50x128xi32, #tpu.memory_space<vmem>> -> memref<1x64xi32, #tpu.memory_space<vmem>>
    %dma_start3A_22 = tpu.memref_squeeze %dma_start3A_21 : memref<1x64xi32, #tpu.memory_space<vmem>> -> memref<64xi32, #tpu.memory_space<vmem>>
    %dma_start3A_23 = arith.constant 0 : i32
    %dma_start3A_24 = arith.constant 0 : i32
    %dma_start3A_25 = tpu.memref_slice %arg3[%dma_start3A_23, %dma_start3A_24] : memref<1000x128xf32, #tpu.memory_space<hbm>> -> memref<1000x128xf32, #tpu.memory_space<hbm>>
    tpu.enqueue_indirect_dma source(%dma_start3A_25 : memref<1000x128xf32, #tpu.memory_space<hbm>>) target(%dma_start3A_19 : memref<64x128xf32, #tpu.memory_space<vmem>>) offsets(%dma_start3A_22 : memref<64xi32, #tpu.memory_space<vmem>>) semaphore(%arg13 : memref<!tpu.dma_semaphore, #tpu.memory_space<semaphore_mem>>)
    %dma_start3A_26 = arith.constant 0 : i32
    %dma_start3A_27 = arith.constant 0 : i32
    %dma_start3A_28 = arith.constant 0 : i32
    %dma_start3A_29 = arith.constant 0 : i32
    %dma_start3A_30 = tpu.memref_slice %arg12[%dma_start3A_27, %dma_start3A_28, %dma_start3A_29] : memref<4x64x128xf32, #tpu.memory_space<vmem>> -> memref<1x64x128xf32, #tpu.memory_space<vmem>>
    %dma_start3A_31 = tpu.memref_squeeze %dma_start3A_30 : memref<1x64x128xf32, #tpu.memory_space<vmem>> -> memref<64x128xf32, #tpu.memory_space<vmem>>
    %dma_start3A_32 = arith.constant 0 : i32
    %dma_start3A_33 = tpu.memref_slice %arg10[%dma_start3A_26, %dma_start3A_32] : memref<50x128xi32, #tpu.memory_space<vmem>> -> memref<1x64xi32, #tpu.memory_space<vmem>>
    %dma_start3A_34 = tpu.memref_squeeze %dma_start3A_33 : memref<1x64xi32, #tpu.memory_space<vmem>> -> memref<64xi32, #tpu.memory_space<vmem>>
    %dma_start3A_35 = arith.constant 0 : i32
    %dma_start3A_36 = arith.constant 0 : i32
    %dma_start3A_37 = tpu.memref_slice %arg3[%dma_start3A_35, %dma_start3A_36] : memref<1000x128xf32, #tpu.memory_space<hbm>> -> memref<1000x128xf32, #tpu.memory_space<hbm>>
    tpu.enqueue_indirect_dma source(%dma_start3A_37 : memref<1000x128xf32, #tpu.memory_space<hbm>>) target(%dma_start3A_31 : memref<64x128xf32, #tpu.memory_space<vmem>>) offsets(%dma_start3A_34 : memref<64xi32, #tpu.memory_space<vmem>>) semaphore(%arg17 : memref<!tpu.dma_semaphore, #tpu.memory_space<semaphore_mem>>)
    %dma_start3A_38 = arith.constant 0 : i32
    %dma_start3A_39 = arith.constant 1 : i32
    %dma_start3A_40 = arith.constant 0 : i32
    %dma_start3A_41 = arith.constant 0 : i32
    %dma_start3A_42 = tpu.memref_slice %arg11[%dma_start3A_39, %dma_start3A_40, %dma_start3A_41] : memref<4x64x256xf32, #tpu.memory_space<vmem>> -> memref<1x64x128xf32, #tpu.memory_space<vmem>>
    %dma_start3A_43 = tpu.memref_squeeze %dma_start3A_42 : memref<1x64x128xf32, #tpu.memory_space<vmem>> -> memref<64x128xf32, #tpu.memory_space<vmem>>
    %dma_start3A_44 = arith.constant 64 : i32
    %dma_start3A_45 = tpu.memref_slice %arg8[%dma_start3A_38, %dma_start3A_44] : memref<50x128xi32, #tpu.memory_space<vmem>> -> memref<1x64xi32, #tpu.memory_space<vmem>>
    %dma_start3A_46 = tpu.memref_squeeze %dma_start3A_45 : memref<1x64xi32, #tpu.memory_space<vmem>> -> memref<64xi32, #tpu.memory_space<vmem>>
    %dma_start3A_47 = arith.constant 0 : i32
    %dma_start3A_48 = arith.constant 0 : i32
    %dma_start3A_49 = tpu.memref_slice %arg2[%dma_start3A_47, %dma_start3A_48] : memref<100000x128xf32, #tpu.memory_space<hbm>> -> memref<100000x128xf32, #tpu.memory_space<hbm>>
    tpu.enqueue_indirect_dma source(%dma_start3A_49 : memref<100000x128xf32, #tpu.memory_space<hbm>>) target(%dma_start3A_43 : memref<64x128xf32, #tpu.memory_space<vmem>>) offsets(%dma_start3A_46 : memref<64xi32, #tpu.memory_space<vmem>>) semaphore(%arg14 : memref<!tpu.dma_semaphore, #tpu.memory_space<semaphore_mem>>)
    %dma_start3A_50 = arith.constant 0 : i32
    %dma_start3A_51 = arith.constant 1 : i32
    %dma_start3A_52 = arith.constant 0 : i32
    %dma_start3A_53 = arith.constant 128 : i32
    %dma_start3A_54 = tpu.memref_slice %arg11[%dma_start3A_51, %dma_start3A_52, %dma_start3A_53] : memref<4x64x256xf32, #tpu.memory_space<vmem>> -> memref<1x64x128xf32, #tpu.memory_space<vmem>>
    %dma_start3A_55 = tpu.memref_squeeze %dma_start3A_54 : memref<1x64x128xf32, #tpu.memory_space<vmem>> -> memref<64x128xf32, #tpu.memory_space<vmem>>
    %dma_start3A_56 = arith.constant 64 : i32
    %dma_start3A_57 = tpu.memref_slice %arg9[%dma_start3A_50, %dma_start3A_56] : memref<50x128xi32, #tpu.memory_space<vmem>> -> memref<1x64xi32, #tpu.memory_space<vmem>>
    %dma_start3A_58 = tpu.memref_squeeze %dma_start3A_57 : memref<1x64xi32, #tpu.memory_space<vmem>> -> memref<64xi32, #tpu.memory_space<vmem>>
    %dma_start3A_59 = arith.constant 0 : i32
    %dma_start3A_60 = arith.constant 0 : i32
    %dma_start3A_61 = tpu.memref_slice %arg3[%dma_start3A_59, %dma_start3A_60] : memref<1000x128xf32, #tpu.memory_space<hbm>> -> memref<1000x128xf32, #tpu.memory_space<hbm>>
    tpu.enqueue_indirect_dma source(%dma_start3A_61 : memref<1000x128xf32, #tpu.memory_space<hbm>>) target(%dma_start3A_55 : memref<64x128xf32, #tpu.memory_space<vmem>>) offsets(%dma_start3A_58 : memref<64xi32, #tpu.memory_space<vmem>>) semaphore(%arg14 : memref<!tpu.dma_semaphore, #tpu.memory_space<semaphore_mem>>)
    %dma_start3A_62 = arith.constant 0 : i32
    %dma_start3A_63 = arith.constant 1 : i32
    %dma_start3A_64 = arith.constant 0 : i32
    %dma_start3A_65 = arith.constant 0 : i32
    %dma_start3A_66 = tpu.memref_slice %arg12[%dma_start3A_63, %dma_start3A_64, %dma_start3A_65] : memref<4x64x128xf32, #tpu.memory_space<vmem>> -> memref<1x64x128xf32, #tpu.memory_space<vmem>>
    %dma_start3A_67 = tpu.memref_squeeze %dma_start3A_66 : memref<1x64x128xf32, #tpu.memory_space<vmem>> -> memref<64x128xf32, #tpu.memory_space<vmem>>
    %dma_start3A_68 = arith.constant 64 : i32
    %dma_start3A_69 = tpu.memref_slice %arg10[%dma_start3A_62, %dma_start3A_68] : memref<50x128xi32, #tpu.memory_space<vmem>> -> memref<1x64xi32, #tpu.memory_space<vmem>>
    %dma_start3A_70 = tpu.memref_squeeze %dma_start3A_69 : memref<1x64xi32, #tpu.memory_space<vmem>> -> memref<64xi32, #tpu.memory_space<vmem>>
    %dma_start3A_71 = arith.constant 0 : i32
    %dma_start3A_72 = arith.constant 0 : i32
    %dma_start3A_73 = tpu.memref_slice %arg3[%dma_start3A_71, %dma_start3A_72] : memref<1000x128xf32, #tpu.memory_space<hbm>> -> memref<1000x128xf32, #tpu.memory_space<hbm>>
    tpu.enqueue_indirect_dma source(%dma_start3A_73 : memref<1000x128xf32, #tpu.memory_space<hbm>>) target(%dma_start3A_67 : memref<64x128xf32, #tpu.memory_space<vmem>>) offsets(%dma_start3A_70 : memref<64xi32, #tpu.memory_space<vmem>>) semaphore(%arg18 : memref<!tpu.dma_semaphore, #tpu.memory_space<semaphore_mem>>)
    %dma_start3A_74 = arith.constant 1 : i32
    %dma_start3A_75 = arith.constant 2 : i32
    %dma_start3A_76 = arith.constant 0 : i32
    %dma_start3A_77 = arith.constant 0 : i32
    %dma_start3A_78 = tpu.memref_slice %arg11[%dma_start3A_75, %dma_start3A_76, %dma_start3A_77] : memref<4x64x256xf32, #tpu.memory_space<vmem>> -> memref<1x64x128xf32, #tpu.memory_space<vmem>>
    %dma_start3A_79 = tpu.memref_squeeze %dma_start3A_78 : memref<1x64x128xf32, #tpu.memory_space<vmem>> -> memref<64x128xf32, #tpu.memory_space<vmem>>
    %dma_start3A_80 = arith.constant 0 : i32
    %dma_start3A_81 = tpu.memref_slice %arg8[%dma_start3A_74, %dma_start3A_80] : memref<50x128xi32, #tpu.memory_space<vmem>> -> memref<1x64xi32, #tpu.memory_space<vmem>>
    %dma_start3A_82 = tpu.memref_squeeze %dma_start3A_81 : memref<1x64xi32, #tpu.memory_space<vmem>> -> memref<64xi32, #tpu.memory_space<vmem>>
    %dma_start3A_83 = arith.constant 0 : i32
    %dma_start3A_84 = arith.constant 0 : i32
    %dma_start3A_85 = tpu.memref_slice %arg2[%dma_start3A_83, %dma_start3A_84] : memref<100000x128xf32, #tpu.memory_space<hbm>> -> memref<100000x128xf32, #tpu.memory_space<hbm>>
    tpu.enqueue_indirect_dma source(%dma_start3A_85 : memref<100000x128xf32, #tpu.memory_space<hbm>>) target(%dma_start3A_79 : memref<64x128xf32, #tpu.memory_space<vmem>>) offsets(%dma_start3A_82 : memref<64xi32, #tpu.memory_space<vmem>>) semaphore(%arg15 : memref<!tpu.dma_semaphore, #tpu.memory_space<semaphore_mem>>)
    %dma_start3A_86 = arith.constant 1 : i32
    %dma_start3A_87 = arith.constant 2 : i32
    %dma_start3A_88 = arith.constant 0 : i32
    %dma_start3A_89 = arith.constant 128 : i32
    %dma_start3A_90 = tpu.memref_slice %arg11[%dma_start3A_87, %dma_start3A_88, %dma_start3A_89] : memref<4x64x256xf32, #tpu.memory_space<vmem>> -> memref<1x64x128xf32, #tpu.memory_space<vmem>>
    %dma_start3A_91 = tpu.memref_squeeze %dma_start3A_90 : memref<1x64x128xf32, #tpu.memory_space<vmem>> -> memref<64x128xf32, #tpu.memory_space<vmem>>
    %dma_start3A_92 = arith.constant 0 : i32
    %dma_start3A_93 = tpu.memref_slice %arg9[%dma_start3A_86, %dma_start3A_92] : memref<50x128xi32, #tpu.memory_space<vmem>> -> memref<1x64xi32, #tpu.memory_space<vmem>>
    %dma_start3A_94 = tpu.memref_squeeze %dma_start3A_93 : memref<1x64xi32, #tpu.memory_space<vmem>> -> memref<64xi32, #tpu.memory_space<vmem>>
    %dma_start3A_95 = arith.constant 0 : i32
    %dma_start3A_96 = arith.constant 0 : i32
    %dma_start3A_97 = tpu.memref_slice %arg3[%dma_start3A_95, %dma_start3A_96] : memref<1000x128xf32, #tpu.memory_space<hbm>> -> memref<1000x128xf32, #tpu.memory_space<hbm>>
    tpu.enqueue_indirect_dma source(%dma_start3A_97 : memref<1000x128xf32, #tpu.memory_space<hbm>>) target(%dma_start3A_91 : memref<64x128xf32, #tpu.memory_space<vmem>>) offsets(%dma_start3A_94 : memref<64xi32, #tpu.memory_space<vmem>>) semaphore(%arg15 : memref<!tpu.dma_semaphore, #tpu.memory_space<semaphore_mem>>)
    %dma_start3A_98 = arith.constant 1 : i32
    %dma_start3A_99 = arith.constant 2 : i32
    %dma_start3A_100 = arith.constant 0 : i32
    %dma_start3A_101 = arith.constant 0 : i32
    %dma_start3A_102 = tpu.memref_slice %arg12[%dma_start3A_99, %dma_start3A_100, %dma_start3A_101] : memref<4x64x128xf32, #tpu.memory_space<vmem>> -> memref<1x64x128xf32, #tpu.memory_space<vmem>>
    %dma_start3A_103 = tpu.memref_squeeze %dma_start3A_102 : memref<1x64x128xf32, #tpu.memory_space<vmem>> -> memref<64x128xf32, #tpu.memory_space<vmem>>
    %dma_start3A_104 = arith.constant 0 : i32
    %dma_start3A_105 = tpu.memref_slice %arg10[%dma_start3A_98, %dma_start3A_104] : memref<50x128xi32, #tpu.memory_space<vmem>> -> memref<1x64xi32, #tpu.memory_space<vmem>>
    %dma_start3A_106 = tpu.memref_squeeze %dma_start3A_105 : memref<1x64xi32, #tpu.memory_space<vmem>> -> memref<64xi32, #tpu.memory_space<vmem>>
    %dma_start3A_107 = arith.constant 0 : i32
    %dma_start3A_108 = arith.constant 0 : i32
    %dma_start3A_109 = tpu.memref_slice %arg3[%dma_start3A_107, %dma_start3A_108] : memref<1000x128xf32, #tpu.memory_space<hbm>> -> memref<1000x128xf32, #tpu.memory_space<hbm>>
    tpu.enqueue_indirect_dma source(%dma_start3A_109 : memref<1000x128xf32, #tpu.memory_space<hbm>>) target(%dma_start3A_103 : memref<64x128xf32, #tpu.memory_space<vmem>>) offsets(%dma_start3A_106 : memref<64xi32, #tpu.memory_space<vmem>>) semaphore(%arg19 : memref<!tpu.dma_semaphore, #tpu.memory_space<semaphore_mem>>)
    %scan3A = arith.constant 0 : i32
    %scan3A_110 = arith.constant 25 : i32
    %scan3A_111 = arith.addi %scan3A, %scan3A_110 : i32
    %scan3A_112 = arith.constant 1 : i32
    scf.for %scan3A_173 = %scan3A to %scan3A_111 step %scan3A_112  : i32 {
      %mul3A_174 = arith.constant 4 : i32
      %mul3A_175 = arith.muli %scan3A_173, %mul3A_174 : i32
      %add3A_176 = arith.constant 0 : i32
      %add3A_177 = arith.addi %add3A_176, %mul3A_175 : i32
      %add3A_178 = arith.constant 0 : i32
      %add3A_179 = arith.addi %add3A_177, %add3A_178 : i32
      %shift_right_arithmetic3A = arith.constant 1 : i32
      %shift_right_arithmetic3A_180 = arith.shrsi %add3A_179, %shift_right_arithmetic3A : i32
      %and3A = arith.constant 1 : i32
      %and3A_181 = arith.andi %add3A_179, %and3A : i32
      %mul3A_182 = arith.constant 64 : i32
      %mul3A_183 = arith.muli %and3A_181, %mul3A_182 : i32
      %dma_wait3A_184 = arith.constant 0 : i32
      %dma_wait3A_185 = arith.constant 0 : i32
      %dma_wait3A_186 = arith.constant 0 : i32
      %dma_wait3A_187 = tpu.memref_slice %arg11[%dma_wait3A_184, %dma_wait3A_185, %dma_wait3A_186] : memref<4x64x256xf32, #tpu.memory_space<vmem>> -> memref<1x64x128xf32, #tpu.memory_space<vmem>>
      %dma_wait3A_188 = tpu.memref_squeeze %dma_wait3A_187 : memref<1x64x128xf32, #tpu.memory_space<vmem>> -> memref<64x128xf32, #tpu.memory_space<vmem>>
      %dma_wait3A_189 = tpu.memref_slice %arg8[%shift_right_arithmetic3A_180, %mul3A_183] : memref<50x128xi32, #tpu.memory_space<vmem>> -> memref<1x64xi32, #tpu.memory_space<vmem>>
      %dma_wait3A_190 = tpu.memref_squeeze %dma_wait3A_189 : memref<1x64xi32, #tpu.memory_space<vmem>> -> memref<64xi32, #tpu.memory_space<vmem>>
      %dma_wait3A_191 = arith.constant 0 : i32
      %dma_wait3A_192 = arith.constant 0 : i32
      %dma_wait3A_193 = tpu.memref_slice %arg2[%dma_wait3A_191, %dma_wait3A_192] : memref<100000x128xf32, #tpu.memory_space<hbm>> -> memref<100000x128xf32, #tpu.memory_space<hbm>>
      tpu.wait_indirect_dma semaphore(%arg13 : memref<!tpu.dma_semaphore, #tpu.memory_space<semaphore_mem>>) src(%dma_wait3A_193 : memref<100000x128xf32, #tpu.memory_space<hbm>>) dst(%dma_wait3A_188 : memref<64x128xf32, #tpu.memory_space<vmem>>)
      %shift_right_arithmetic3A_194 = arith.constant 1 : i32
      %shift_right_arithmetic3A_195 = arith.shrsi %add3A_179, %shift_right_arithmetic3A_194 : i32
      %and3A_196 = arith.constant 1 : i32
      %and3A_197 = arith.andi %add3A_179, %and3A_196 : i32
      %mul3A_198 = arith.constant 64 : i32
      %mul3A_199 = arith.muli %and3A_197, %mul3A_198 : i32
      %dma_wait3A_200 = arith.constant 0 : i32
      %dma_wait3A_201 = arith.constant 0 : i32
      %dma_wait3A_202 = arith.constant 128 : i32
      %dma_wait3A_203 = tpu.memref_slice %arg11[%dma_wait3A_200, %dma_wait3A_201, %dma_wait3A_202] : memref<4x64x256xf32, #tpu.memory_space<vmem>> -> memref<1x64x128xf32, #tpu.memory_space<vmem>>
      %dma_wait3A_204 = tpu.memref_squeeze %dma_wait3A_203 : memref<1x64x128xf32, #tpu.memory_space<vmem>> -> memref<64x128xf32, #tpu.memory_space<vmem>>
      %dma_wait3A_205 = tpu.memref_slice %arg9[%shift_right_arithmetic3A_195, %mul3A_199] : memref<50x128xi32, #tpu.memory_space<vmem>> -> memref<1x64xi32, #tpu.memory_space<vmem>>
      %dma_wait3A_206 = tpu.memref_squeeze %dma_wait3A_205 : memref<1x64xi32, #tpu.memory_space<vmem>> -> memref<64xi32, #tpu.memory_space<vmem>>
      %dma_wait3A_207 = arith.constant 0 : i32
      %dma_wait3A_208 = arith.constant 0 : i32
      %dma_wait3A_209 = tpu.memref_slice %arg3[%dma_wait3A_207, %dma_wait3A_208] : memref<1000x128xf32, #tpu.memory_space<hbm>> -> memref<1000x128xf32, #tpu.memory_space<hbm>>
      tpu.wait_indirect_dma semaphore(%arg13 : memref<!tpu.dma_semaphore, #tpu.memory_space<semaphore_mem>>) src(%dma_wait3A_209 : memref<1000x128xf32, #tpu.memory_space<hbm>>) dst(%dma_wait3A_204 : memref<64x128xf32, #tpu.memory_space<vmem>>)
      %shift_right_arithmetic3A_210 = arith.constant 1 : i32
      %shift_right_arithmetic3A_211 = arith.shrsi %add3A_179, %shift_right_arithmetic3A_210 : i32
      %and3A_212 = arith.constant 1 : i32
      %and3A_213 = arith.andi %add3A_179, %and3A_212 : i32
      %mul3A_214 = arith.constant 64 : i32
      %mul3A_215 = arith.muli %and3A_213, %mul3A_214 : i32
      %dma_wait3A_216 = arith.constant 0 : i32
      %dma_wait3A_217 = arith.constant 0 : i32
      %dma_wait3A_218 = arith.constant 0 : i32
      %dma_wait3A_219 = tpu.memref_slice %arg12[%dma_wait3A_216, %dma_wait3A_217, %dma_wait3A_218] : memref<4x64x128xf32, #tpu.memory_space<vmem>> -> memref<1x64x128xf32, #tpu.memory_space<vmem>>
      %dma_wait3A_220 = tpu.memref_squeeze %dma_wait3A_219 : memref<1x64x128xf32, #tpu.memory_space<vmem>> -> memref<64x128xf32, #tpu.memory_space<vmem>>
      %dma_wait3A_221 = tpu.memref_slice %arg10[%shift_right_arithmetic3A_211, %mul3A_215] : memref<50x128xi32, #tpu.memory_space<vmem>> -> memref<1x64xi32, #tpu.memory_space<vmem>>
      %dma_wait3A_222 = tpu.memref_squeeze %dma_wait3A_221 : memref<1x64xi32, #tpu.memory_space<vmem>> -> memref<64xi32, #tpu.memory_space<vmem>>
      %dma_wait3A_223 = arith.constant 0 : i32
      %dma_wait3A_224 = arith.constant 0 : i32
      %dma_wait3A_225 = tpu.memref_slice %arg3[%dma_wait3A_223, %dma_wait3A_224] : memref<1000x128xf32, #tpu.memory_space<hbm>> -> memref<1000x128xf32, #tpu.memory_space<hbm>>
      tpu.wait_indirect_dma semaphore(%arg17 : memref<!tpu.dma_semaphore, #tpu.memory_space<semaphore_mem>>) src(%dma_wait3A_225 : memref<1000x128xf32, #tpu.memory_space<hbm>>) dst(%dma_wait3A_220 : memref<64x128xf32, #tpu.memory_space<vmem>>)
      %scan3A_226 = arith.constant 0 : i32
      %scan3A_227 = arith.constant 64 : i32
      %scan3A_228 = arith.addi %scan3A_226, %scan3A_227 : i32
      %scan3A_229 = arith.constant 4 : i32
      scf.for %scan3A_492 = %scan3A_226 to %scan3A_228 step %scan3A_229  : i32 {
        %mul3A_493 = arith.constant 1 : i32
        %mul3A_494 = arith.muli %scan3A_492, %mul3A_493 : i32
        %add3A_495 = arith.constant 0 : i32
        %add3A_496 = arith.addi %add3A_495, %mul3A_494 : i32
        %get3A = arith.constant 0 : i32
        %get3A_497 = arith.index_cast %get3A : i32 to index
        %get3A_498 = arith.index_cast %add3A_496 : i32 to index
        %get3A_499 = arith.constant 64 : index
        %get3A_500 = tpu.vector_load %arg12[%get3A_497, %get3A_498, %get3A_499] {strides = array<i32>} : memref<4x64x128xf32, #tpu.memory_space<vmem>>, vector<1x1x16xf32>,
        %get3A_501 = vector.shape_cast %get3A_500 : vector<1x1x16xf32> to vector<16xf32>
        %swap3A = arith.constant 0 : i32
        %swap3A_502 = arith.index_cast %swap3A : i32 to index
        %swap3A_503 = arith.index_cast %add3A_496 : i32 to index
        %swap3A_504 = arith.constant 192 : index
        %swap3A_505 = tpu.vector_load %arg11[%swap3A_502, %swap3A_503, %swap3A_504] {strides = array<i32>} : memref<4x64x256xf32, #tpu.memory_space<vmem>>, vector<1x1x16xf32>,
        %swap3A_506 = vector.shape_cast %swap3A_505 : vector<1x1x16xf32> to vector<16xf32>
        %swap3A_507 = vector.shape_cast %get3A_501 : vector<16xf32> to vector<1x1x16xf32>
        tpu.vector_store %arg11[%swap3A_502, %swap3A_503, %swap3A_504], %swap3A_507 {strides = array<i32>} : memref<4x64x256xf32, #tpu.memory_space<vmem>>, vector<1x1x16xf32>,
        %get3A_508 = arith.constant 0 : i32
        %get3A_509 = arith.index_cast %get3A_508 : i32 to index
        %get3A_510 = arith.index_cast %add3A_496 : i32 to index
        %get3A_511 = arith.constant 80 : index
        %get3A_512 = tpu.vector_load %arg12[%get3A_509, %get3A_510, %get3A_511] {strides = array<i32>} : memref<4x64x128xf32, #tpu.memory_space<vmem>>, vector<1x1x16xf32>,
        %get3A_513 = vector.shape_cast %get3A_512 : vector<1x1x16xf32> to vector<16xf32>
        %swap3A_514 = arith.constant 0 : i32
        %swap3A_515 = arith.index_cast %swap3A_514 : i32 to index
        %swap3A_516 = arith.index_cast %add3A_496 : i32 to index
        %swap3A_517 = arith.constant 208 : index
        %swap3A_518 = tpu.vector_load %arg11[%swap3A_515, %swap3A_516, %swap3A_517] {strides = array<i32>} : memref<4x64x256xf32, #tpu.memory_space<vmem>>, vector<1x1x16xf32>,
        %swap3A_519 = vector.shape_cast %swap3A_518 : vector<1x1x16xf32> to vector<16xf32>
        %swap3A_520 = vector.shape_cast %get3A_513 : vector<16xf32> to vector<1x1x16xf32>
        tpu.vector_store %arg11[%swap3A_515, %swap3A_516, %swap3A_517], %swap3A_520 {strides = array<i32>} : memref<4x64x256xf32, #tpu.memory_space<vmem>>, vector<1x1x16xf32>,
        %get3A_521 = arith.constant 0 : i32
        %get3A_522 = arith.index_cast %get3A_521 : i32 to index
        %get3A_523 = arith.index_cast %add3A_496 : i32 to index
        %get3A_524 = arith.constant 96 : index
        %get3A_525 = tpu.vector_load %arg12[%get3A_522, %get3A_523, %get3A_524] {strides = array<i32>} : memref<4x64x128xf32, #tpu.memory_space<vmem>>, vector<1x1x16xf32>,
        %get3A_526 = vector.shape_cast %get3A_525 : vector<1x1x16xf32> to vector<16xf32>
        %swap3A_527 = arith.constant 0 : i32
        %swap3A_528 = arith.index_cast %swap3A_527 : i32 to index
        %swap3A_529 = arith.index_cast %add3A_496 : i32 to index
        %swap3A_530 = arith.constant 224 : index
        %swap3A_531 = tpu.vector_load %arg11[%swap3A_528, %swap3A_529, %swap3A_530] {strides = array<i32>} : memref<4x64x256xf32, #tpu.memory_space<vmem>>, vector<1x1x16xf32>,
        %swap3A_532 = vector.shape_cast %swap3A_531 : vector<1x1x16xf32> to vector<16xf32>
        %swap3A_533 = vector.shape_cast %get3A_526 : vector<16xf32> to vector<1x1x16xf32>
        tpu.vector_store %arg11[%swap3A_528, %swap3A_529, %swap3A_530], %swap3A_533 {strides = array<i32>} : memref<4x64x256xf32, #tpu.memory_space<vmem>>, vector<1x1x16xf32>,
        %get3A_534 = arith.constant 0 : i32
        %get3A_535 = arith.index_cast %get3A_534 : i32 to index
        %get3A_536 = arith.index_cast %add3A_496 : i32 to index
        %get3A_537 = arith.constant 112 : index
        %get3A_538 = tpu.vector_load %arg12[%get3A_535, %get3A_536, %get3A_537] {strides = array<i32>} : memref<4x64x128xf32, #tpu.memory_space<vmem>>, vector<1x1x16xf32>,
        %get3A_539 = vector.shape_cast %get3A_538 : vector<1x1x16xf32> to vector<16xf32>
        %swap3A_540 = arith.constant 0 : i32
        %swap3A_541 = arith.index_cast %swap3A_540 : i32 to index
        %swap3A_542 = arith.index_cast %add3A_496 : i32 to index
        %swap3A_543 = arith.constant 240 : index
        %swap3A_544 = tpu.vector_load %arg11[%swap3A_541, %swap3A_542, %swap3A_543] {strides = array<i32>} : memref<4x64x256xf32, #tpu.memory_space<vmem>>, vector<1x1x16xf32>,
        %swap3A_545 = vector.shape_cast %swap3A_544 : vector<1x1x16xf32> to vector<16xf32>
        %swap3A_546 = vector.shape_cast %get3A_539 : vector<16xf32> to vector<1x1x16xf32>
        tpu.vector_store %arg11[%swap3A_541, %swap3A_542, %swap3A_543], %swap3A_546 {strides = array<i32>} : memref<4x64x256xf32, #tpu.memory_space<vmem>>, vector<1x1x16xf32>,
        %scan3A_547 = arith.constant 1 : i32
        %scan3A_548 = arith.addi %scan3A_492, %scan3A_547 : i32
        %mul3A_549 = arith.constant 1 : i32
        %mul3A_550 = arith.muli %scan3A_548, %mul3A_549 : i32
        %add3A_551 = arith.constant 0 : i32
        %add3A_552 = arith.addi %add3A_551, %mul3A_550 : i32
        %get3A_553 = arith.constant 0 : i32
        %get3A_554 = arith.index_cast %get3A_553 : i32 to index
        %get3A_555 = arith.index_cast %add3A_552 : i32 to index
        %get3A_556 = arith.constant 64 : index
        %get3A_557 = tpu.vector_load %arg12[%get3A_554, %get3A_555, %get3A_556] {strides = array<i32>} : memref<4x64x128xf32, #tpu.memory_space<vmem>>, vector<1x1x16xf32>,
        %get3A_558 = vector.shape_cast %get3A_557 : vector<1x1x16xf32> to vector<16xf32>
        %swap3A_559 = arith.constant 0 : i32
        %swap3A_560 = arith.index_cast %swap3A_559 : i32 to index
        %swap3A_561 = arith.index_cast %add3A_552 : i32 to index
        %swap3A_562 = arith.constant 192 : index
        %swap3A_563 = tpu.vector_load %arg11[%swap3A_560, %swap3A_561, %swap3A_562] {strides = array<i32>} : memref<4x64x256xf32, #tpu.memory_space<vmem>>, vector<1x1x16xf32>,
        %swap3A_564 = vector.shape_cast %swap3A_563 : vector<1x1x16xf32> to vector<16xf32>
        %swap3A_565 = vector.shape_cast %get3A_558 : vector<16xf32> to vector<1x1x16xf32>
        tpu.vector_store %arg11[%swap3A_560, %swap3A_561, %swap3A_562], %swap3A_565 {strides = array<i32>} : memref<4x64x256xf32, #tpu.memory_space<vmem>>, vector<1x1x16xf32>,
        %get3A_566 = arith.constant 0 : i32
        %get3A_567 = arith.index_cast %get3A_566 : i32 to index
        %get3A_568 = arith.index_cast %add3A_552 : i32 to index
        %get3A_569 = arith.constant 80 : index
        %get3A_570 = tpu.vector_load %arg12[%get3A_567, %get3A_568, %get3A_569] {strides = array<i32>} : memref<4x64x128xf32, #tpu.memory_space<vmem>>, vector<1x1x16xf32>,
        %get3A_571 = vector.shape_cast %get3A_570 : vector<1x1x16xf32> to vector<16xf32>
        %swap3A_572 = arith.constant 0 : i32
        %swap3A_573 = arith.index_cast %swap3A_572 : i32 to index
        %swap3A_574 = arith.index_cast %add3A_552 : i32 to index
        %swap3A_575 = arith.constant 208 : index
        %swap3A_576 = tpu.vector_load %arg11[%swap3A_573, %swap3A_574, %swap3A_575] {strides = array<i32>} : memref<4x64x256xf32, #tpu.memory_space<vmem>>, vector<1x1x16xf32>,
        %swap3A_577 = vector.shape_cast %swap3A_576 : vector<1x1x16xf32> to vector<16xf32>
        %swap3A_578 = vector.shape_cast %get3A_571 : vector<16xf32> to vector<1x1x16xf32>
        tpu.vector_store %arg11[%swap3A_573, %swap3A_574, %swap3A_575], %swap3A_578 {strides = array<i32>} : memref<4x64x256xf32, #tpu.memory_space<vmem>>, vector<1x1x16xf32>,
        %get3A_579 = arith.constant 0 : i32
        %get3A_580 = arith.index_cast %get3A_579 : i32 to index
        %get3A_581 = arith.index_cast %add3A_552 : i32 to index
        %get3A_582 = arith.constant 96 : index
        %get3A_583 = tpu.vector_load %arg12[%get3A_580, %get3A_581, %get3A_582] {strides = array<i32>} : memref<4x64x128xf32, #tpu.memory_space<vmem>>, vector<1x1x16xf32>,
        %get3A_584 = vector.shape_cast %get3A_583 : vector<1x1x16xf32> to vector<16xf32>
        %swap3A_585 = arith.constant 0 : i32
        %swap3A_586 = arith.index_cast %swap3A_585 : i32 to index
        %swap3A_587 = arith.index_cast %add3A_552 : i32 to index
        %swap3A_588 = arith.constant 224 : index
        %swap3A_589 = tpu.vector_load %arg11[%swap3A_586, %swap3A_587, %swap3A_588] {strides = array<i32>} : memref<4x64x256xf32, #tpu.memory_space<vmem>>, vector<1x1x16xf32>,
        %swap3A_590 = vector.shape_cast %swap3A_589 : vector<1x1x16xf32> to vector<16xf32>
        %swap3A_591 = vector.shape_cast %get3A_584 : vector<16xf32> to vector<1x1x16xf32>
        tpu.vector_store %arg11[%swap3A_586, %swap3A_587, %swap3A_588], %swap3A_591 {strides = array<i32>} : memref<4x64x256xf32, #tpu.memory_space<vmem>>, vector<1x1x16xf32>,
        %get3A_592 = arith.constant 0 : i32
        %get3A_593 = arith.index_cast %get3A_592 : i32 to index
        %get3A_594 = arith.index_cast %add3A_552 : i32 to index
        %get3A_595 = arith.constant 112 : index
        %get3A_596 = tpu.vector_load %arg12[%get3A_593, %get3A_594, %get3A_595] {strides = array<i32>} : memref<4x64x128xf32, #tpu.memory_space<vmem>>, vector<1x1x16xf32>,
        %get3A_597 = vector.shape_cast %get3A_596 : vector<1x1x16xf32> to vector<16xf32>
        %swap3A_598 = arith.constant 0 : i32
        %swap3A_599 = arith.index_cast %swap3A_598 : i32 to index
        %swap3A_600 = arith.index_cast %add3A_552 : i32 to index
        %swap3A_601 = arith.constant 240 : index
        %swap3A_602 = tpu.vector_load %arg11[%swap3A_599, %swap3A_600, %swap3A_601] {strides = array<i32>} : memref<4x64x256xf32, #tpu.memory_space<vmem>>, vector<1x1x16xf32>,
        %swap3A_603 = vector.shape_cast %swap3A_602 : vector<1x1x16xf32> to vector<16xf32>
        %swap3A_604 = vector.shape_cast %get3A_597 : vector<16xf32> to vector<1x1x16xf32>
        tpu.vector_store %arg11[%swap3A_599, %swap3A_600, %swap3A_601], %swap3A_604 {strides = array<i32>} : memref<4x64x256xf32, #tpu.memory_space<vmem>>, vector<1x1x16xf32>,
        %scan3A_605 = arith.constant 2 : i32
        %scan3A_606 = arith.addi %scan3A_492, %scan3A_605 : i32
        %mul3A_607 = arith.constant 1 : i32
        %mul3A_608 = arith.muli %scan3A_606, %mul3A_607 : i32
        %add3A_609 = arith.constant 0 : i32
        %add3A_610 = arith.addi %add3A_609, %mul3A_608 : i32
        %get3A_611 = arith.constant 0 : i32
        %get3A_612 = arith.index_cast %get3A_611 : i32 to index
        %get3A_613 = arith.index_cast %add3A_610 : i32 to index
        %get3A_614 = arith.constant 64 : index
        %get3A_615 = tpu.vector_load %arg12[%get3A_612, %get3A_613, %get3A_614] {strides = array<i32>} : memref<4x64x128xf32, #tpu.memory_space<vmem>>, vector<1x1x16xf32>,
        %get3A_616 = vector.shape_cast %get3A_615 : vector<1x1x16xf32> to vector<16xf32>
        %swap3A_617 = arith.constant 0 : i32
        %swap3A_618 = arith.index_cast %swap3A_617 : i32 to index
        %swap3A_619 = arith.index_cast %add3A_610 : i32 to index
        %swap3A_620 = arith.constant 192 : index
        %swap3A_621 = tpu.vector_load %arg11[%swap3A_618, %swap3A_619, %swap3A_620] {strides = array<i32>} : memref<4x64x256xf32, #tpu.memory_space<vmem>>, vector<1x1x16xf32>,
        %swap3A_622 = vector.shape_cast %swap3A_621 : vector<1x1x16xf32> to vector<16xf32>
        %swap3A_623 = vector.shape_cast %get3A_616 : vector<16xf32> to vector<1x1x16xf32>
        tpu.vector_store %arg11[%swap3A_618, %swap3A_619, %swap3A_620], %swap3A_623 {strides = array<i32>} : memref<4x64x256xf32, #tpu.memory_space<vmem>>, vector<1x1x16xf32>,
        %get3A_624 = arith.constant 0 : i32
        %get3A_625 = arith.index_cast %get3A_624 : i32 to index
        %get3A_626 = arith.index_cast %add3A_610 : i32 to index
        %get3A_627 = arith.constant 80 : index
        %get3A_628 = tpu.vector_load %arg12[%get3A_625, %get3A_626, %get3A_627] {strides = array<i32>} : memref<4x64x128xf32, #tpu.memory_space<vmem>>, vector<1x1x16xf32>,
        %get3A_629 = vector.shape_cast %get3A_628 : vector<1x1x16xf32> to vector<16xf32>
        %swap3A_630 = arith.constant 0 : i32
        %swap3A_631 = arith.index_cast %swap3A_630 : i32 to index
        %swap3A_632 = arith.index_cast %add3A_610 : i32 to index
        %swap3A_633 = arith.constant 208 : index
        %swap3A_634 = tpu.vector_load %arg11[%swap3A_631, %swap3A_632, %swap3A_633] {strides = array<i32>} : memref<4x64x256xf32, #tpu.memory_space<vmem>>, vector<1x1x16xf32>,
        %swap3A_635 = vector.shape_cast %swap3A_634 : vector<1x1x16xf32> to vector<16xf32>
        %swap3A_636 = vector.shape_cast %get3A_629 : vector<16xf32> to vector<1x1x16xf32>
        tpu.vector_store %arg11[%swap3A_631, %swap3A_632, %swap3A_633], %swap3A_636 {strides = array<i32>} : memref<4x64x256xf32, #tpu.memory_space<vmem>>, vector<1x1x16xf32>,
        %get3A_637 = arith.constant 0 : i32
        %get3A_638 = arith.index_cast %get3A_637 : i32 to index
        %get3A_639 = arith.index_cast %add3A_610 : i32 to index
        %get3A_640 = arith.constant 96 : index
        %get3A_641 = tpu.vector_load %arg12[%get3A_638, %get3A_639, %get3A_640] {strides = array<i32>} : memref<4x64x128xf32, #tpu.memory_space<vmem>>, vector<1x1x16xf32>,
        %get3A_642 = vector.shape_cast %get3A_641 : vector<1x1x16xf32> to vector<16xf32>
        %swap3A_643 = arith.constant 0 : i32
        %swap3A_644 = arith.index_cast %swap3A_643 : i32 to index
        %swap3A_645 = arith.index_cast %add3A_610 : i32 to index
        %swap3A_646 = arith.constant 224 : index
        %swap3A_647 = tpu.vector_load %arg11[%swap3A_644, %swap3A_645, %swap3A_646] {strides = array<i32>} : memref<4x64x256xf32, #tpu.memory_space<vmem>>, vector<1x1x16xf32>,
        %swap3A_648 = vector.shape_cast %swap3A_647 : vector<1x1x16xf32> to vector<16xf32>
        %swap3A_649 = vector.shape_cast %get3A_642 : vector<16xf32> to vector<1x1x16xf32>
        tpu.vector_store %arg11[%swap3A_644, %swap3A_645, %swap3A_646], %swap3A_649 {strides = array<i32>} : memref<4x64x256xf32, #tpu.memory_space<vmem>>, vector<1x1x16xf32>,
        %get3A_650 = arith.constant 0 : i32
        %get3A_651 = arith.index_cast %get3A_650 : i32 to index
        %get3A_652 = arith.index_cast %add3A_610 : i32 to index
        %get3A_653 = arith.constant 112 : index
        %get3A_654 = tpu.vector_load %arg12[%get3A_651, %get3A_652, %get3A_653] {strides = array<i32>} : memref<4x64x128xf32, #tpu.memory_space<vmem>>, vector<1x1x16xf32>,
        %get3A_655 = vector.shape_cast %get3A_654 : vector<1x1x16xf32> to vector<16xf32>
        %swap3A_656 = arith.constant 0 : i32
        %swap3A_657 = arith.index_cast %swap3A_656 : i32 to index
        %swap3A_658 = arith.index_cast %add3A_610 : i32 to index
        %swap3A_659 = arith.constant 240 : index
        %swap3A_660 = tpu.vector_load %arg11[%swap3A_657, %swap3A_658, %swap3A_659] {strides = array<i32>} : memref<4x64x256xf32, #tpu.memory_space<vmem>>, vector<1x1x16xf32>,
        %swap3A_661 = vector.shape_cast %swap3A_660 : vector<1x1x16xf32> to vector<16xf32>
        %swap3A_662 = vector.shape_cast %get3A_655 : vector<16xf32> to vector<1x1x16xf32>
        tpu.vector_store %arg11[%swap3A_657, %swap3A_658, %swap3A_659], %swap3A_662 {strides = array<i32>} : memref<4x64x256xf32, #tpu.memory_space<vmem>>, vector<1x1x16xf32>,
        %scan3A_663 = arith.constant 3 : i32
        %scan3A_664 = arith.addi %scan3A_492, %scan3A_663 : i32
        %mul3A_665 = arith.constant 1 : i32
        %mul3A_666 = arith.muli %scan3A_664, %mul3A_665 : i32
        %add3A_667 = arith.constant 0 : i32
        %add3A_668 = arith.addi %add3A_667, %mul3A_666 : i32
        %get3A_669 = arith.constant 0 : i32
        %get3A_670 = arith.index_cast %get3A_669 : i32 to index
        %get3A_671 = arith.index_cast %add3A_668 : i32 to index
        %get3A_672 = arith.constant 64 : index
        %get3A_673 = tpu.vector_load %arg12[%get3A_670, %get3A_671, %get3A_672] {strides = array<i32>} : memref<4x64x128xf32, #tpu.memory_space<vmem>>, vector<1x1x16xf32>,
        %get3A_674 = vector.shape_cast %get3A_673 : vector<1x1x16xf32> to vector<16xf32>
        %swap3A_675 = arith.constant 0 : i32
        %swap3A_676 = arith.index_cast %swap3A_675 : i32 to index
        %swap3A_677 = arith.index_cast %add3A_668 : i32 to index
        %swap3A_678 = arith.constant 192 : index
        %swap3A_679 = tpu.vector_load %arg11[%swap3A_676, %swap3A_677, %swap3A_678] {strides = array<i32>} : memref<4x64x256xf32, #tpu.memory_space<vmem>>, vector<1x1x16xf32>,
        %swap3A_680 = vector.shape_cast %swap3A_679 : vector<1x1x16xf32> to vector<16xf32>
        %swap3A_681 = vector.shape_cast %get3A_674 : vector<16xf32> to vector<1x1x16xf32>
        tpu.vector_store %arg11[%swap3A_676, %swap3A_677, %swap3A_678], %swap3A_681 {strides = array<i32>} : memref<4x64x256xf32, #tpu.memory_space<vmem>>, vector<1x1x16xf32>,
        %get3A_682 = arith.constant 0 : i32
        %get3A_683 = arith.index_cast %get3A_682 : i32 to index
        %get3A_684 = arith.index_cast %add3A_668 : i32 to index
        %get3A_685 = arith.constant 80 : index
        %get3A_686 = tpu.vector_load %arg12[%get3A_683, %get3A_684, %get3A_685] {strides = array<i32>} : memref<4x64x128xf32, #tpu.memory_space<vmem>>, vector<1x1x16xf32>,
        %get3A_687 = vector.shape_cast %get3A_686 : vector<1x1x16xf32> to vector<16xf32>
        %swap3A_688 = arith.constant 0 : i32
        %swap3A_689 = arith.index_cast %swap3A_688 : i32 to index
        %swap3A_690 = arith.index_cast %add3A_668 : i32 to index
        %swap3A_691 = arith.constant 208 : index
        %swap3A_692 = tpu.vector_load %arg11[%swap3A_689, %swap3A_690, %swap3A_691] {strides = array<i32>} : memref<4x64x256xf32, #tpu.memory_space<vmem>>, vector<1x1x16xf32>,
        %swap3A_693 = vector.shape_cast %swap3A_692 : vector<1x1x16xf32> to vector<16xf32>
        %swap3A_694 = vector.shape_cast %get3A_687 : vector<16xf32> to vector<1x1x16xf32>
        tpu.vector_store %arg11[%swap3A_689, %swap3A_690, %swap3A_691], %swap3A_694 {strides = array<i32>} : memref<4x64x256xf32, #tpu.memory_space<vmem>>, vector<1x1x16xf32>,
        %get3A_695 = arith.constant 0 : i32
        %get3A_696 = arith.index_cast %get3A_695 : i32 to index
        %get3A_697 = arith.index_cast %add3A_668 : i32 to index
        %get3A_698 = arith.constant 96 : index
        %get3A_699 = tpu.vector_load %arg12[%get3A_696, %get3A_697, %get3A_698] {strides = array<i32>} : memref<4x64x128xf32, #tpu.memory_space<vmem>>, vector<1x1x16xf32>,
        %get3A_700 = vector.shape_cast %get3A_699 : vector<1x1x16xf32> to vector<16xf32>
        %swap3A_701 = arith.constant 0 : i32
        %swap3A_702 = arith.index_cast %swap3A_701 : i32 to index
        %swap3A_703 = arith.index_cast %add3A_668 : i32 to index
        %swap3A_704 = arith.constant 224 : index
        %swap3A_705 = tpu.vector_load %arg11[%swap3A_702, %swap3A_703, %swap3A_704] {strides = array<i32>} : memref<4x64x256xf32, #tpu.memory_space<vmem>>, vector<1x1x16xf32>,
        %swap3A_706 = vector.shape_cast %swap3A_705 : vector<1x1x16xf32> to vector<16xf32>
        %swap3A_707 = vector.shape_cast %get3A_700 : vector<16xf32> to vector<1x1x16xf32>
        tpu.vector_store %arg11[%swap3A_702, %swap3A_703, %swap3A_704], %swap3A_707 {strides = array<i32>} : memref<4x64x256xf32, #tpu.memory_space<vmem>>, vector<1x1x16xf32>,
        %get3A_708 = arith.constant 0 : i32
        %get3A_709 = arith.index_cast %get3A_708 : i32 to index
        %get3A_710 = arith.index_cast %add3A_668 : i32 to index
        %get3A_711 = arith.constant 112 : index
        %get3A_712 = tpu.vector_load %arg12[%get3A_709, %get3A_710, %get3A_711] {strides = array<i32>} : memref<4x64x128xf32, #tpu.memory_space<vmem>>, vector<1x1x16xf32>,
        %get3A_713 = vector.shape_cast %get3A_712 : vector<1x1x16xf32> to vector<16xf32>
        %swap3A_714 = arith.constant 0 : i32
        %swap3A_715 = arith.index_cast %swap3A_714 : i32 to index
        %swap3A_716 = arith.index_cast %add3A_668 : i32 to index
        %swap3A_717 = arith.constant 240 : index
        %swap3A_718 = tpu.vector_load %arg11[%swap3A_715, %swap3A_716, %swap3A_717] {strides = array<i32>} : memref<4x64x256xf32, #tpu.memory_space<vmem>>, vector<1x1x16xf32>,
        %swap3A_719 = vector.shape_cast %swap3A_718 : vector<1x1x16xf32> to vector<16xf32>
        %swap3A_720 = vector.shape_cast %get3A_713 : vector<16xf32> to vector<1x1x16xf32>
        tpu.vector_store %arg11[%swap3A_715, %swap3A_716, %swap3A_717], %swap3A_720 {strides = array<i32>} : memref<4x64x256xf32, #tpu.memory_space<vmem>>, vector<1x1x16xf32>,
      }
      %scan3A_230 = arith.constant 64 : i32
      %mul3A_231 = arith.constant 64 : i32
      %mul3A_232 = arith.muli %add3A_179, %mul3A_231 : i32
      %add3A_233 = arith.addi %mul3A_2, %mul3A_232 : i32
      %dma_start3A_234 = arith.constant 0 : i32
      %dma_start3A_235 = arith.constant 0 : i32
      %dma_start3A_236 = arith.constant 0 : i32
      %dma_start3A_237 = tpu.memref_slice %arg11[%dma_start3A_234, %dma_start3A_235, %dma_start3A_236] : memref<4x64x256xf32, #tpu.memory_space<vmem>> -> memref<1x64x256xf32, #tpu.memory_space<vmem>>
      %dma_start3A_238 = tpu.memref_squeeze %dma_start3A_237 : memref<1x64x256xf32, #tpu.memory_space<vmem>> -> memref<64x256xf32, #tpu.memory_space<vmem>>
      %dma_start3A_239 = arith.constant 0 : i32
      %dma_start3A_240 = tpu.memref_slice %arg7[%add3A_233, %dma_start3A_239] : memref<204800x256xf32, #tpu.memory_space<hbm>> -> memref<64x256xf32, #tpu.memory_space<hbm>>
      %dma_start3A_241 = arith.constant 0 : i32
      %dma_start3A_242 = tpu.memref_slice %arg7[%add3A_233, %dma_start3A_241] : memref<204800x256xf32, #tpu.memory_space<hbm>> -> memref<64x256xf32, #tpu.memory_space<hbm>>
      %dma_start3A_243 = arith.constant 0 : i32
      %dma_start3A_244 = arith.constant 0 : i32
      %dma_start3A_245 = tpu.memref_slice %arg11[%dma_start3A_234, %dma_start3A_243, %dma_start3A_244] : memref<4x64x256xf32, #tpu.memory_space<vmem>> -> memref<1x64x256xf32, #tpu.memory_space<vmem>>
      %dma_start3A_246 = tpu.memref_squeeze %dma_start3A_245 : memref<1x64x256xf32, #tpu.memory_space<vmem>> -> memref<64x256xf32, #tpu.memory_space<vmem>>
      tpu.enqueue_dma source(%dma_start3A_246 : memref<64x256xf32, #tpu.memory_space<vmem>>) target(%dma_start3A_242 : memref<64x256xf32, #tpu.memory_space<hbm>>) target_semaphore(%arg21 : memref<!tpu.dma_semaphore, #tpu.memory_space<semaphore_mem>>)
      %add3A_247 = arith.constant 4 : i32
      %add3A_248 = arith.addi %add3A_179, %add3A_247 : i32
      %sub3A = arith.constant 1 : i32
      %sub3A_249 = arith.subi %add3A_248, %sub3A : i32
      %lt3A = arith.constant 100 : i32
      %lt3A_250 = arith.cmpi slt, %sub3A_249, %lt3A : i32
      %convert_element_type3A = arith.extui %lt3A_250 : i1 to i32
      %cond3A = arith.constant 0 : i32
      %cond3A_251 = arith.cmpi ne, %convert_element_type3A, %cond3A : i32
      scf.if %cond3A_251 {
        %ge3A = arith.constant 1 : i32
        %ge3A_492 = arith.cmpi sge, %add3A_179, %ge3A : i32
        %convert_element_type3A_493 = arith.extui %ge3A_492 : i1 to i32
        %cond3A_494 = arith.constant 0 : i32
        %cond3A_495 = arith.cmpi ne, %convert_element_type3A_493, %cond3A_494 : i32
        scf.if %cond3A_495 {
          %sub3A_548 = arith.constant 1 : i32
          %sub3A_549 = arith.subi %add3A_179, %sub3A_548 : i32
          %mul3A_550 = arith.constant 64 : i32
          %mul3A_551 = arith.muli %sub3A_549, %mul3A_550 : i32
          %add3A_552 = arith.addi %mul3A_2, %mul3A_551 : i32
          %dma_wait3A_553 = arith.constant 3 : i32
          %dma_wait3A_554 = arith.constant 0 : i32
          %dma_wait3A_555 = arith.constant 0 : i32
          %dma_wait3A_556 = tpu.memref_slice %arg11[%dma_wait3A_553, %dma_wait3A_554, %dma_wait3A_555] : memref<4x64x256xf32, #tpu.memory_space<vmem>> -> memref<1x64x256xf32, #tpu.memory_space<vmem>>
          %dma_wait3A_557 = tpu.memref_squeeze %dma_wait3A_556 : memref<1x64x256xf32, #tpu.memory_space<vmem>> -> memref<64x256xf32, #tpu.memory_space<vmem>>
          %dma_wait3A_558 = arith.constant 0 : i32
          %dma_wait3A_559 = tpu.memref_slice %arg7[%add3A_552, %dma_wait3A_558] : memref<204800x256xf32, #tpu.memory_space<hbm>> -> memref<64x256xf32, #tpu.memory_space<hbm>>
          %dma_wait3A_560 = arith.constant 0 : i32
          %dma_wait3A_561 = tpu.memref_slice %arg7[%add3A_552, %dma_wait3A_560] : memref<204800x256xf32, #tpu.memory_space<hbm>> -> memref<64x256xf32, #tpu.memory_space<hbm>>
          %dma_wait3A_562 = arith.constant 0 : i32
          %dma_wait3A_563 = arith.constant 0 : i32
          %dma_wait3A_564 = tpu.memref_slice %arg11[%dma_wait3A_553, %dma_wait3A_562, %dma_wait3A_563] : memref<4x64x256xf32, #tpu.memory_space<vmem>> -> memref<1x64x256xf32, #tpu.memory_space<vmem>>
          %dma_wait3A_565 = tpu.memref_squeeze %dma_wait3A_564 : memref<1x64x256xf32, #tpu.memory_space<vmem>> -> memref<64x256xf32, #tpu.memory_space<vmem>>
          tpu.wait_dma2 semaphore(%arg24 : memref<!tpu.dma_semaphore, #tpu.memory_space<semaphore_mem>>) src(%dma_wait3A_565 : memref<64x256xf32, #tpu.memory_space<vmem>>) dst(%dma_wait3A_561 : memref<64x256xf32, #tpu.memory_space<hbm>>)
        } else {
        }
        %add3A_496 = arith.constant 4 : i32
        %add3A_497 = arith.addi %add3A_179, %add3A_496 : i32
        %sub3A_498 = arith.constant 1 : i32
        %sub3A_499 = arith.subi %add3A_497, %sub3A_498 : i32
        %shift_right_arithmetic3A_500 = arith.constant 1 : i32
        %shift_right_arithmetic3A_501 = arith.shrsi %sub3A_499, %shift_right_arithmetic3A_500 : i32
        %and3A_502 = arith.constant 1 : i32
        %and3A_503 = arith.andi %sub3A_499, %and3A_502 : i32
        %mul3A_504 = arith.constant 64 : i32
        %mul3A_505 = arith.muli %and3A_503, %mul3A_504 : i32
        %dma_start3A_506 = arith.constant 3 : i32
        %dma_start3A_507 = arith.constant 0 : i32
        %dma_start3A_508 = arith.constant 0 : i32
        %dma_start3A_509 = tpu.memref_slice %arg11[%dma_start3A_506, %dma_start3A_507, %dma_start3A_508] : memref<4x64x256xf32, #tpu.memory_space<vmem>> -> memref<1x64x128xf32, #tpu.memory_space<vmem>>
        %dma_start3A_510 = tpu.memref_squeeze %dma_start3A_509 : memref<1x64x128xf32, #tpu.memory_space<vmem>> -> memref<64x128xf32, #tpu.memory_space<vmem>>
        %dma_start3A_511 = tpu.memref_slice %arg8[%shift_right_arithmetic3A_501, %mul3A_505] : memref<50x128xi32, #tpu.memory_space<vmem>> -> memref<1x64xi32, #tpu.memory_space<vmem>>
        %dma_start3A_512 = tpu.memref_squeeze %dma_start3A_511 : memref<1x64xi32, #tpu.memory_space<vmem>> -> memref<64xi32, #tpu.memory_space<vmem>>
        %dma_start3A_513 = arith.constant 0 : i32
        %dma_start3A_514 = arith.constant 0 : i32
        %dma_start3A_515 = tpu.memref_slice %arg2[%dma_start3A_513, %dma_start3A_514] : memref<100000x128xf32, #tpu.memory_space<hbm>> -> memref<100000x128xf32, #tpu.memory_space<hbm>>
        tpu.enqueue_indirect_dma source(%dma_start3A_515 : memref<100000x128xf32, #tpu.memory_space<hbm>>) target(%dma_start3A_510 : memref<64x128xf32, #tpu.memory_space<vmem>>) offsets(%dma_start3A_512 : memref<64xi32, #tpu.memory_space<vmem>>) semaphore(%arg16 : memref<!tpu.dma_semaphore, #tpu.memory_space<semaphore_mem>>)
        %shift_right_arithmetic3A_516 = arith.constant 1 : i32
        %shift_right_arithmetic3A_517 = arith.shrsi %sub3A_499, %shift_right_arithmetic3A_516 : i32
        %and3A_518 = arith.constant 1 : i32
        %and3A_519 = arith.andi %sub3A_499, %and3A_518 : i32
        %mul3A_520 = arith.constant 64 : i32
        %mul3A_521 = arith.muli %and3A_519, %mul3A_520 : i32
        %dma_start3A_522 = arith.constant 3 : i32
        %dma_start3A_523 = arith.constant 0 : i32
        %dma_start3A_524 = arith.constant 128 : i32
        %dma_start3A_525 = tpu.memref_slice %arg11[%dma_start3A_522, %dma_start3A_523, %dma_start3A_524] : memref<4x64x256xf32, #tpu.memory_space<vmem>> -> memref<1x64x128xf32, #tpu.memory_space<vmem>>
        %dma_start3A_526 = tpu.memref_squeeze %dma_start3A_525 : memref<1x64x128xf32, #tpu.memory_space<vmem>> -> memref<64x128xf32, #tpu.memory_space<vmem>>
        %dma_start3A_527 = tpu.memref_slice %arg9[%shift_right_arithmetic3A_517, %mul3A_521] : memref<50x128xi32, #tpu.memory_space<vmem>> -> memref<1x64xi32, #tpu.memory_space<vmem>>
        %dma_start3A_528 = tpu.memref_squeeze %dma_start3A_527 : memref<1x64xi32, #tpu.memory_space<vmem>> -> memref<64xi32, #tpu.memory_space<vmem>>
        %dma_start3A_529 = arith.constant 0 : i32
        %dma_start3A_530 = arith.constant 0 : i32
        %dma_start3A_531 = tpu.memref_slice %arg3[%dma_start3A_529, %dma_start3A_530] : memref<1000x128xf32, #tpu.memory_space<hbm>> -> memref<1000x128xf32, #tpu.memory_space<hbm>>
        tpu.enqueue_indirect_dma source(%dma_start3A_531 : memref<1000x128xf32, #tpu.memory_space<hbm>>) target(%dma_start3A_526 : memref<64x128xf32, #tpu.memory_space<vmem>>) offsets(%dma_start3A_528 : memref<64xi32, #tpu.memory_space<vmem>>) semaphore(%arg16 : memref<!tpu.dma_semaphore, #tpu.memory_space<semaphore_mem>>)
        %shift_right_arithmetic3A_532 = arith.constant 1 : i32
        %shift_right_arithmetic3A_533 = arith.shrsi %sub3A_499, %shift_right_arithmetic3A_532 : i32
        %and3A_534 = arith.constant 1 : i32
        %and3A_535 = arith.andi %sub3A_499, %and3A_534 : i32
        %mul3A_536 = arith.constant 64 : i32
        %mul3A_537 = arith.muli %and3A_535, %mul3A_536 : i32
        %dma_start3A_538 = arith.constant 3 : i32
        %dma_start3A_539 = arith.constant 0 : i32
        %dma_start3A_540 = arith.constant 0 : i32
        %dma_start3A_541 = tpu.memref_slice %arg12[%dma_start3A_538, %dma_start3A_539, %dma_start3A_540] : memref<4x64x128xf32, #tpu.memory_space<vmem>> -> memref<1x64x128xf32, #tpu.memory_space<vmem>>
        %dma_start3A_542 = tpu.memref_squeeze %dma_start3A_541 : memref<1x64x128xf32, #tpu.memory_space<vmem>> -> memref<64x128xf32, #tpu.memory_space<vmem>>
        %dma_start3A_543 = tpu.memref_slice %arg10[%shift_right_arithmetic3A_533, %mul3A_537] : memref<50x128xi32, #tpu.memory_space<vmem>> -> memref<1x64xi32, #tpu.memory_space<vmem>>
        %dma_start3A_544 = tpu.memref_squeeze %dma_start3A_543 : memref<1x64xi32, #tpu.memory_space<vmem>> -> memref<64xi32, #tpu.memory_space<vmem>>
        %dma_start3A_545 = arith.constant 0 : i32
        %dma_start3A_546 = arith.constant 0 : i32
        %dma_start3A_547 = tpu.memref_slice %arg3[%dma_start3A_545, %dma_start3A_546] : memref<1000x128xf32, #tpu.memory_space<hbm>> -> memref<1000x128xf32, #tpu.memory_space<hbm>>
        tpu.enqueue_indirect_dma source(%dma_start3A_547 : memref<1000x128xf32, #tpu.memory_space<hbm>>) target(%dma_start3A_542 : memref<64x128xf32, #tpu.memory_space<vmem>>) offsets(%dma_start3A_544 : memref<64xi32, #tpu.memory_space<vmem>>) semaphore(%arg20 : memref<!tpu.dma_semaphore, #tpu.memory_space<semaphore_mem>>)
      } else {
      }
      %add3A_252 = arith.constant 1 : i32
      %add3A_253 = arith.addi %add3A_177, %add3A_252 : i32
      %shift_right_arithmetic3A_254 = arith.constant 1 : i32
      %shift_right_arithmetic3A_255 = arith.shrsi %add3A_253, %shift_right_arithmetic3A_254 : i32
      %and3A_256 = arith.constant 1 : i32
      %and3A_257 = arith.andi %add3A_253, %and3A_256 : i32
      %mul3A_258 = arith.constant 64 : i32
      %mul3A_259 = arith.muli %and3A_257, %mul3A_258 : i32
      %dma_wait3A_260 = arith.constant 1 : i32
      %dma_wait3A_261 = arith.constant 0 : i32
      %dma_wait3A_262 = arith.constant 0 : i32
      %dma_wait3A_263 = tpu.memref_slice %arg11[%dma_wait3A_260, %dma_wait3A_261, %dma_wait3A_262] : memref<4x64x256xf32, #tpu.memory_space<vmem>> -> memref<1x64x128xf32, #tpu.memory_space<vmem>>
      %dma_wait3A_264 = tpu.memref_squeeze %dma_wait3A_263 : memref<1x64x128xf32, #tpu.memory_space<vmem>> -> memref<64x128xf32, #tpu.memory_space<vmem>>
      %dma_wait3A_265 = tpu.memref_slice %arg8[%shift_right_arithmetic3A_255, %mul3A_259] : memref<50x128xi32, #tpu.memory_space<vmem>> -> memref<1x64xi32, #tpu.memory_space<vmem>>
      %dma_wait3A_266 = tpu.memref_squeeze %dma_wait3A_265 : memref<1x64xi32, #tpu.memory_space<vmem>> -> memref<64xi32, #tpu.memory_space<vmem>>
      %dma_wait3A_267 = arith.constant 0 : i32
      %dma_wait3A_268 = arith.constant 0 : i32
      %dma_wait3A_269 = tpu.memref_slice %arg2[%dma_wait3A_267, %dma_wait3A_268] : memref<100000x128xf32, #tpu.memory_space<hbm>> -> memref<100000x128xf32, #tpu.memory_space<hbm>>
      tpu.wait_indirect_dma semaphore(%arg14 : memref<!tpu.dma_semaphore, #tpu.memory_space<semaphore_mem>>) src(%dma_wait3A_269 : memref<100000x128xf32, #tpu.memory_space<hbm>>) dst(%dma_wait3A_264 : memref<64x128xf32, #tpu.memory_space<vmem>>)
      %shift_right_arithmetic3A_270 = arith.constant 1 : i32
      %shift_right_arithmetic3A_271 = arith.shrsi %add3A_253, %shift_right_arithmetic3A_270 : i32
      %and3A_272 = arith.constant 1 : i32
      %and3A_273 = arith.andi %add3A_253, %and3A_272 : i32
      %mul3A_274 = arith.constant 64 : i32
      %mul3A_275 = arith.muli %and3A_273, %mul3A_274 : i32
      %dma_wait3A_276 = arith.constant 1 : i32
      %dma_wait3A_277 = arith.constant 0 : i32
      %dma_wait3A_278 = arith.constant 128 : i32
      %dma_wait3A_279 = tpu.memref_slice %arg11[%dma_wait3A_276, %dma_wait3A_277, %dma_wait3A_278] : memref<4x64x256xf32, #tpu.memory_space<vmem>> -> memref<1x64x128xf32, #tpu.memory_space<vmem>>
      %dma_wait3A_280 = tpu.memref_squeeze %dma_wait3A_279 : memref<1x64x128xf32, #tpu.memory_space<vmem>> -> memref<64x128xf32, #tpu.memory_space<vmem>>
      %dma_wait3A_281 = tpu.memref_slice %arg9[%shift_right_arithmetic3A_271, %mul3A_275] : memref<50x128xi32, #tpu.memory_space<vmem>> -> memref<1x64xi32, #tpu.memory_space<vmem>>
      %dma_wait3A_282 = tpu.memref_squeeze %dma_wait3A_281 : memref<1x64xi32, #tpu.memory_space<vmem>> -> memref<64xi32, #tpu.memory_space<vmem>>
      %dma_wait3A_283 = arith.constant 0 : i32
      %dma_wait3A_284 = arith.constant 0 : i32
      %dma_wait3A_285 = tpu.memref_slice %arg3[%dma_wait3A_283, %dma_wait3A_284] : memref<1000x128xf32, #tpu.memory_space<hbm>> -> memref<1000x128xf32, #tpu.memory_space<hbm>>
      tpu.wait_indirect_dma semaphore(%arg14 : memref<!tpu.dma_semaphore, #tpu.memory_space<semaphore_mem>>) src(%dma_wait3A_285 : memref<1000x128xf32, #tpu.memory_space<hbm>>) dst(%dma_wait3A_280 : memref<64x128xf32, #tpu.memory_space<vmem>>)
      %shift_right_arithmetic3A_286 = arith.constant 1 : i32
      %shift_right_arithmetic3A_287 = arith.shrsi %add3A_253, %shift_right_arithmetic3A_286 : i32
      %and3A_288 = arith.constant 1 : i32
      %and3A_289 = arith.andi %add3A_253, %and3A_288 : i32
      %mul3A_290 = arith.constant 64 : i32
      %mul3A_291 = arith.muli %and3A_289, %mul3A_290 : i32
      %dma_wait3A_292 = arith.constant 1 : i32
      %dma_wait3A_293 = arith.constant 0 : i32
      %dma_wait3A_294 = arith.constant 0 : i32
      %dma_wait3A_295 = tpu.memref_slice %arg12[%dma_wait3A_292, %dma_wait3A_293, %dma_wait3A_294] : memref<4x64x128xf32, #tpu.memory_space<vmem>> -> memref<1x64x128xf32, #tpu.memory_space<vmem>>
      %dma_wait3A_296 = tpu.memref_squeeze %dma_wait3A_295 : memref<1x64x128xf32, #tpu.memory_space<vmem>> -> memref<64x128xf32, #tpu.memory_space<vmem>>
      %dma_wait3A_297 = tpu.memref_slice %arg10[%shift_right_arithmetic3A_287, %mul3A_291] : memref<50x128xi32, #tpu.memory_space<vmem>> -> memref<1x64xi32, #tpu.memory_space<vmem>>
      %dma_wait3A_298 = tpu.memref_squeeze %dma_wait3A_297 : memref<1x64xi32, #tpu.memory_space<vmem>> -> memref<64xi32, #tpu.memory_space<vmem>>
      %dma_wait3A_299 = arith.constant 0 : i32
      %dma_wait3A_300 = arith.constant 0 : i32
      %dma_wait3A_301 = tpu.memref_slice %arg3[%dma_wait3A_299, %dma_wait3A_300] : memref<1000x128xf32, #tpu.memory_space<hbm>> -> memref<1000x128xf32, #tpu.memory_space<hbm>>
      tpu.wait_indirect_dma semaphore(%arg18 : memref<!tpu.dma_semaphore, #tpu.memory_space<semaphore_mem>>) src(%dma_wait3A_301 : memref<1000x128xf32, #tpu.memory_space<hbm>>) dst(%dma_wait3A_296 : memref<64x128xf32, #tpu.memory_space<vmem>>)
      %scan3A_302 = arith.constant 0 : i32
      %scan3A_303 = arith.constant 64 : i32
      %scan3A_304 = arith.addi %scan3A_302, %scan3A_303 : i32
      %scan3A_305 = arith.constant 4 : i32
      scf.for %scan3A_492 = %scan3A_302 to %scan3A_304 step %scan3A_305  : i32 {
        %mul3A_493 = arith.constant 1 : i32
        %mul3A_494 = arith.muli %scan3A_492, %mul3A_493 : i32
        %add3A_495 = arith.constant 0 : i32
        %add3A_496 = arith.addi %add3A_495, %mul3A_494 : i32
        %get3A = arith.constant 1 : i32
        %get3A_497 = arith.index_cast %get3A : i32 to index
        %get3A_498 = arith.index_cast %add3A_496 : i32 to index
        %get3A_499 = arith.constant 64 : index
        %get3A_500 = tpu.vector_load %arg12[%get3A_497, %get3A_498, %get3A_499] {strides = array<i32>} : memref<4x64x128xf32, #tpu.memory_space<vmem>>, vector<1x1x16xf32>,
        %get3A_501 = vector.shape_cast %get3A_500 : vector<1x1x16xf32> to vector<16xf32>
        %swap3A = arith.constant 1 : i32
        %swap3A_502 = arith.index_cast %swap3A : i32 to index
        %swap3A_503 = arith.index_cast %add3A_496 : i32 to index
        %swap3A_504 = arith.constant 192 : index
        %swap3A_505 = tpu.vector_load %arg11[%swap3A_502, %swap3A_503, %swap3A_504] {strides = array<i32>} : memref<4x64x256xf32, #tpu.memory_space<vmem>>, vector<1x1x16xf32>,
        %swap3A_506 = vector.shape_cast %swap3A_505 : vector<1x1x16xf32> to vector<16xf32>
        %swap3A_507 = vector.shape_cast %get3A_501 : vector<16xf32> to vector<1x1x16xf32>
        tpu.vector_store %arg11[%swap3A_502, %swap3A_503, %swap3A_504], %swap3A_507 {strides = array<i32>} : memref<4x64x256xf32, #tpu.memory_space<vmem>>, vector<1x1x16xf32>,
        %get3A_508 = arith.constant 1 : i32
        %get3A_509 = arith.index_cast %get3A_508 : i32 to index
        %get3A_510 = arith.index_cast %add3A_496 : i32 to index
        %get3A_511 = arith.constant 80 : index
        %get3A_512 = tpu.vector_load %arg12[%get3A_509, %get3A_510, %get3A_511] {strides = array<i32>} : memref<4x64x128xf32, #tpu.memory_space<vmem>>, vector<1x1x16xf32>,
        %get3A_513 = vector.shape_cast %get3A_512 : vector<1x1x16xf32> to vector<16xf32>
        %swap3A_514 = arith.constant 1 : i32
        %swap3A_515 = arith.index_cast %swap3A_514 : i32 to index
        %swap3A_516 = arith.index_cast %add3A_496 : i32 to index
        %swap3A_517 = arith.constant 208 : index
        %swap3A_518 = tpu.vector_load %arg11[%swap3A_515, %swap3A_516, %swap3A_517] {strides = array<i32>} : memref<4x64x256xf32, #tpu.memory_space<vmem>>, vector<1x1x16xf32>,
        %swap3A_519 = vector.shape_cast %swap3A_518 : vector<1x1x16xf32> to vector<16xf32>
        %swap3A_520 = vector.shape_cast %get3A_513 : vector<16xf32> to vector<1x1x16xf32>
        tpu.vector_store %arg11[%swap3A_515, %swap3A_516, %swap3A_517], %swap3A_520 {strides = array<i32>} : memref<4x64x256xf32, #tpu.memory_space<vmem>>, vector<1x1x16xf32>,
        %get3A_521 = arith.constant 1 : i32
        %get3A_522 = arith.index_cast %get3A_521 : i32 to index
        %get3A_523 = arith.index_cast %add3A_496 : i32 to index
        %get3A_524 = arith.constant 96 : index
        %get3A_525 = tpu.vector_load %arg12[%get3A_522, %get3A_523, %get3A_524] {strides = array<i32>} : memref<4x64x128xf32, #tpu.memory_space<vmem>>, vector<1x1x16xf32>,
        %get3A_526 = vector.shape_cast %get3A_525 : vector<1x1x16xf32> to vector<16xf32>
        %swap3A_527 = arith.constant 1 : i32
        %swap3A_528 = arith.index_cast %swap3A_527 : i32 to index
        %swap3A_529 = arith.index_cast %add3A_496 : i32 to index
        %swap3A_530 = arith.constant 224 : index
        %swap3A_531 = tpu.vector_load %arg11[%swap3A_528, %swap3A_529, %swap3A_530] {strides = array<i32>} : memref<4x64x256xf32, #tpu.memory_space<vmem>>, vector<1x1x16xf32>,
        %swap3A_532 = vector.shape_cast %swap3A_531 : vector<1x1x16xf32> to vector<16xf32>
        %swap3A_533 = vector.shape_cast %get3A_526 : vector<16xf32> to vector<1x1x16xf32>
        tpu.vector_store %arg11[%swap3A_528, %swap3A_529, %swap3A_530], %swap3A_533 {strides = array<i32>} : memref<4x64x256xf32, #tpu.memory_space<vmem>>, vector<1x1x16xf32>,
        %get3A_534 = arith.constant 1 : i32
        %get3A_535 = arith.index_cast %get3A_534 : i32 to index
        %get3A_536 = arith.index_cast %add3A_496 : i32 to index
        %get3A_537 = arith.constant 112 : index
        %get3A_538 = tpu.vector_load %arg12[%get3A_535, %get3A_536, %get3A_537] {strides = array<i32>} : memref<4x64x128xf32, #tpu.memory_space<vmem>>, vector<1x1x16xf32>,
        %get3A_539 = vector.shape_cast %get3A_538 : vector<1x1x16xf32> to vector<16xf32>
        %swap3A_540 = arith.constant 1 : i32
        %swap3A_541 = arith.index_cast %swap3A_540 : i32 to index
        %swap3A_542 = arith.index_cast %add3A_496 : i32 to index
        %swap3A_543 = arith.constant 240 : index
        %swap3A_544 = tpu.vector_load %arg11[%swap3A_541, %swap3A_542, %swap3A_543] {strides = array<i32>} : memref<4x64x256xf32, #tpu.memory_space<vmem>>, vector<1x1x16xf32>,
        %swap3A_545 = vector.shape_cast %swap3A_544 : vector<1x1x16xf32> to vector<16xf32>
        %swap3A_546 = vector.shape_cast %get3A_539 : vector<16xf32> to vector<1x1x16xf32>
        tpu.vector_store %arg11[%swap3A_541, %swap3A_542, %swap3A_543], %swap3A_546 {strides = array<i32>} : memref<4x64x256xf32, #tpu.memory_space<vmem>>, vector<1x1x16xf32>,
        %scan3A_547 = arith.constant 1 : i32
        %scan3A_548 = arith.addi %scan3A_492, %scan3A_547 : i32
        %mul3A_549 = arith.constant 1 : i32
        %mul3A_550 = arith.muli %scan3A_548, %mul3A_549 : i32
        %add3A_551 = arith.constant 0 : i32
        %add3A_552 = arith.addi %add3A_551, %mul3A_550 : i32
        %get3A_553 = arith.constant 1 : i32
        %get3A_554 = arith.index_cast %get3A_553 : i32 to index
        %get3A_555 = arith.index_cast %add3A_552 : i32 to index
        %get3A_556 = arith.constant 64 : index
        %get3A_557 = tpu.vector_load %arg12[%get3A_554, %get3A_555, %get3A_556] {strides = array<i32>} : memref<4x64x128xf32, #tpu.memory_space<vmem>>, vector<1x1x16xf32>,
        %get3A_558 = vector.shape_cast %get3A_557 : vector<1x1x16xf32> to vector<16xf32>
        %swap3A_559 = arith.constant 1 : i32
        %swap3A_560 = arith.index_cast %swap3A_559 : i32 to index
        %swap3A_561 = arith.index_cast %add3A_552 : i32 to index
        %swap3A_562 = arith.constant 192 : index
        %swap3A_563 = tpu.vector_load %arg11[%swap3A_560, %swap3A_561, %swap3A_562] {strides = array<i32>} : memref<4x64x256xf32, #tpu.memory_space<vmem>>, vector<1x1x16xf32>,
        %swap3A_564 = vector.shape_cast %swap3A_563 : vector<1x1x16xf32> to vector<16xf32>
        %swap3A_565 = vector.shape_cast %get3A_558 : vector<16xf32> to vector<1x1x16xf32>
        tpu.vector_store %arg11[%swap3A_560, %swap3A_561, %swap3A_562], %swap3A_565 {strides = array<i32>} : memref<4x64x256xf32, #tpu.memory_space<vmem>>, vector<1x1x16xf32>,
        %get3A_566 = arith.constant 1 : i32
        %get3A_567 = arith.index_cast %get3A_566 : i32 to index
        %get3A_568 = arith.index_cast %add3A_552 : i32 to index
        %get3A_569 = arith.constant 80 : index
        %get3A_570 = tpu.vector_load %arg12[%get3A_567, %get3A_568, %get3A_569] {strides = array<i32>} : memref<4x64x128xf32, #tpu.memory_space<vmem>>, vector<1x1x16xf32>,
        %get3A_571 = vector.shape_cast %get3A_570 : vector<1x1x16xf32> to vector<16xf32>
        %swap3A_572 = arith.constant 1 : i32
        %swap3A_573 = arith.index_cast %swap3A_572 : i32 to index
        %swap3A_574 = arith.index_cast %add3A_552 : i32 to index
        %swap3A_575 = arith.constant 208 : index
        %swap3A_576 = tpu.vector_load %arg11[%swap3A_573, %swap3A_574, %swap3A_575] {strides = array<i32>} : memref<4x64x256xf32, #tpu.memory_space<vmem>>, vector<1x1x16xf32>,
        %swap3A_577 = vector.shape_cast %swap3A_576 : vector<1x1x16xf32> to vector<16xf32>
        %swap3A_578 = vector.shape_cast %get3A_571 : vector<16xf32> to vector<1x1x16xf32>
        tpu.vector_store %arg11[%swap3A_573, %swap3A_574, %swap3A_575], %swap3A_578 {strides = array<i32>} : memref<4x64x256xf32, #tpu.memory_space<vmem>>, vector<1x1x16xf32>,
        %get3A_579 = arith.constant 1 : i32
        %get3A_580 = arith.index_cast %get3A_579 : i32 to index
        %get3A_581 = arith.index_cast %add3A_552 : i32 to index
        %get3A_582 = arith.constant 96 : index
        %get3A_583 = tpu.vector_load %arg12[%get3A_580, %get3A_581, %get3A_582] {strides = array<i32>} : memref<4x64x128xf32, #tpu.memory_space<vmem>>, vector<1x1x16xf32>,
        %get3A_584 = vector.shape_cast %get3A_583 : vector<1x1x16xf32> to vector<16xf32>
        %swap3A_585 = arith.constant 1 : i32
        %swap3A_586 = arith.index_cast %swap3A_585 : i32 to index
        %swap3A_587 = arith.index_cast %add3A_552 : i32 to index
        %swap3A_588 = arith.constant 224 : index
        %swap3A_589 = tpu.vector_load %arg11[%swap3A_586, %swap3A_587, %swap3A_588] {strides = array<i32>} : memref<4x64x256xf32, #tpu.memory_space<vmem>>, vector<1x1x16xf32>,
        %swap3A_590 = vector.shape_cast %swap3A_589 : vector<1x1x16xf32> to vector<16xf32>
        %swap3A_591 = vector.shape_cast %get3A_584 : vector<16xf32> to vector<1x1x16xf32>
        tpu.vector_store %arg11[%swap3A_586, %swap3A_587, %swap3A_588], %swap3A_591 {strides = array<i32>} : memref<4x64x256xf32, #tpu.memory_space<vmem>>, vector<1x1x16xf32>,
        %get3A_592 = arith.constant 1 : i32
        %get3A_593 = arith.index_cast %get3A_592 : i32 to index
        %get3A_594 = arith.index_cast %add3A_552 : i32 to index
        %get3A_595 = arith.constant 112 : index
        %get3A_596 = tpu.vector_load %arg12[%get3A_593, %get3A_594, %get3A_595] {strides = array<i32>} : memref<4x64x128xf32, #tpu.memory_space<vmem>>, vector<1x1x16xf32>,
        %get3A_597 = vector.shape_cast %get3A_596 : vector<1x1x16xf32> to vector<16xf32>
        %swap3A_598 = arith.constant 1 : i32
        %swap3A_599 = arith.index_cast %swap3A_598 : i32 to index
        %swap3A_600 = arith.index_cast %add3A_552 : i32 to index
        %swap3A_601 = arith.constant 240 : index
        %swap3A_602 = tpu.vector_load %arg11[%swap3A_599, %swap3A_600, %swap3A_601] {strides = array<i32>} : memref<4x64x256xf32, #tpu.memory_space<vmem>>, vector<1x1x16xf32>,
        %swap3A_603 = vector.shape_cast %swap3A_602 : vector<1x1x16xf32> to vector<16xf32>
        %swap3A_604 = vector.shape_cast %get3A_597 : vector<16xf32> to vector<1x1x16xf32>
        tpu.vector_store %arg11[%swap3A_599, %swap3A_600, %swap3A_601], %swap3A_604 {strides = array<i32>} : memref<4x64x256xf32, #tpu.memory_space<vmem>>, vector<1x1x16xf32>,
        %scan3A_605 = arith.constant 2 : i32
        %scan3A_606 = arith.addi %scan3A_492, %scan3A_605 : i32
        %mul3A_607 = arith.constant 1 : i32
        %mul3A_608 = arith.muli %scan3A_606, %mul3A_607 : i32
        %add3A_609 = arith.constant 0 : i32
        %add3A_610 = arith.addi %add3A_609, %mul3A_608 : i32
        %get3A_611 = arith.constant 1 : i32
        %get3A_612 = arith.index_cast %get3A_611 : i32 to index
        %get3A_613 = arith.index_cast %add3A_610 : i32 to index
        %get3A_614 = arith.constant 64 : index
        %get3A_615 = tpu.vector_load %arg12[%get3A_612, %get3A_613, %get3A_614] {strides = array<i32>} : memref<4x64x128xf32, #tpu.memory_space<vmem>>, vector<1x1x16xf32>,
        %get3A_616 = vector.shape_cast %get3A_615 : vector<1x1x16xf32> to vector<16xf32>
        %swap3A_617 = arith.constant 1 : i32
        %swap3A_618 = arith.index_cast %swap3A_617 : i32 to index
        %swap3A_619 = arith.index_cast %add3A_610 : i32 to index
        %swap3A_620 = arith.constant 192 : index
        %swap3A_621 = tpu.vector_load %arg11[%swap3A_618, %swap3A_619, %swap3A_620] {strides = array<i32>} : memref<4x64x256xf32, #tpu.memory_space<vmem>>, vector<1x1x16xf32>,
        %swap3A_622 = vector.shape_cast %swap3A_621 : vector<1x1x16xf32> to vector<16xf32>
        %swap3A_623 = vector.shape_cast %get3A_616 : vector<16xf32> to vector<1x1x16xf32>
        tpu.vector_store %arg11[%swap3A_618, %swap3A_619, %swap3A_620], %swap3A_623 {strides = array<i32>} : memref<4x64x256xf32, #tpu.memory_space<vmem>>, vector<1x1x16xf32>,
        %get3A_624 = arith.constant 1 : i32
        %get3A_625 = arith.index_cast %get3A_624 : i32 to index
        %get3A_626 = arith.index_cast %add3A_610 : i32 to index
        %get3A_627 = arith.constant 80 : index
        %get3A_628 = tpu.vector_load %arg12[%get3A_625, %get3A_626, %get3A_627] {strides = array<i32>} : memref<4x64x128xf32, #tpu.memory_space<vmem>>, vector<1x1x16xf32>,
        %get3A_629 = vector.shape_cast %get3A_628 : vector<1x1x16xf32> to vector<16xf32>
        %swap3A_630 = arith.constant 1 : i32
        %swap3A_631 = arith.index_cast %swap3A_630 : i32 to index
        %swap3A_632 = arith.index_cast %add3A_610 : i32 to index
        %swap3A_633 = arith.constant 208 : index
        %swap3A_634 = tpu.vector_load %arg11[%swap3A_631, %swap3A_632, %swap3A_633] {strides = array<i32>} : memref<4x64x256xf32, #tpu.memory_space<vmem>>, vector<1x1x16xf32>,
        %swap3A_635 = vector.shape_cast %swap3A_634 : vector<1x1x16xf32> to vector<16xf32>
        %swap3A_636 = vector.shape_cast %get3A_629 : vector<16xf32> to vector<1x1x16xf32>
        tpu.vector_store %arg11[%swap3A_631, %swap3A_632, %swap3A_633], %swap3A_636 {strides = array<i32>} : memref<4x64x256xf32, #tpu.memory_space<vmem>>, vector<1x1x16xf32>,
        %get3A_637 = arith.constant 1 : i32
        %get3A_638 = arith.index_cast %get3A_637 : i32 to index
        %get3A_639 = arith.index_cast %add3A_610 : i32 to index
        %get3A_640 = arith.constant 96 : index
        %get3A_641 = tpu.vector_load %arg12[%get3A_638, %get3A_639, %get3A_640] {strides = array<i32>} : memref<4x64x128xf32, #tpu.memory_space<vmem>>, vector<1x1x16xf32>,
        %get3A_642 = vector.shape_cast %get3A_641 : vector<1x1x16xf32> to vector<16xf32>
        %swap3A_643 = arith.constant 1 : i32
        %swap3A_644 = arith.index_cast %swap3A_643 : i32 to index
        %swap3A_645 = arith.index_cast %add3A_610 : i32 to index
        %swap3A_646 = arith.constant 224 : index
        %swap3A_647 = tpu.vector_load %arg11[%swap3A_644, %swap3A_645, %swap3A_646] {strides = array<i32>} : memref<4x64x256xf32, #tpu.memory_space<vmem>>, vector<1x1x16xf32>,
        %swap3A_648 = vector.shape_cast %swap3A_647 : vector<1x1x16xf32> to vector<16xf32>
        %swap3A_649 = vector.shape_cast %get3A_642 : vector<16xf32> to vector<1x1x16xf32>
        tpu.vector_store %arg11[%swap3A_644, %swap3A_645, %swap3A_646], %swap3A_649 {strides = array<i32>} : memref<4x64x256xf32, #tpu.memory_space<vmem>>, vector<1x1x16xf32>,
        %get3A_650 = arith.constant 1 : i32
        %get3A_651 = arith.index_cast %get3A_650 : i32 to index
        %get3A_652 = arith.index_cast %add3A_610 : i32 to index
        %get3A_653 = arith.constant 112 : index
        %get3A_654 = tpu.vector_load %arg12[%get3A_651, %get3A_652, %get3A_653] {strides = array<i32>} : memref<4x64x128xf32, #tpu.memory_space<vmem>>, vector<1x1x16xf32>,
        %get3A_655 = vector.shape_cast %get3A_654 : vector<1x1x16xf32> to vector<16xf32>
        %swap3A_656 = arith.constant 1 : i32
        %swap3A_657 = arith.index_cast %swap3A_656 : i32 to index
        %swap3A_658 = arith.index_cast %add3A_610 : i32 to index
        %swap3A_659 = arith.constant 240 : index
        %swap3A_660 = tpu.vector_load %arg11[%swap3A_657, %swap3A_658, %swap3A_659] {strides = array<i32>} : memref<4x64x256xf32, #tpu.memory_space<vmem>>, vector<1x1x16xf32>,
        %swap3A_661 = vector.shape_cast %swap3A_660 : vector<1x1x16xf32> to vector<16xf32>
        %swap3A_662 = vector.shape_cast %get3A_655 : vector<16xf32> to vector<1x1x16xf32>
        tpu.vector_store %arg11[%swap3A_657, %swap3A_658, %swap3A_659], %swap3A_662 {strides = array<i32>} : memref<4x64x256xf32, #tpu.memory_space<vmem>>, vector<1x1x16xf32>,
        %scan3A_663 = arith.constant 3 : i32
        %scan3A_664 = arith.addi %scan3A_492, %scan3A_663 : i32
        %mul3A_665 = arith.constant 1 : i32
        %mul3A_666 = arith.muli %scan3A_664, %mul3A_665 : i32
        %add3A_667 = arith.constant 0 : i32
        %add3A_668 = arith.addi %add3A_667, %mul3A_666 : i32
        %get3A_669 = arith.constant 1 : i32
        %get3A_670 = arith.index_cast %get3A_669 : i32 to index
        %get3A_671 = arith.index_cast %add3A_668 : i32 to index
        %get3A_672 = arith.constant 64 : index
        %get3A_673 = tpu.vector_load %arg12[%get3A_670, %get3A_671, %get3A_672] {strides = array<i32>} : memref<4x64x128xf32, #tpu.memory_space<vmem>>, vector<1x1x16xf32>,
        %get3A_674 = vector.shape_cast %get3A_673 : vector<1x1x16xf32> to vector<16xf32>
        %swap3A_675 = arith.constant 1 : i32
        %swap3A_676 = arith.index_cast %swap3A_675 : i32 to index
        %swap3A_677 = arith.index_cast %add3A_668 : i32 to index
        %swap3A_678 = arith.constant 192 : index
        %swap3A_679 = tpu.vector_load %arg11[%swap3A_676, %swap3A_677, %swap3A_678] {strides = array<i32>} : memref<4x64x256xf32, #tpu.memory_space<vmem>>, vector<1x1x16xf32>,
        %swap3A_680 = vector.shape_cast %swap3A_679 : vector<1x1x16xf32> to vector<16xf32>
        %swap3A_681 = vector.shape_cast %get3A_674 : vector<16xf32> to vector<1x1x16xf32>
        tpu.vector_store %arg11[%swap3A_676, %swap3A_677, %swap3A_678], %swap3A_681 {strides = array<i32>} : memref<4x64x256xf32, #tpu.memory_space<vmem>>, vector<1x1x16xf32>,
        %get3A_682 = arith.constant 1 : i32
        %get3A_683 = arith.index_cast %get3A_682 : i32 to index
        %get3A_684 = arith.index_cast %add3A_668 : i32 to index
        %get3A_685 = arith.constant 80 : index
        %get3A_686 = tpu.vector_load %arg12[%get3A_683, %get3A_684, %get3A_685] {strides = array<i32>} : memref<4x64x128xf32, #tpu.memory_space<vmem>>, vector<1x1x16xf32>,
        %get3A_687 = vector.shape_cast %get3A_686 : vector<1x1x16xf32> to vector<16xf32>
        %swap3A_688 = arith.constant 1 : i32
        %swap3A_689 = arith.index_cast %swap3A_688 : i32 to index
        %swap3A_690 = arith.index_cast %add3A_668 : i32 to index
        %swap3A_691 = arith.constant 208 : index
        %swap3A_692 = tpu.vector_load %arg11[%swap3A_689, %swap3A_690, %swap3A_691] {strides = array<i32>} : memref<4x64x256xf32, #tpu.memory_space<vmem>>, vector<1x1x16xf32>,
        %swap3A_693 = vector.shape_cast %swap3A_692 : vector<1x1x16xf32> to vector<16xf32>
        %swap3A_694 = vector.shape_cast %get3A_687 : vector<16xf32> to vector<1x1x16xf32>
        tpu.vector_store %arg11[%swap3A_689, %swap3A_690, %swap3A_691], %swap3A_694 {strides = array<i32>} : memref<4x64x256xf32, #tpu.memory_space<vmem>>, vector<1x1x16xf32>,
        %get3A_695 = arith.constant 1 : i32
        %get3A_696 = arith.index_cast %get3A_695 : i32 to index
        %get3A_697 = arith.index_cast %add3A_668 : i32 to index
        %get3A_698 = arith.constant 96 : index
        %get3A_699 = tpu.vector_load %arg12[%get3A_696, %get3A_697, %get3A_698] {strides = array<i32>} : memref<4x64x128xf32, #tpu.memory_space<vmem>>, vector<1x1x16xf32>,
        %get3A_700 = vector.shape_cast %get3A_699 : vector<1x1x16xf32> to vector<16xf32>
        %swap3A_701 = arith.constant 1 : i32
        %swap3A_702 = arith.index_cast %swap3A_701 : i32 to index
        %swap3A_703 = arith.index_cast %add3A_668 : i32 to index
        %swap3A_704 = arith.constant 224 : index
        %swap3A_705 = tpu.vector_load %arg11[%swap3A_702, %swap3A_703, %swap3A_704] {strides = array<i32>} : memref<4x64x256xf32, #tpu.memory_space<vmem>>, vector<1x1x16xf32>,
        %swap3A_706 = vector.shape_cast %swap3A_705 : vector<1x1x16xf32> to vector<16xf32>
        %swap3A_707 = vector.shape_cast %get3A_700 : vector<16xf32> to vector<1x1x16xf32>
        tpu.vector_store %arg11[%swap3A_702, %swap3A_703, %swap3A_704], %swap3A_707 {strides = array<i32>} : memref<4x64x256xf32, #tpu.memory_space<vmem>>, vector<1x1x16xf32>,
        %get3A_708 = arith.constant 1 : i32
        %get3A_709 = arith.index_cast %get3A_708 : i32 to index
        %get3A_710 = arith.index_cast %add3A_668 : i32 to index
        %get3A_711 = arith.constant 112 : index
        %get3A_712 = tpu.vector_load %arg12[%get3A_709, %get3A_710, %get3A_711] {strides = array<i32>} : memref<4x64x128xf32, #tpu.memory_space<vmem>>, vector<1x1x16xf32>,
        %get3A_713 = vector.shape_cast %get3A_712 : vector<1x1x16xf32> to vector<16xf32>
        %swap3A_714 = arith.constant 1 : i32
        %swap3A_715 = arith.index_cast %swap3A_714 : i32 to index
        %swap3A_716 = arith.index_cast %add3A_668 : i32 to index
        %swap3A_717 = arith.constant 240 : index
        %swap3A_718 = tpu.vector_load %arg11[%swap3A_715, %swap3A_716, %swap3A_717] {strides = array<i32>} : memref<4x64x256xf32, #tpu.memory_space<vmem>>, vector<1x1x16xf32>,
        %swap3A_719 = vector.shape_cast %swap3A_718 : vector<1x1x16xf32> to vector<16xf32>
        %swap3A_720 = vector.shape_cast %get3A_713 : vector<16xf32> to vector<1x1x16xf32>
        tpu.vector_store %arg11[%swap3A_715, %swap3A_716, %swap3A_717], %swap3A_720 {strides = array<i32>} : memref<4x64x256xf32, #tpu.memory_space<vmem>>, vector<1x1x16xf32>,
      }
      %scan3A_306 = arith.constant 64 : i32
      %mul3A_307 = arith.constant 64 : i32
      %mul3A_308 = arith.muli %add3A_253, %mul3A_307 : i32
      %add3A_309 = arith.addi %mul3A_2, %mul3A_308 : i32
      %dma_start3A_310 = arith.constant 1 : i32
      %dma_start3A_311 = arith.constant 0 : i32
      %dma_start3A_312 = arith.constant 0 : i32
      %dma_start3A_313 = tpu.memref_slice %arg11[%dma_start3A_310, %dma_start3A_311, %dma_start3A_312] : memref<4x64x256xf32, #tpu.memory_space<vmem>> -> memref<1x64x256xf32, #tpu.memory_space<vmem>>
      %dma_start3A_314 = tpu.memref_squeeze %dma_start3A_313 : memref<1x64x256xf32, #tpu.memory_space<vmem>> -> memref<64x256xf32, #tpu.memory_space<vmem>>
      %dma_start3A_315 = arith.constant 0 : i32
      %dma_start3A_316 = tpu.memref_slice %arg7[%add3A_309, %dma_start3A_315] : memref<204800x256xf32, #tpu.memory_space<hbm>> -> memref<64x256xf32, #tpu.memory_space<hbm>>
      %dma_start3A_317 = arith.constant 0 : i32
      %dma_start3A_318 = tpu.memref_slice %arg7[%add3A_309, %dma_start3A_317] : memref<204800x256xf32, #tpu.memory_space<hbm>> -> memref<64x256xf32, #tpu.memory_space<hbm>>
      %dma_start3A_319 = arith.constant 0 : i32
      %dma_start3A_320 = arith.constant 0 : i32
      %dma_start3A_321 = tpu.memref_slice %arg11[%dma_start3A_310, %dma_start3A_319, %dma_start3A_320] : memref<4x64x256xf32, #tpu.memory_space<vmem>> -> memref<1x64x256xf32, #tpu.memory_space<vmem>>
      %dma_start3A_322 = tpu.memref_squeeze %dma_start3A_321 : memref<1x64x256xf32, #tpu.memory_space<vmem>> -> memref<64x256xf32, #tpu.memory_space<vmem>>
      tpu.enqueue_dma source(%dma_start3A_322 : memref<64x256xf32, #tpu.memory_space<vmem>>) target(%dma_start3A_318 : memref<64x256xf32, #tpu.memory_space<hbm>>) target_semaphore(%arg22 : memref<!tpu.dma_semaphore, #tpu.memory_space<semaphore_mem>>)
      %add3A_323 = arith.constant 4 : i32
      %add3A_324 = arith.addi %add3A_253, %add3A_323 : i32
      %sub3A_325 = arith.constant 1 : i32
      %sub3A_326 = arith.subi %add3A_324, %sub3A_325 : i32
      %lt3A_327 = arith.constant 100 : i32
      %lt3A_328 = arith.cmpi slt, %sub3A_326, %lt3A_327 : i32
      %convert_element_type3A_329 = arith.extui %lt3A_328 : i1 to i32
      %cond3A_330 = arith.constant 0 : i32
      %cond3A_331 = arith.cmpi ne, %convert_element_type3A_329, %cond3A_330 : i32
      scf.if %cond3A_331 {
        %ge3A = arith.constant 1 : i32
        %ge3A_492 = arith.cmpi sge, %add3A_253, %ge3A : i32
        %convert_element_type3A_493 = arith.extui %ge3A_492 : i1 to i32
        %cond3A_494 = arith.constant 0 : i32
        %cond3A_495 = arith.cmpi ne, %convert_element_type3A_493, %cond3A_494 : i32
        scf.if %cond3A_495 {
          %sub3A_548 = arith.constant 1 : i32
          %sub3A_549 = arith.subi %add3A_253, %sub3A_548 : i32
          %mul3A_550 = arith.constant 64 : i32
          %mul3A_551 = arith.muli %sub3A_549, %mul3A_550 : i32
          %add3A_552 = arith.addi %mul3A_2, %mul3A_551 : i32
          %dma_wait3A_553 = arith.constant 0 : i32
          %dma_wait3A_554 = arith.constant 0 : i32
          %dma_wait3A_555 = arith.constant 0 : i32
          %dma_wait3A_556 = tpu.memref_slice %arg11[%dma_wait3A_553, %dma_wait3A_554, %dma_wait3A_555] : memref<4x64x256xf32, #tpu.memory_space<vmem>> -> memref<1x64x256xf32, #tpu.memory_space<vmem>>
          %dma_wait3A_557 = tpu.memref_squeeze %dma_wait3A_556 : memref<1x64x256xf32, #tpu.memory_space<vmem>> -> memref<64x256xf32, #tpu.memory_space<vmem>>
          %dma_wait3A_558 = arith.constant 0 : i32
          %dma_wait3A_559 = tpu.memref_slice %arg7[%add3A_552, %dma_wait3A_558] : memref<204800x256xf32, #tpu.memory_space<hbm>> -> memref<64x256xf32, #tpu.memory_space<hbm>>
          %dma_wait3A_560 = arith.constant 0 : i32
          %dma_wait3A_561 = tpu.memref_slice %arg7[%add3A_552, %dma_wait3A_560] : memref<204800x256xf32, #tpu.memory_space<hbm>> -> memref<64x256xf32, #tpu.memory_space<hbm>>
          %dma_wait3A_562 = arith.constant 0 : i32
          %dma_wait3A_563 = arith.constant 0 : i32
          %dma_wait3A_564 = tpu.memref_slice %arg11[%dma_wait3A_553, %dma_wait3A_562, %dma_wait3A_563] : memref<4x64x256xf32, #tpu.memory_space<vmem>> -> memref<1x64x256xf32, #tpu.memory_space<vmem>>
          %dma_wait3A_565 = tpu.memref_squeeze %dma_wait3A_564 : memref<1x64x256xf32, #tpu.memory_space<vmem>> -> memref<64x256xf32, #tpu.memory_space<vmem>>
          tpu.wait_dma2 semaphore(%arg21 : memref<!tpu.dma_semaphore, #tpu.memory_space<semaphore_mem>>) src(%dma_wait3A_565 : memref<64x256xf32, #tpu.memory_space<vmem>>) dst(%dma_wait3A_561 : memref<64x256xf32, #tpu.memory_space<hbm>>)
        } else {
        }
        %add3A_496 = arith.constant 4 : i32
        %add3A_497 = arith.addi %add3A_253, %add3A_496 : i32
        %sub3A_498 = arith.constant 1 : i32
        %sub3A_499 = arith.subi %add3A_497, %sub3A_498 : i32
        %shift_right_arithmetic3A_500 = arith.constant 1 : i32
        %shift_right_arithmetic3A_501 = arith.shrsi %sub3A_499, %shift_right_arithmetic3A_500 : i32
        %and3A_502 = arith.constant 1 : i32
        %and3A_503 = arith.andi %sub3A_499, %and3A_502 : i32
        %mul3A_504 = arith.constant 64 : i32
        %mul3A_505 = arith.muli %and3A_503, %mul3A_504 : i32
        %dma_start3A_506 = arith.constant 0 : i32
        %dma_start3A_507 = arith.constant 0 : i32
        %dma_start3A_508 = arith.constant 0 : i32
        %dma_start3A_509 = tpu.memref_slice %arg11[%dma_start3A_506, %dma_start3A_507, %dma_start3A_508] : memref<4x64x256xf32, #tpu.memory_space<vmem>> -> memref<1x64x128xf32, #tpu.memory_space<vmem>>
        %dma_start3A_510 = tpu.memref_squeeze %dma_start3A_509 : memref<1x64x128xf32, #tpu.memory_space<vmem>> -> memref<64x128xf32, #tpu.memory_space<vmem>>
        %dma_start3A_511 = tpu.memref_slice %arg8[%shift_right_arithmetic3A_501, %mul3A_505] : memref<50x128xi32, #tpu.memory_space<vmem>> -> memref<1x64xi32, #tpu.memory_space<vmem>>
        %dma_start3A_512 = tpu.memref_squeeze %dma_start3A_511 : memref<1x64xi32, #tpu.memory_space<vmem>> -> memref<64xi32, #tpu.memory_space<vmem>>
        %dma_start3A_513 = arith.constant 0 : i32
        %dma_start3A_514 = arith.constant 0 : i32
        %dma_start3A_515 = tpu.memref_slice %arg2[%dma_start3A_513, %dma_start3A_514] : memref<100000x128xf32, #tpu.memory_space<hbm>> -> memref<100000x128xf32, #tpu.memory_space<hbm>>
        tpu.enqueue_indirect_dma source(%dma_start3A_515 : memref<100000x128xf32, #tpu.memory_space<hbm>>) target(%dma_start3A_510 : memref<64x128xf32, #tpu.memory_space<vmem>>) offsets(%dma_start3A_512 : memref<64xi32, #tpu.memory_space<vmem>>) semaphore(%arg13 : memref<!tpu.dma_semaphore, #tpu.memory_space<semaphore_mem>>)
        %shift_right_arithmetic3A_516 = arith.constant 1 : i32
        %shift_right_arithmetic3A_517 = arith.shrsi %sub3A_499, %shift_right_arithmetic3A_516 : i32
        %and3A_518 = arith.constant 1 : i32
        %and3A_519 = arith.andi %sub3A_499, %and3A_518 : i32
        %mul3A_520 = arith.constant 64 : i32
        %mul3A_521 = arith.muli %and3A_519, %mul3A_520 : i32
        %dma_start3A_522 = arith.constant 0 : i32
        %dma_start3A_523 = arith.constant 0 : i32
        %dma_start3A_524 = arith.constant 128 : i32
        %dma_start3A_525 = tpu.memref_slice %arg11[%dma_start3A_522, %dma_start3A_523, %dma_start3A_524] : memref<4x64x256xf32, #tpu.memory_space<vmem>> -> memref<1x64x128xf32, #tpu.memory_space<vmem>>
        %dma_start3A_526 = tpu.memref_squeeze %dma_start3A_525 : memref<1x64x128xf32, #tpu.memory_space<vmem>> -> memref<64x128xf32, #tpu.memory_space<vmem>>
        %dma_start3A_527 = tpu.memref_slice %arg9[%shift_right_arithmetic3A_517, %mul3A_521] : memref<50x128xi32, #tpu.memory_space<vmem>> -> memref<1x64xi32, #tpu.memory_space<vmem>>
        %dma_start3A_528 = tpu.memref_squeeze %dma_start3A_527 : memref<1x64xi32, #tpu.memory_space<vmem>> -> memref<64xi32, #tpu.memory_space<vmem>>
        %dma_start3A_529 = arith.constant 0 : i32
        %dma_start3A_530 = arith.constant 0 : i32
        %dma_start3A_531 = tpu.memref_slice %arg3[%dma_start3A_529, %dma_start3A_530] : memref<1000x128xf32, #tpu.memory_space<hbm>> -> memref<1000x128xf32, #tpu.memory_space<hbm>>
        tpu.enqueue_indirect_dma source(%dma_start3A_531 : memref<1000x128xf32, #tpu.memory_space<hbm>>) target(%dma_start3A_526 : memref<64x128xf32, #tpu.memory_space<vmem>>) offsets(%dma_start3A_528 : memref<64xi32, #tpu.memory_space<vmem>>) semaphore(%arg13 : memref<!tpu.dma_semaphore, #tpu.memory_space<semaphore_mem>>)
        %shift_right_arithmetic3A_532 = arith.constant 1 : i32
        %shift_right_arithmetic3A_533 = arith.shrsi %sub3A_499, %shift_right_arithmetic3A_532 : i32
        %and3A_534 = arith.constant 1 : i32
        %and3A_535 = arith.andi %sub3A_499, %and3A_534 : i32
        %mul3A_536 = arith.constant 64 : i32
        %mul3A_537 = arith.muli %and3A_535, %mul3A_536 : i32
        %dma_start3A_538 = arith.constant 0 : i32
        %dma_start3A_539 = arith.constant 0 : i32
        %dma_start3A_540 = arith.constant 0 : i32
        %dma_start3A_541 = tpu.memref_slice %arg12[%dma_start3A_538, %dma_start3A_539, %dma_start3A_540] : memref<4x64x128xf32, #tpu.memory_space<vmem>> -> memref<1x64x128xf32, #tpu.memory_space<vmem>>
        %dma_start3A_542 = tpu.memref_squeeze %dma_start3A_541 : memref<1x64x128xf32, #tpu.memory_space<vmem>> -> memref<64x128xf32, #tpu.memory_space<vmem>>
        %dma_start3A_543 = tpu.memref_slice %arg10[%shift_right_arithmetic3A_533, %mul3A_537] : memref<50x128xi32, #tpu.memory_space<vmem>> -> memref<1x64xi32, #tpu.memory_space<vmem>>
        %dma_start3A_544 = tpu.memref_squeeze %dma_start3A_543 : memref<1x64xi32, #tpu.memory_space<vmem>> -> memref<64xi32, #tpu.memory_space<vmem>>
        %dma_start3A_545 = arith.constant 0 : i32
        %dma_start3A_546 = arith.constant 0 : i32
        %dma_start3A_547 = tpu.memref_slice %arg3[%dma_start3A_545, %dma_start3A_546] : memref<1000x128xf32, #tpu.memory_space<hbm>> -> memref<1000x128xf32, #tpu.memory_space<hbm>>
        tpu.enqueue_indirect_dma source(%dma_start3A_547 : memref<1000x128xf32, #tpu.memory_space<hbm>>) target(%dma_start3A_542 : memref<64x128xf32, #tpu.memory_space<vmem>>) offsets(%dma_start3A_544 : memref<64xi32, #tpu.memory_space<vmem>>) semaphore(%arg17 : memref<!tpu.dma_semaphore, #tpu.memory_space<semaphore_mem>>)
      } else {
      }
      %add3A_332 = arith.constant 2 : i32
      %add3A_333 = arith.addi %add3A_177, %add3A_332 : i32
      %shift_right_arithmetic3A_334 = arith.constant 1 : i32
      %shift_right_arithmetic3A_335 = arith.shrsi %add3A_333, %shift_right_arithmetic3A_334 : i32
      %and3A_336 = arith.constant 1 : i32
      %and3A_337 = arith.andi %add3A_333, %and3A_336 : i32
      %mul3A_338 = arith.constant 64 : i32
      %mul3A_339 = arith.muli %and3A_337, %mul3A_338 : i32
      %dma_wait3A_340 = arith.constant 2 : i32
      %dma_wait3A_341 = arith.constant 0 : i32
      %dma_wait3A_342 = arith.constant 0 : i32
      %dma_wait3A_343 = tpu.memref_slice %arg11[%dma_wait3A_340, %dma_wait3A_341, %dma_wait3A_342] : memref<4x64x256xf32, #tpu.memory_space<vmem>> -> memref<1x64x128xf32, #tpu.memory_space<vmem>>
      %dma_wait3A_344 = tpu.memref_squeeze %dma_wait3A_343 : memref<1x64x128xf32, #tpu.memory_space<vmem>> -> memref<64x128xf32, #tpu.memory_space<vmem>>
      %dma_wait3A_345 = tpu.memref_slice %arg8[%shift_right_arithmetic3A_335, %mul3A_339] : memref<50x128xi32, #tpu.memory_space<vmem>> -> memref<1x64xi32, #tpu.memory_space<vmem>>
      %dma_wait3A_346 = tpu.memref_squeeze %dma_wait3A_345 : memref<1x64xi32, #tpu.memory_space<vmem>> -> memref<64xi32, #tpu.memory_space<vmem>>
      %dma_wait3A_347 = arith.constant 0 : i32
      %dma_wait3A_348 = arith.constant 0 : i32
      %dma_wait3A_349 = tpu.memref_slice %arg2[%dma_wait3A_347, %dma_wait3A_348] : memref<100000x128xf32, #tpu.memory_space<hbm>> -> memref<100000x128xf32, #tpu.memory_space<hbm>>
      tpu.wait_indirect_dma semaphore(%arg15 : memref<!tpu.dma_semaphore, #tpu.memory_space<semaphore_mem>>) src(%dma_wait3A_349 : memref<100000x128xf32, #tpu.memory_space<hbm>>) dst(%dma_wait3A_344 : memref<64x128xf32, #tpu.memory_space<vmem>>)
      %shift_right_arithmetic3A_350 = arith.constant 1 : i32
      %shift_right_arithmetic3A_351 = arith.shrsi %add3A_333, %shift_right_arithmetic3A_350 : i32
      %and3A_352 = arith.constant 1 : i32
      %and3A_353 = arith.andi %add3A_333, %and3A_352 : i32
      %mul3A_354 = arith.constant 64 : i32
      %mul3A_355 = arith.muli %and3A_353, %mul3A_354 : i32
      %dma_wait3A_356 = arith.constant 2 : i32
      %dma_wait3A_357 = arith.constant 0 : i32
      %dma_wait3A_358 = arith.constant 128 : i32
      %dma_wait3A_359 = tpu.memref_slice %arg11[%dma_wait3A_356, %dma_wait3A_357, %dma_wait3A_358] : memref<4x64x256xf32, #tpu.memory_space<vmem>> -> memref<1x64x128xf32, #tpu.memory_space<vmem>>
      %dma_wait3A_360 = tpu.memref_squeeze %dma_wait3A_359 : memref<1x64x128xf32, #tpu.memory_space<vmem>> -> memref<64x128xf32, #tpu.memory_space<vmem>>
      %dma_wait3A_361 = tpu.memref_slice %arg9[%shift_right_arithmetic3A_351, %mul3A_355] : memref<50x128xi32, #tpu.memory_space<vmem>> -> memref<1x64xi32, #tpu.memory_space<vmem>>
      %dma_wait3A_362 = tpu.memref_squeeze %dma_wait3A_361 : memref<1x64xi32, #tpu.memory_space<vmem>> -> memref<64xi32, #tpu.memory_space<vmem>>
      %dma_wait3A_363 = arith.constant 0 : i32
      %dma_wait3A_364 = arith.constant 0 : i32
      %dma_wait3A_365 = tpu.memref_slice %arg3[%dma_wait3A_363, %dma_wait3A_364] : memref<1000x128xf32, #tpu.memory_space<hbm>> -> memref<1000x128xf32, #tpu.memory_space<hbm>>
      tpu.wait_indirect_dma semaphore(%arg15 : memref<!tpu.dma_semaphore, #tpu.memory_space<semaphore_mem>>) src(%dma_wait3A_365 : memref<1000x128xf32, #tpu.memory_space<hbm>>) dst(%dma_wait3A_360 : memref<64x128xf32, #tpu.memory_space<vmem>>)
      %shift_right_arithmetic3A_366 = arith.constant 1 : i32
      %shift_right_arithmetic3A_367 = arith.shrsi %add3A_333, %shift_right_arithmetic3A_366 : i32
      %and3A_368 = arith.constant 1 : i32
      %and3A_369 = arith.andi %add3A_333, %and3A_368 : i32
      %mul3A_370 = arith.constant 64 : i32
      %mul3A_371 = arith.muli %and3A_369, %mul3A_370 : i32
      %dma_wait3A_372 = arith.constant 2 : i32
      %dma_wait3A_373 = arith.constant 0 : i32
      %dma_wait3A_374 = arith.constant 0 : i32
      %dma_wait3A_375 = tpu.memref_slice %arg12[%dma_wait3A_372, %dma_wait3A_373, %dma_wait3A_374] : memref<4x64x128xf32, #tpu.memory_space<vmem>> -> memref<1x64x128xf32, #tpu.memory_space<vmem>>
      %dma_wait3A_376 = tpu.memref_squeeze %dma_wait3A_375 : memref<1x64x128xf32, #tpu.memory_space<vmem>> -> memref<64x128xf32, #tpu.memory_space<vmem>>
      %dma_wait3A_377 = tpu.memref_slice %arg10[%shift_right_arithmetic3A_367, %mul3A_371] : memref<50x128xi32, #tpu.memory_space<vmem>> -> memref<1x64xi32, #tpu.memory_space<vmem>>
      %dma_wait3A_378 = tpu.memref_squeeze %dma_wait3A_377 : memref<1x64xi32, #tpu.memory_space<vmem>> -> memref<64xi32, #tpu.memory_space<vmem>>
      %dma_wait3A_379 = arith.constant 0 : i32
      %dma_wait3A_380 = arith.constant 0 : i32
      %dma_wait3A_381 = tpu.memref_slice %arg3[%dma_wait3A_379, %dma_wait3A_380] : memref<1000x128xf32, #tpu.memory_space<hbm>> -> memref<1000x128xf32, #tpu.memory_space<hbm>>
      tpu.wait_indirect_dma semaphore(%arg19 : memref<!tpu.dma_semaphore, #tpu.memory_space<semaphore_mem>>) src(%dma_wait3A_381 : memref<1000x128xf32, #tpu.memory_space<hbm>>) dst(%dma_wait3A_376 : memref<64x128xf32, #tpu.memory_space<vmem>>)
      %scan3A_382 = arith.constant 0 : i32
      %scan3A_383 = arith.constant 64 : i32
      %scan3A_384 = arith.addi %scan3A_382, %scan3A_383 : i32
      %scan3A_385 = arith.constant 4 : i32
      scf.for %scan3A_492 = %scan3A_382 to %scan3A_384 step %scan3A_385  : i32 {
        %mul3A_493 = arith.constant 1 : i32
        %mul3A_494 = arith.muli %scan3A_492, %mul3A_493 : i32
        %add3A_495 = arith.constant 0 : i32
        %add3A_496 = arith.addi %add3A_495, %mul3A_494 : i32
        %get3A = arith.constant 2 : i32
        %get3A_497 = arith.index_cast %get3A : i32 to index
        %get3A_498 = arith.index_cast %add3A_496 : i32 to index
        %get3A_499 = arith.constant 64 : index
        %get3A_500 = tpu.vector_load %arg12[%get3A_497, %get3A_498, %get3A_499] {strides = array<i32>} : memref<4x64x128xf32, #tpu.memory_space<vmem>>, vector<1x1x16xf32>,
        %get3A_501 = vector.shape_cast %get3A_500 : vector<1x1x16xf32> to vector<16xf32>
        %swap3A = arith.constant 2 : i32
        %swap3A_502 = arith.index_cast %swap3A : i32 to index
        %swap3A_503 = arith.index_cast %add3A_496 : i32 to index
        %swap3A_504 = arith.constant 192 : index
        %swap3A_505 = tpu.vector_load %arg11[%swap3A_502, %swap3A_503, %swap3A_504] {strides = array<i32>} : memref<4x64x256xf32, #tpu.memory_space<vmem>>, vector<1x1x16xf32>,
        %swap3A_506 = vector.shape_cast %swap3A_505 : vector<1x1x16xf32> to vector<16xf32>
        %swap3A_507 = vector.shape_cast %get3A_501 : vector<16xf32> to vector<1x1x16xf32>
        tpu.vector_store %arg11[%swap3A_502, %swap3A_503, %swap3A_504], %swap3A_507 {strides = array<i32>} : memref<4x64x256xf32, #tpu.memory_space<vmem>>, vector<1x1x16xf32>,
        %get3A_508 = arith.constant 2 : i32
        %get3A_509 = arith.index_cast %get3A_508 : i32 to index
        %get3A_510 = arith.index_cast %add3A_496 : i32 to index
        %get3A_511 = arith.constant 80 : index
        %get3A_512 = tpu.vector_load %arg12[%get3A_509, %get3A_510, %get3A_511] {strides = array<i32>} : memref<4x64x128xf32, #tpu.memory_space<vmem>>, vector<1x1x16xf32>,
        %get3A_513 = vector.shape_cast %get3A_512 : vector<1x1x16xf32> to vector<16xf32>
        %swap3A_514 = arith.constant 2 : i32
        %swap3A_515 = arith.index_cast %swap3A_514 : i32 to index
        %swap3A_516 = arith.index_cast %add3A_496 : i32 to index
        %swap3A_517 = arith.constant 208 : index
        %swap3A_518 = tpu.vector_load %arg11[%swap3A_515, %swap3A_516, %swap3A_517] {strides = array<i32>} : memref<4x64x256xf32, #tpu.memory_space<vmem>>, vector<1x1x16xf32>,
        %swap3A_519 = vector.shape_cast %swap3A_518 : vector<1x1x16xf32> to vector<16xf32>
        %swap3A_520 = vector.shape_cast %get3A_513 : vector<16xf32> to vector<1x1x16xf32>
        tpu.vector_store %arg11[%swap3A_515, %swap3A_516, %swap3A_517], %swap3A_520 {strides = array<i32>} : memref<4x64x256xf32, #tpu.memory_space<vmem>>, vector<1x1x16xf32>,
        %get3A_521 = arith.constant 2 : i32
        %get3A_522 = arith.index_cast %get3A_521 : i32 to index
        %get3A_523 = arith.index_cast %add3A_496 : i32 to index
        %get3A_524 = arith.constant 96 : index
        %get3A_525 = tpu.vector_load %arg12[%get3A_522, %get3A_523, %get3A_524] {strides = array<i32>} : memref<4x64x128xf32, #tpu.memory_space<vmem>>, vector<1x1x16xf32>,
        %get3A_526 = vector.shape_cast %get3A_525 : vector<1x1x16xf32> to vector<16xf32>
        %swap3A_527 = arith.constant 2 : i32
        %swap3A_528 = arith.index_cast %swap3A_527 : i32 to index
        %swap3A_529 = arith.index_cast %add3A_496 : i32 to index
        %swap3A_530 = arith.constant 224 : index
        %swap3A_531 = tpu.vector_load %arg11[%swap3A_528, %swap3A_529, %swap3A_530] {strides = array<i32>} : memref<4x64x256xf32, #tpu.memory_space<vmem>>, vector<1x1x16xf32>,
        %swap3A_532 = vector.shape_cast %swap3A_531 : vector<1x1x16xf32> to vector<16xf32>
        %swap3A_533 = vector.shape_cast %get3A_526 : vector<16xf32> to vector<1x1x16xf32>
        tpu.vector_store %arg11[%swap3A_528, %swap3A_529, %swap3A_530], %swap3A_533 {strides = array<i32>} : memref<4x64x256xf32, #tpu.memory_space<vmem>>, vector<1x1x16xf32>,
        %get3A_534 = arith.constant 2 : i32
        %get3A_535 = arith.index_cast %get3A_534 : i32 to index
        %get3A_536 = arith.index_cast %add3A_496 : i32 to index
        %get3A_537 = arith.constant 112 : index
        %get3A_538 = tpu.vector_load %arg12[%get3A_535, %get3A_536, %get3A_537] {strides = array<i32>} : memref<4x64x128xf32, #tpu.memory_space<vmem>>, vector<1x1x16xf32>,
        %get3A_539 = vector.shape_cast %get3A_538 : vector<1x1x16xf32> to vector<16xf32>
        %swap3A_540 = arith.constant 2 : i32
        %swap3A_541 = arith.index_cast %swap3A_540 : i32 to index
        %swap3A_542 = arith.index_cast %add3A_496 : i32 to index
        %swap3A_543 = arith.constant 240 : index
        %swap3A_544 = tpu.vector_load %arg11[%swap3A_541, %swap3A_542, %swap3A_543] {strides = array<i32>} : memref<4x64x256xf32, #tpu.memory_space<vmem>>, vector<1x1x16xf32>,
        %swap3A_545 = vector.shape_cast %swap3A_544 : vector<1x1x16xf32> to vector<16xf32>
        %swap3A_546 = vector.shape_cast %get3A_539 : vector<16xf32> to vector<1x1x16xf32>
        tpu.vector_store %arg11[%swap3A_541, %swap3A_542, %swap3A_543], %swap3A_546 {strides = array<i32>} : memref<4x64x256xf32, #tpu.memory_space<vmem>>, vector<1x1x16xf32>,
        %scan3A_547 = arith.constant 1 : i32
        %scan3A_548 = arith.addi %scan3A_492, %scan3A_547 : i32
        %mul3A_549 = arith.constant 1 : i32
        %mul3A_550 = arith.muli %scan3A_548, %mul3A_549 : i32
        %add3A_551 = arith.constant 0 : i32
        %add3A_552 = arith.addi %add3A_551, %mul3A_550 : i32
        %get3A_553 = arith.constant 2 : i32
        %get3A_554 = arith.index_cast %get3A_553 : i32 to index
        %get3A_555 = arith.index_cast %add3A_552 : i32 to index
        %get3A_556 = arith.constant 64 : index
        %get3A_557 = tpu.vector_load %arg12[%get3A_554, %get3A_555, %get3A_556] {strides = array<i32>} : memref<4x64x128xf32, #tpu.memory_space<vmem>>, vector<1x1x16xf32>,
        %get3A_558 = vector.shape_cast %get3A_557 : vector<1x1x16xf32> to vector<16xf32>
        %swap3A_559 = arith.constant 2 : i32
        %swap3A_560 = arith.index_cast %swap3A_559 : i32 to index
        %swap3A_561 = arith.index_cast %add3A_552 : i32 to index
        %swap3A_562 = arith.constant 192 : index
        %swap3A_563 = tpu.vector_load %arg11[%swap3A_560, %swap3A_561, %swap3A_562] {strides = array<i32>} : memref<4x64x256xf32, #tpu.memory_space<vmem>>, vector<1x1x16xf32>,
        %swap3A_564 = vector.shape_cast %swap3A_563 : vector<1x1x16xf32> to vector<16xf32>
        %swap3A_565 = vector.shape_cast %get3A_558 : vector<16xf32> to vector<1x1x16xf32>
        tpu.vector_store %arg11[%swap3A_560, %swap3A_561, %swap3A_562], %swap3A_565 {strides = array<i32>} : memref<4x64x256xf32, #tpu.memory_space<vmem>>, vector<1x1x16xf32>,
        %get3A_566 = arith.constant 2 : i32
        %get3A_567 = arith.index_cast %get3A_566 : i32 to index
        %get3A_568 = arith.index_cast %add3A_552 : i32 to index
        %get3A_569 = arith.constant 80 : index
        %get3A_570 = tpu.vector_load %arg12[%get3A_567, %get3A_568, %get3A_569] {strides = array<i32>} : memref<4x64x128xf32, #tpu.memory_space<vmem>>, vector<1x1x16xf32>,
        %get3A_571 = vector.shape_cast %get3A_570 : vector<1x1x16xf32> to vector<16xf32>
        %swap3A_572 = arith.constant 2 : i32
        %swap3A_573 = arith.index_cast %swap3A_572 : i32 to index
        %swap3A_574 = arith.index_cast %add3A_552 : i32 to index
        %swap3A_575 = arith.constant 208 : index
        %swap3A_576 = tpu.vector_load %arg11[%swap3A_573, %swap3A_574, %swap3A_575] {strides = array<i32>} : memref<4x64x256xf32, #tpu.memory_space<vmem>>, vector<1x1x16xf32>,
        %swap3A_577 = vector.shape_cast %swap3A_576 : vector<1x1x16xf32> to vector<16xf32>
        %swap3A_578 = vector.shape_cast %get3A_571 : vector<16xf32> to vector<1x1x16xf32>
        tpu.vector_store %arg11[%swap3A_573, %swap3A_574, %swap3A_575], %swap3A_578 {strides = array<i32>} : memref<4x64x256xf32, #tpu.memory_space<vmem>>, vector<1x1x16xf32>,
        %get3A_579 = arith.constant 2 : i32
        %get3A_580 = arith.index_cast %get3A_579 : i32 to index
        %get3A_581 = arith.index_cast %add3A_552 : i32 to index
        %get3A_582 = arith.constant 96 : index
        %get3A_583 = tpu.vector_load %arg12[%get3A_580, %get3A_581, %get3A_582] {strides = array<i32>} : memref<4x64x128xf32, #tpu.memory_space<vmem>>, vector<1x1x16xf32>,
        %get3A_584 = vector.shape_cast %get3A_583 : vector<1x1x16xf32> to vector<16xf32>
        %swap3A_585 = arith.constant 2 : i32
        %swap3A_586 = arith.index_cast %swap3A_585 : i32 to index
        %swap3A_587 = arith.index_cast %add3A_552 : i32 to index
        %swap3A_588 = arith.constant 224 : index
        %swap3A_589 = tpu.vector_load %arg11[%swap3A_586, %swap3A_587, %swap3A_588] {strides = array<i32>} : memref<4x64x256xf32, #tpu.memory_space<vmem>>, vector<1x1x16xf32>,
        %swap3A_590 = vector.shape_cast %swap3A_589 : vector<1x1x16xf32> to vector<16xf32>
        %swap3A_591 = vector.shape_cast %get3A_584 : vector<16xf32> to vector<1x1x16xf32>
        tpu.vector_store %arg11[%swap3A_586, %swap3A_587, %swap3A_588], %swap3A_591 {strides = array<i32>} : memref<4x64x256xf32, #tpu.memory_space<vmem>>, vector<1x1x16xf32>,
        %get3A_592 = arith.constant 2 : i32
        %get3A_593 = arith.index_cast %get3A_592 : i32 to index
        %get3A_594 = arith.index_cast %add3A_552 : i32 to index
        %get3A_595 = arith.constant 112 : index
        %get3A_596 = tpu.vector_load %arg12[%get3A_593, %get3A_594, %get3A_595] {strides = array<i32>} : memref<4x64x128xf32, #tpu.memory_space<vmem>>, vector<1x1x16xf32>,
        %get3A_597 = vector.shape_cast %get3A_596 : vector<1x1x16xf32> to vector<16xf32>
        %swap3A_598 = arith.constant 2 : i32
        %swap3A_599 = arith.index_cast %swap3A_598 : i32 to index
        %swap3A_600 = arith.index_cast %add3A_552 : i32 to index
        %swap3A_601 = arith.constant 240 : index
        %swap3A_602 = tpu.vector_load %arg11[%swap3A_599, %swap3A_600, %swap3A_601] {strides = array<i32>} : memref<4x64x256xf32, #tpu.memory_space<vmem>>, vector<1x1x16xf32>,
        %swap3A_603 = vector.shape_cast %swap3A_602 : vector<1x1x16xf32> to vector<16xf32>
        %swap3A_604 = vector.shape_cast %get3A_597 : vector<16xf32> to vector<1x1x16xf32>
        tpu.vector_store %arg11[%swap3A_599, %swap3A_600, %swap3A_601], %swap3A_604 {strides = array<i32>} : memref<4x64x256xf32, #tpu.memory_space<vmem>>, vector<1x1x16xf32>,
        %scan3A_605 = arith.constant 2 : i32
        %scan3A_606 = arith.addi %scan3A_492, %scan3A_605 : i32
        %mul3A_607 = arith.constant 1 : i32
        %mul3A_608 = arith.muli %scan3A_606, %mul3A_607 : i32
        %add3A_609 = arith.constant 0 : i32
        %add3A_610 = arith.addi %add3A_609, %mul3A_608 : i32
        %get3A_611 = arith.constant 2 : i32
        %get3A_612 = arith.index_cast %get3A_611 : i32 to index
        %get3A_613 = arith.index_cast %add3A_610 : i32 to index
        %get3A_614 = arith.constant 64 : index
        %get3A_615 = tpu.vector_load %arg12[%get3A_612, %get3A_613, %get3A_614] {strides = array<i32>} : memref<4x64x128xf32, #tpu.memory_space<vmem>>, vector<1x1x16xf32>,
        %get3A_616 = vector.shape_cast %get3A_615 : vector<1x1x16xf32> to vector<16xf32>
        %swap3A_617 = arith.constant 2 : i32
        %swap3A_618 = arith.index_cast %swap3A_617 : i32 to index
        %swap3A_619 = arith.index_cast %add3A_610 : i32 to index
        %swap3A_620 = arith.constant 192 : index
        %swap3A_621 = tpu.vector_load %arg11[%swap3A_618, %swap3A_619, %swap3A_620] {strides = array<i32>} : memref<4x64x256xf32, #tpu.memory_space<vmem>>, vector<1x1x16xf32>,
        %swap3A_622 = vector.shape_cast %swap3A_621 : vector<1x1x16xf32> to vector<16xf32>
        %swap3A_623 = vector.shape_cast %get3A_616 : vector<16xf32> to vector<1x1x16xf32>
        tpu.vector_store %arg11[%swap3A_618, %swap3A_619, %swap3A_620], %swap3A_623 {strides = array<i32>} : memref<4x64x256xf32, #tpu.memory_space<vmem>>, vector<1x1x16xf32>,
        %get3A_624 = arith.constant 2 : i32
        %get3A_625 = arith.index_cast %get3A_624 : i32 to index
        %get3A_626 = arith.index_cast %add3A_610 : i32 to index
        %get3A_627 = arith.constant 80 : index
        %get3A_628 = tpu.vector_load %arg12[%get3A_625, %get3A_626, %get3A_627] {strides = array<i32>} : memref<4x64x128xf32, #tpu.memory_space<vmem>>, vector<1x1x16xf32>,
        %get3A_629 = vector.shape_cast %get3A_628 : vector<1x1x16xf32> to vector<16xf32>
        %swap3A_630 = arith.constant 2 : i32
        %swap3A_631 = arith.index_cast %swap3A_630 : i32 to index
        %swap3A_632 = arith.index_cast %add3A_610 : i32 to index
        %swap3A_633 = arith.constant 208 : index
        %swap3A_634 = tpu.vector_load %arg11[%swap3A_631, %swap3A_632, %swap3A_633] {strides = array<i32>} : memref<4x64x256xf32, #tpu.memory_space<vmem>>, vector<1x1x16xf32>,
        %swap3A_635 = vector.shape_cast %swap3A_634 : vector<1x1x16xf32> to vector<16xf32>
        %swap3A_636 = vector.shape_cast %get3A_629 : vector<16xf32> to vector<1x1x16xf32>
        tpu.vector_store %arg11[%swap3A_631, %swap3A_632, %swap3A_633], %swap3A_636 {strides = array<i32>} : memref<4x64x256xf32, #tpu.memory_space<vmem>>, vector<1x1x16xf32>,
        %get3A_637 = arith.constant 2 : i32
        %get3A_638 = arith.index_cast %get3A_637 : i32 to index
        %get3A_639 = arith.index_cast %add3A_610 : i32 to index
        %get3A_640 = arith.constant 96 : index
        %get3A_641 = tpu.vector_load %arg12[%get3A_638, %get3A_639, %get3A_640] {strides = array<i32>} : memref<4x64x128xf32, #tpu.memory_space<vmem>>, vector<1x1x16xf32>,
        %get3A_642 = vector.shape_cast %get3A_641 : vector<1x1x16xf32> to vector<16xf32>
        %swap3A_643 = arith.constant 2 : i32
        %swap3A_644 = arith.index_cast %swap3A_643 : i32 to index
        %swap3A_645 = arith.index_cast %add3A_610 : i32 to index
        %swap3A_646 = arith.constant 224 : index
        %swap3A_647 = tpu.vector_load %arg11[%swap3A_644, %swap3A_645, %swap3A_646] {strides = array<i32>} : memref<4x64x256xf32, #tpu.memory_space<vmem>>, vector<1x1x16xf32>,
        %swap3A_648 = vector.shape_cast %swap3A_647 : vector<1x1x16xf32> to vector<16xf32>
        %swap3A_649 = vector.shape_cast %get3A_642 : vector<16xf32> to vector<1x1x16xf32>
        tpu.vector_store %arg11[%swap3A_644, %swap3A_645, %swap3A_646], %swap3A_649 {strides = array<i32>} : memref<4x64x256xf32, #tpu.memory_space<vmem>>, vector<1x1x16xf32>,
        %get3A_650 = arith.constant 2 : i32
        %get3A_651 = arith.index_cast %get3A_650 : i32 to index
        %get3A_652 = arith.index_cast %add3A_610 : i32 to index
        %get3A_653 = arith.constant 112 : index
        %get3A_654 = tpu.vector_load %arg12[%get3A_651, %get3A_652, %get3A_653] {strides = array<i32>} : memref<4x64x128xf32, #tpu.memory_space<vmem>>, vector<1x1x16xf32>,
        %get3A_655 = vector.shape_cast %get3A_654 : vector<1x1x16xf32> to vector<16xf32>
        %swap3A_656 = arith.constant 2 : i32
        %swap3A_657 = arith.index_cast %swap3A_656 : i32 to index
        %swap3A_658 = arith.index_cast %add3A_610 : i32 to index
        %swap3A_659 = arith.constant 240 : index
        %swap3A_660 = tpu.vector_load %arg11[%swap3A_657, %swap3A_658, %swap3A_659] {strides = array<i32>} : memref<4x64x256xf32, #tpu.memory_space<vmem>>, vector<1x1x16xf32>,
        %swap3A_661 = vector.shape_cast %swap3A_660 : vector<1x1x16xf32> to vector<16xf32>
        %swap3A_662 = vector.shape_cast %get3A_655 : vector<16xf32> to vector<1x1x16xf32>
        tpu.vector_store %arg11[%swap3A_657, %swap3A_658, %swap3A_659], %swap3A_662 {strides = array<i32>} : memref<4x64x256xf32, #tpu.memory_space<vmem>>, vector<1x1x16xf32>,
        %scan3A_663 = arith.constant 3 : i32
        %scan3A_664 = arith.addi %scan3A_492, %scan3A_663 : i32
        %mul3A_665 = arith.constant 1 : i32
        %mul3A_666 = arith.muli %scan3A_664, %mul3A_665 : i32
        %add3A_667 = arith.constant 0 : i32
        %add3A_668 = arith.addi %add3A_667, %mul3A_666 : i32
        %get3A_669 = arith.constant 2 : i32
        %get3A_670 = arith.index_cast %get3A_669 : i32 to index
        %get3A_671 = arith.index_cast %add3A_668 : i32 to index
        %get3A_672 = arith.constant 64 : index
        %get3A_673 = tpu.vector_load %arg12[%get3A_670, %get3A_671, %get3A_672] {strides = array<i32>} : memref<4x64x128xf32, #tpu.memory_space<vmem>>, vector<1x1x16xf32>,
        %get3A_674 = vector.shape_cast %get3A_673 : vector<1x1x16xf32> to vector<16xf32>
        %swap3A_675 = arith.constant 2 : i32
        %swap3A_676 = arith.index_cast %swap3A_675 : i32 to index
        %swap3A_677 = arith.index_cast %add3A_668 : i32 to index
        %swap3A_678 = arith.constant 192 : index
        %swap3A_679 = tpu.vector_load %arg11[%swap3A_676, %swap3A_677, %swap3A_678] {strides = array<i32>} : memref<4x64x256xf32, #tpu.memory_space<vmem>>, vector<1x1x16xf32>,
        %swap3A_680 = vector.shape_cast %swap3A_679 : vector<1x1x16xf32> to vector<16xf32>
        %swap3A_681 = vector.shape_cast %get3A_674 : vector<16xf32> to vector<1x1x16xf32>
        tpu.vector_store %arg11[%swap3A_676, %swap3A_677, %swap3A_678], %swap3A_681 {strides = array<i32>} : memref<4x64x256xf32, #tpu.memory_space<vmem>>, vector<1x1x16xf32>,
        %get3A_682 = arith.constant 2 : i32
        %get3A_683 = arith.index_cast %get3A_682 : i32 to index
        %get3A_684 = arith.index_cast %add3A_668 : i32 to index
        %get3A_685 = arith.constant 80 : index
        %get3A_686 = tpu.vector_load %arg12[%get3A_683, %get3A_684, %get3A_685] {strides = array<i32>} : memref<4x64x128xf32, #tpu.memory_space<vmem>>, vector<1x1x16xf32>,
        %get3A_687 = vector.shape_cast %get3A_686 : vector<1x1x16xf32> to vector<16xf32>
        %swap3A_688 = arith.constant 2 : i32
        %swap3A_689 = arith.index_cast %swap3A_688 : i32 to index
        %swap3A_690 = arith.index_cast %add3A_668 : i32 to index
        %swap3A_691 = arith.constant 208 : index
        %swap3A_692 = tpu.vector_load %arg11[%swap3A_689, %swap3A_690, %swap3A_691] {strides = array<i32>} : memref<4x64x256xf32, #tpu.memory_space<vmem>>, vector<1x1x16xf32>,
        %swap3A_693 = vector.shape_cast %swap3A_692 : vector<1x1x16xf32> to vector<16xf32>
        %swap3A_694 = vector.shape_cast %get3A_687 : vector<16xf32> to vector<1x1x16xf32>
        tpu.vector_store %arg11[%swap3A_689, %swap3A_690, %swap3A_691], %swap3A_694 {strides = array<i32>} : memref<4x64x256xf32, #tpu.memory_space<vmem>>, vector<1x1x16xf32>,
        %get3A_695 = arith.constant 2 : i32
        %get3A_696 = arith.index_cast %get3A_695 : i32 to index
        %get3A_697 = arith.index_cast %add3A_668 : i32 to index
        %get3A_698 = arith.constant 96 : index
        %get3A_699 = tpu.vector_load %arg12[%get3A_696, %get3A_697, %get3A_698] {strides = array<i32>} : memref<4x64x128xf32, #tpu.memory_space<vmem>>, vector<1x1x16xf32>,
        %get3A_700 = vector.shape_cast %get3A_699 : vector<1x1x16xf32> to vector<16xf32>
        %swap3A_701 = arith.constant 2 : i32
        %swap3A_702 = arith.index_cast %swap3A_701 : i32 to index
        %swap3A_703 = arith.index_cast %add3A_668 : i32 to index
        %swap3A_704 = arith.constant 224 : index
        %swap3A_705 = tpu.vector_load %arg11[%swap3A_702, %swap3A_703, %swap3A_704] {strides = array<i32>} : memref<4x64x256xf32, #tpu.memory_space<vmem>>, vector<1x1x16xf32>,
        %swap3A_706 = vector.shape_cast %swap3A_705 : vector<1x1x16xf32> to vector<16xf32>
        %swap3A_707 = vector.shape_cast %get3A_700 : vector<16xf32> to vector<1x1x16xf32>
        tpu.vector_store %arg11[%swap3A_702, %swap3A_703, %swap3A_704], %swap3A_707 {strides = array<i32>} : memref<4x64x256xf32, #tpu.memory_space<vmem>>, vector<1x1x16xf32>,
        %get3A_708 = arith.constant 2 : i32
        %get3A_709 = arith.index_cast %get3A_708 : i32 to index
        %get3A_710 = arith.index_cast %add3A_668 : i32 to index
        %get3A_711 = arith.constant 112 : index
        %get3A_712 = tpu.vector_load %arg12[%get3A_709, %get3A_710, %get3A_711] {strides = array<i32>} : memref<4x64x128xf32, #tpu.memory_space<vmem>>, vector<1x1x16xf32>,
        %get3A_713 = vector.shape_cast %get3A_712 : vector<1x1x16xf32> to vector<16xf32>
        %swap3A_714 = arith.constant 2 : i32
        %swap3A_715 = arith.index_cast %swap3A_714 : i32 to index
        %swap3A_716 = arith.index_cast %add3A_668 : i32 to index
        %swap3A_717 = arith.constant 240 : index
        %swap3A_718 = tpu.vector_load %arg11[%swap3A_715, %swap3A_716, %swap3A_717] {strides = array<i32>} : memref<4x64x256xf32, #tpu.memory_space<vmem>>, vector<1x1x16xf32>,
        %swap3A_719 = vector.shape_cast %swap3A_718 : vector<1x1x16xf32> to vector<16xf32>
        %swap3A_720 = vector.shape_cast %get3A_713 : vector<16xf32> to vector<1x1x16xf32>
        tpu.vector_store %arg11[%swap3A_715, %swap3A_716, %swap3A_717], %swap3A_720 {strides = array<i32>} : memref<4x64x256xf32, #tpu.memory_space<vmem>>, vector<1x1x16xf32>,
      }
      %scan3A_386 = arith.constant 64 : i32
      %mul3A_387 = arith.constant 64 : i32
      %mul3A_388 = arith.muli %add3A_333, %mul3A_387 : i32
      %add3A_389 = arith.addi %mul3A_2, %mul3A_388 : i32
      %dma_start3A_390 = arith.constant 2 : i32
      %dma_start3A_391 = arith.constant 0 : i32
      %dma_start3A_392 = arith.constant 0 : i32
      %dma_start3A_393 = tpu.memref_slice %arg11[%dma_start3A_390, %dma_start3A_391, %dma_start3A_392] : memref<4x64x256xf32, #tpu.memory_space<vmem>> -> memref<1x64x256xf32, #tpu.memory_space<vmem>>
      %dma_start3A_394 = tpu.memref_squeeze %dma_start3A_393 : memref<1x64x256xf32, #tpu.memory_space<vmem>> -> memref<64x256xf32, #tpu.memory_space<vmem>>
      %dma_start3A_395 = arith.constant 0 : i32
      %dma_start3A_396 = tpu.memref_slice %arg7[%add3A_389, %dma_start3A_395] : memref<204800x256xf32, #tpu.memory_space<hbm>> -> memref<64x256xf32, #tpu.memory_space<hbm>>
      %dma_start3A_397 = arith.constant 0 : i32
      %dma_start3A_398 = tpu.memref_slice %arg7[%add3A_389, %dma_start3A_397] : memref<204800x256xf32, #tpu.memory_space<hbm>> -> memref<64x256xf32, #tpu.memory_space<hbm>>
      %dma_start3A_399 = arith.constant 0 : i32
      %dma_start3A_400 = arith.constant 0 : i32
      %dma_start3A_401 = tpu.memref_slice %arg11[%dma_start3A_390, %dma_start3A_399, %dma_start3A_400] : memref<4x64x256xf32, #tpu.memory_space<vmem>> -> memref<1x64x256xf32, #tpu.memory_space<vmem>>
      %dma_start3A_402 = tpu.memref_squeeze %dma_start3A_401 : memref<1x64x256xf32, #tpu.memory_space<vmem>> -> memref<64x256xf32, #tpu.memory_space<vmem>>
      tpu.enqueue_dma source(%dma_start3A_402 : memref<64x256xf32, #tpu.memory_space<vmem>>) target(%dma_start3A_398 : memref<64x256xf32, #tpu.memory_space<hbm>>) target_semaphore(%arg23 : memref<!tpu.dma_semaphore, #tpu.memory_space<semaphore_mem>>)
      %add3A_403 = arith.constant 4 : i32
      %add3A_404 = arith.addi %add3A_333, %add3A_403 : i32
      %sub3A_405 = arith.constant 1 : i32
      %sub3A_406 = arith.subi %add3A_404, %sub3A_405 : i32
      %lt3A_407 = arith.constant 100 : i32
      %lt3A_408 = arith.cmpi slt, %sub3A_406, %lt3A_407 : i32
      %convert_element_type3A_409 = arith.extui %lt3A_408 : i1 to i32
      %cond3A_410 = arith.constant 0 : i32
      %cond3A_411 = arith.cmpi ne, %convert_element_type3A_409, %cond3A_410 : i32
      scf.if %cond3A_411 {
        %ge3A = arith.constant 1 : i32
        %ge3A_492 = arith.cmpi sge, %add3A_333, %ge3A : i32
        %convert_element_type3A_493 = arith.extui %ge3A_492 : i1 to i32
        %cond3A_494 = arith.constant 0 : i32
        %cond3A_495 = arith.cmpi ne, %convert_element_type3A_493, %cond3A_494 : i32
        scf.if %cond3A_495 {
          %sub3A_548 = arith.constant 1 : i32
          %sub3A_549 = arith.subi %add3A_333, %sub3A_548 : i32
          %mul3A_550 = arith.constant 64 : i32
          %mul3A_551 = arith.muli %sub3A_549, %mul3A_550 : i32
          %add3A_552 = arith.addi %mul3A_2, %mul3A_551 : i32
          %dma_wait3A_553 = arith.constant 1 : i32
          %dma_wait3A_554 = arith.constant 0 : i32
          %dma_wait3A_555 = arith.constant 0 : i32
          %dma_wait3A_556 = tpu.memref_slice %arg11[%dma_wait3A_553, %dma_wait3A_554, %dma_wait3A_555] : memref<4x64x256xf32, #tpu.memory_space<vmem>> -> memref<1x64x256xf32, #tpu.memory_space<vmem>>
          %dma_wait3A_557 = tpu.memref_squeeze %dma_wait3A_556 : memref<1x64x256xf32, #tpu.memory_space<vmem>> -> memref<64x256xf32, #tpu.memory_space<vmem>>
          %dma_wait3A_558 = arith.constant 0 : i32
          %dma_wait3A_559 = tpu.memref_slice %arg7[%add3A_552, %dma_wait3A_558] : memref<204800x256xf32, #tpu.memory_space<hbm>> -> memref<64x256xf32, #tpu.memory_space<hbm>>
          %dma_wait3A_560 = arith.constant 0 : i32
          %dma_wait3A_561 = tpu.memref_slice %arg7[%add3A_552, %dma_wait3A_560] : memref<204800x256xf32, #tpu.memory_space<hbm>> -> memref<64x256xf32, #tpu.memory_space<hbm>>
          %dma_wait3A_562 = arith.constant 0 : i32
          %dma_wait3A_563 = arith.constant 0 : i32
          %dma_wait3A_564 = tpu.memref_slice %arg11[%dma_wait3A_553, %dma_wait3A_562, %dma_wait3A_563] : memref<4x64x256xf32, #tpu.memory_space<vmem>> -> memref<1x64x256xf32, #tpu.memory_space<vmem>>
          %dma_wait3A_565 = tpu.memref_squeeze %dma_wait3A_564 : memref<1x64x256xf32, #tpu.memory_space<vmem>> -> memref<64x256xf32, #tpu.memory_space<vmem>>
          tpu.wait_dma2 semaphore(%arg22 : memref<!tpu.dma_semaphore, #tpu.memory_space<semaphore_mem>>) src(%dma_wait3A_565 : memref<64x256xf32, #tpu.memory_space<vmem>>) dst(%dma_wait3A_561 : memref<64x256xf32, #tpu.memory_space<hbm>>)
        } else {
        }
        %add3A_496 = arith.constant 4 : i32
        %add3A_497 = arith.addi %add3A_333, %add3A_496 : i32
        %sub3A_498 = arith.constant 1 : i32
        %sub3A_499 = arith.subi %add3A_497, %sub3A_498 : i32
        %shift_right_arithmetic3A_500 = arith.constant 1 : i32
        %shift_right_arithmetic3A_501 = arith.shrsi %sub3A_499, %shift_right_arithmetic3A_500 : i32
        %and3A_502 = arith.constant 1 : i32
        %and3A_503 = arith.andi %sub3A_499, %and3A_502 : i32
        %mul3A_504 = arith.constant 64 : i32
        %mul3A_505 = arith.muli %and3A_503, %mul3A_504 : i32
        %dma_start3A_506 = arith.constant 1 : i32
        %dma_start3A_507 = arith.constant 0 : i32
        %dma_start3A_508 = arith.constant 0 : i32
        %dma_start3A_509 = tpu.memref_slice %arg11[%dma_start3A_506, %dma_start3A_507, %dma_start3A_508] : memref<4x64x256xf32, #tpu.memory_space<vmem>> -> memref<1x64x128xf32, #tpu.memory_space<vmem>>
        %dma_start3A_510 = tpu.memref_squeeze %dma_start3A_509 : memref<1x64x128xf32, #tpu.memory_space<vmem>> -> memref<64x128xf32, #tpu.memory_space<vmem>>
        %dma_start3A_511 = tpu.memref_slice %arg8[%shift_right_arithmetic3A_501, %mul3A_505] : memref<50x128xi32, #tpu.memory_space<vmem>> -> memref<1x64xi32, #tpu.memory_space<vmem>>
        %dma_start3A_512 = tpu.memref_squeeze %dma_start3A_511 : memref<1x64xi32, #tpu.memory_space<vmem>> -> memref<64xi32, #tpu.memory_space<vmem>>
        %dma_start3A_513 = arith.constant 0 : i32
        %dma_start3A_514 = arith.constant 0 : i32
        %dma_start3A_515 = tpu.memref_slice %arg2[%dma_start3A_513, %dma_start3A_514] : memref<100000x128xf32, #tpu.memory_space<hbm>> -> memref<100000x128xf32, #tpu.memory_space<hbm>>
        tpu.enqueue_indirect_dma source(%dma_start3A_515 : memref<100000x128xf32, #tpu.memory_space<hbm>>) target(%dma_start3A_510 : memref<64x128xf32, #tpu.memory_space<vmem>>) offsets(%dma_start3A_512 : memref<64xi32, #tpu.memory_space<vmem>>) semaphore(%arg14 : memref<!tpu.dma_semaphore, #tpu.memory_space<semaphore_mem>>)
        %shift_right_arithmetic3A_516 = arith.constant 1 : i32
        %shift_right_arithmetic3A_517 = arith.shrsi %sub3A_499, %shift_right_arithmetic3A_516 : i32
        %and3A_518 = arith.constant 1 : i32
        %and3A_519 = arith.andi %sub3A_499, %and3A_518 : i32
        %mul3A_520 = arith.constant 64 : i32
        %mul3A_521 = arith.muli %and3A_519, %mul3A_520 : i32
        %dma_start3A_522 = arith.constant 1 : i32
        %dma_start3A_523 = arith.constant 0 : i32
        %dma_start3A_524 = arith.constant 128 : i32
        %dma_start3A_525 = tpu.memref_slice %arg11[%dma_start3A_522, %dma_start3A_523, %dma_start3A_524] : memref<4x64x256xf32, #tpu.memory_space<vmem>> -> memref<1x64x128xf32, #tpu.memory_space<vmem>>
        %dma_start3A_526 = tpu.memref_squeeze %dma_start3A_525 : memref<1x64x128xf32, #tpu.memory_space<vmem>> -> memref<64x128xf32, #tpu.memory_space<vmem>>
        %dma_start3A_527 = tpu.memref_slice %arg9[%shift_right_arithmetic3A_517, %mul3A_521] : memref<50x128xi32, #tpu.memory_space<vmem>> -> memref<1x64xi32, #tpu.memory_space<vmem>>
        %dma_start3A_528 = tpu.memref_squeeze %dma_start3A_527 : memref<1x64xi32, #tpu.memory_space<vmem>> -> memref<64xi32, #tpu.memory_space<vmem>>
        %dma_start3A_529 = arith.constant 0 : i32
        %dma_start3A_530 = arith.constant 0 : i32
        %dma_start3A_531 = tpu.memref_slice %arg3[%dma_start3A_529, %dma_start3A_530] : memref<1000x128xf32, #tpu.memory_space<hbm>> -> memref<1000x128xf32, #tpu.memory_space<hbm>>
        tpu.enqueue_indirect_dma source(%dma_start3A_531 : memref<1000x128xf32, #tpu.memory_space<hbm>>) target(%dma_start3A_526 : memref<64x128xf32, #tpu.memory_space<vmem>>) offsets(%dma_start3A_528 : memref<64xi32, #tpu.memory_space<vmem>>) semaphore(%arg14 : memref<!tpu.dma_semaphore, #tpu.memory_space<semaphore_mem>>)
        %shift_right_arithmetic3A_532 = arith.constant 1 : i32
        %shift_right_arithmetic3A_533 = arith.shrsi %sub3A_499, %shift_right_arithmetic3A_532 : i32
        %and3A_534 = arith.constant 1 : i32
        %and3A_535 = arith.andi %sub3A_499, %and3A_534 : i32
        %mul3A_536 = arith.constant 64 : i32
        %mul3A_537 = arith.muli %and3A_535, %mul3A_536 : i32
        %dma_start3A_538 = arith.constant 1 : i32
        %dma_start3A_539 = arith.constant 0 : i32
        %dma_start3A_540 = arith.constant 0 : i32
        %dma_start3A_541 = tpu.memref_slice %arg12[%dma_start3A_538, %dma_start3A_539, %dma_start3A_540] : memref<4x64x128xf32, #tpu.memory_space<vmem>> -> memref<1x64x128xf32, #tpu.memory_space<vmem>>
        %dma_start3A_542 = tpu.memref_squeeze %dma_start3A_541 : memref<1x64x128xf32, #tpu.memory_space<vmem>> -> memref<64x128xf32, #tpu.memory_space<vmem>>
        %dma_start3A_543 = tpu.memref_slice %arg10[%shift_right_arithmetic3A_533, %mul3A_537] : memref<50x128xi32, #tpu.memory_space<vmem>> -> memref<1x64xi32, #tpu.memory_space<vmem>>
        %dma_start3A_544 = tpu.memref_squeeze %dma_start3A_543 : memref<1x64xi32, #tpu.memory_space<vmem>> -> memref<64xi32, #tpu.memory_space<vmem>>
        %dma_start3A_545 = arith.constant 0 : i32
        %dma_start3A_546 = arith.constant 0 : i32
        %dma_start3A_547 = tpu.memref_slice %arg3[%dma_start3A_545, %dma_start3A_546] : memref<1000x128xf32, #tpu.memory_space<hbm>> -> memref<1000x128xf32, #tpu.memory_space<hbm>>
        tpu.enqueue_indirect_dma source(%dma_start3A_547 : memref<1000x128xf32, #tpu.memory_space<hbm>>) target(%dma_start3A_542 : memref<64x128xf32, #tpu.memory_space<vmem>>) offsets(%dma_start3A_544 : memref<64xi32, #tpu.memory_space<vmem>>) semaphore(%arg18 : memref<!tpu.dma_semaphore, #tpu.memory_space<semaphore_mem>>)
      } else {
      }
      %add3A_412 = arith.constant 3 : i32
      %add3A_413 = arith.addi %add3A_177, %add3A_412 : i32
      %shift_right_arithmetic3A_414 = arith.constant 1 : i32
      %shift_right_arithmetic3A_415 = arith.shrsi %add3A_413, %shift_right_arithmetic3A_414 : i32
      %and3A_416 = arith.constant 1 : i32
      %and3A_417 = arith.andi %add3A_413, %and3A_416 : i32
      %mul3A_418 = arith.constant 64 : i32
      %mul3A_419 = arith.muli %and3A_417, %mul3A_418 : i32
      %dma_wait3A_420 = arith.constant 3 : i32
      %dma_wait3A_421 = arith.constant 0 : i32
      %dma_wait3A_422 = arith.constant 0 : i32
      %dma_wait3A_423 = tpu.memref_slice %arg11[%dma_wait3A_420, %dma_wait3A_421, %dma_wait3A_422] : memref<4x64x256xf32, #tpu.memory_space<vmem>> -> memref<1x64x128xf32, #tpu.memory_space<vmem>>
      %dma_wait3A_424 = tpu.memref_squeeze %dma_wait3A_423 : memref<1x64x128xf32, #tpu.memory_space<vmem>> -> memref<64x128xf32, #tpu.memory_space<vmem>>
      %dma_wait3A_425 = tpu.memref_slice %arg8[%shift_right_arithmetic3A_415, %mul3A_419] : memref<50x128xi32, #tpu.memory_space<vmem>> -> memref<1x64xi32, #tpu.memory_space<vmem>>
      %dma_wait3A_426 = tpu.memref_squeeze %dma_wait3A_425 : memref<1x64xi32, #tpu.memory_space<vmem>> -> memref<64xi32, #tpu.memory_space<vmem>>
      %dma_wait3A_427 = arith.constant 0 : i32
      %dma_wait3A_428 = arith.constant 0 : i32
      %dma_wait3A_429 = tpu.memref_slice %arg2[%dma_wait3A_427, %dma_wait3A_428] : memref<100000x128xf32, #tpu.memory_space<hbm>> -> memref<100000x128xf32, #tpu.memory_space<hbm>>
      tpu.wait_indirect_dma semaphore(%arg16 : memref<!tpu.dma_semaphore, #tpu.memory_space<semaphore_mem>>) src(%dma_wait3A_429 : memref<100000x128xf32, #tpu.memory_space<hbm>>) dst(%dma_wait3A_424 : memref<64x128xf32, #tpu.memory_space<vmem>>)
      %shift_right_arithmetic3A_430 = arith.constant 1 : i32
      %shift_right_arithmetic3A_431 = arith.shrsi %add3A_413, %shift_right_arithmetic3A_430 : i32
      %and3A_432 = arith.constant 1 : i32
      %and3A_433 = arith.andi %add3A_413, %and3A_432 : i32
      %mul3A_434 = arith.constant 64 : i32
      %mul3A_435 = arith.muli %and3A_433, %mul3A_434 : i32
      %dma_wait3A_436 = arith.constant 3 : i32
      %dma_wait3A_437 = arith.constant 0 : i32
      %dma_wait3A_438 = arith.constant 128 : i32
      %dma_wait3A_439 = tpu.memref_slice %arg11[%dma_wait3A_436, %dma_wait3A_437, %dma_wait3A_438] : memref<4x64x256xf32, #tpu.memory_space<vmem>> -> memref<1x64x128xf32, #tpu.memory_space<vmem>>
      %dma_wait3A_440 = tpu.memref_squeeze %dma_wait3A_439 : memref<1x64x128xf32, #tpu.memory_space<vmem>> -> memref<64x128xf32, #tpu.memory_space<vmem>>
      %dma_wait3A_441 = tpu.memref_slice %arg9[%shift_right_arithmetic3A_431, %mul3A_435] : memref<50x128xi32, #tpu.memory_space<vmem>> -> memref<1x64xi32, #tpu.memory_space<vmem>>
      %dma_wait3A_442 = tpu.memref_squeeze %dma_wait3A_441 : memref<1x64xi32, #tpu.memory_space<vmem>> -> memref<64xi32, #tpu.memory_space<vmem>>
      %dma_wait3A_443 = arith.constant 0 : i32
      %dma_wait3A_444 = arith.constant 0 : i32
      %dma_wait3A_445 = tpu.memref_slice %arg3[%dma_wait3A_443, %dma_wait3A_444] : memref<1000x128xf32, #tpu.memory_space<hbm>> -> memref<1000x128xf32, #tpu.memory_space<hbm>>
      tpu.wait_indirect_dma semaphore(%arg16 : memref<!tpu.dma_semaphore, #tpu.memory_space<semaphore_mem>>) src(%dma_wait3A_445 : memref<1000x128xf32, #tpu.memory_space<hbm>>) dst(%dma_wait3A_440 : memref<64x128xf32, #tpu.memory_space<vmem>>)
      %shift_right_arithmetic3A_446 = arith.constant 1 : i32
      %shift_right_arithmetic3A_447 = arith.shrsi %add3A_413, %shift_right_arithmetic3A_446 : i32
      %and3A_448 = arith.constant 1 : i32
      %and3A_449 = arith.andi %add3A_413, %and3A_448 : i32
      %mul3A_450 = arith.constant 64 : i32
      %mul3A_451 = arith.muli %and3A_449, %mul3A_450 : i32
      %dma_wait3A_452 = arith.constant 3 : i32
      %dma_wait3A_453 = arith.constant 0 : i32
      %dma_wait3A_454 = arith.constant 0 : i32
      %dma_wait3A_455 = tpu.memref_slice %arg12[%dma_wait3A_452, %dma_wait3A_453, %dma_wait3A_454] : memref<4x64x128xf32, #tpu.memory_space<vmem>> -> memref<1x64x128xf32, #tpu.memory_space<vmem>>
      %dma_wait3A_456 = tpu.memref_squeeze %dma_wait3A_455 : memref<1x64x128xf32, #tpu.memory_space<vmem>> -> memref<64x128xf32, #tpu.memory_space<vmem>>
      %dma_wait3A_457 = tpu.memref_slice %arg10[%shift_right_arithmetic3A_447, %mul3A_451] : memref<50x128xi32, #tpu.memory_space<vmem>> -> memref<1x64xi32, #tpu.memory_space<vmem>>
      %dma_wait3A_458 = tpu.memref_squeeze %dma_wait3A_457 : memref<1x64xi32, #tpu.memory_space<vmem>> -> memref<64xi32, #tpu.memory_space<vmem>>
      %dma_wait3A_459 = arith.constant 0 : i32
      %dma_wait3A_460 = arith.constant 0 : i32
      %dma_wait3A_461 = tpu.memref_slice %arg3[%dma_wait3A_459, %dma_wait3A_460] : memref<1000x128xf32, #tpu.memory_space<hbm>> -> memref<1000x128xf32, #tpu.memory_space<hbm>>
      tpu.wait_indirect_dma semaphore(%arg20 : memref<!tpu.dma_semaphore, #tpu.memory_space<semaphore_mem>>) src(%dma_wait3A_461 : memref<1000x128xf32, #tpu.memory_space<hbm>>) dst(%dma_wait3A_456 : memref<64x128xf32, #tpu.memory_space<vmem>>)
      %scan3A_462 = arith.constant 0 : i32
      %scan3A_463 = arith.constant 64 : i32
      %scan3A_464 = arith.addi %scan3A_462, %scan3A_463 : i32
      %scan3A_465 = arith.constant 4 : i32
      scf.for %scan3A_492 = %scan3A_462 to %scan3A_464 step %scan3A_465  : i32 {
        %mul3A_493 = arith.constant 1 : i32
        %mul3A_494 = arith.muli %scan3A_492, %mul3A_493 : i32
        %add3A_495 = arith.constant 0 : i32
        %add3A_496 = arith.addi %add3A_495, %mul3A_494 : i32
        %get3A = arith.constant 3 : i32
        %get3A_497 = arith.index_cast %get3A : i32 to index
        %get3A_498 = arith.index_cast %add3A_496 : i32 to index
        %get3A_499 = arith.constant 64 : index
        %get3A_500 = tpu.vector_load %arg12[%get3A_497, %get3A_498, %get3A_499] {strides = array<i32>} : memref<4x64x128xf32, #tpu.memory_space<vmem>>, vector<1x1x16xf32>,
        %get3A_501 = vector.shape_cast %get3A_500 : vector<1x1x16xf32> to vector<16xf32>
        %swap3A = arith.constant 3 : i32
        %swap3A_502 = arith.index_cast %swap3A : i32 to index
        %swap3A_503 = arith.index_cast %add3A_496 : i32 to index
        %swap3A_504 = arith.constant 192 : index
        %swap3A_505 = tpu.vector_load %arg11[%swap3A_502, %swap3A_503, %swap3A_504] {strides = array<i32>} : memref<4x64x256xf32, #tpu.memory_space<vmem>>, vector<1x1x16xf32>,
        %swap3A_506 = vector.shape_cast %swap3A_505 : vector<1x1x16xf32> to vector<16xf32>
        %swap3A_507 = vector.shape_cast %get3A_501 : vector<16xf32> to vector<1x1x16xf32>
        tpu.vector_store %arg11[%swap3A_502, %swap3A_503, %swap3A_504], %swap3A_507 {strides = array<i32>} : memref<4x64x256xf32, #tpu.memory_space<vmem>>, vector<1x1x16xf32>,
        %get3A_508 = arith.constant 3 : i32
        %get3A_509 = arith.index_cast %get3A_508 : i32 to index
        %get3A_510 = arith.index_cast %add3A_496 : i32 to index
        %get3A_511 = arith.constant 80 : index
        %get3A_512 = tpu.vector_load %arg12[%get3A_509, %get3A_510, %get3A_511] {strides = array<i32>} : memref<4x64x128xf32, #tpu.memory_space<vmem>>, vector<1x1x16xf32>,
        %get3A_513 = vector.shape_cast %get3A_512 : vector<1x1x16xf32> to vector<16xf32>
        %swap3A_514 = arith.constant 3 : i32
        %swap3A_515 = arith.index_cast %swap3A_514 : i32 to index
        %swap3A_516 = arith.index_cast %add3A_496 : i32 to index
        %swap3A_517 = arith.constant 208 : index
        %swap3A_518 = tpu.vector_load %arg11[%swap3A_515, %swap3A_516, %swap3A_517] {strides = array<i32>} : memref<4x64x256xf32, #tpu.memory_space<vmem>>, vector<1x1x16xf32>,
        %swap3A_519 = vector.shape_cast %swap3A_518 : vector<1x1x16xf32> to vector<16xf32>
        %swap3A_520 = vector.shape_cast %get3A_513 : vector<16xf32> to vector<1x1x16xf32>
        tpu.vector_store %arg11[%swap3A_515, %swap3A_516, %swap3A_517], %swap3A_520 {strides = array<i32>} : memref<4x64x256xf32, #tpu.memory_space<vmem>>, vector<1x1x16xf32>,
        %get3A_521 = arith.constant 3 : i32
        %get3A_522 = arith.index_cast %get3A_521 : i32 to index
        %get3A_523 = arith.index_cast %add3A_496 : i32 to index
        %get3A_524 = arith.constant 96 : index
        %get3A_525 = tpu.vector_load %arg12[%get3A_522, %get3A_523, %get3A_524] {strides = array<i32>} : memref<4x64x128xf32, #tpu.memory_space<vmem>>, vector<1x1x16xf32>,
        %get3A_526 = vector.shape_cast %get3A_525 : vector<1x1x16xf32> to vector<16xf32>
        %swap3A_527 = arith.constant 3 : i32
        %swap3A_528 = arith.index_cast %swap3A_527 : i32 to index
        %swap3A_529 = arith.index_cast %add3A_496 : i32 to index
        %swap3A_530 = arith.constant 224 : index
        %swap3A_531 = tpu.vector_load %arg11[%swap3A_528, %swap3A_529, %swap3A_530] {strides = array<i32>} : memref<4x64x256xf32, #tpu.memory_space<vmem>>, vector<1x1x16xf32>,
        %swap3A_532 = vector.shape_cast %swap3A_531 : vector<1x1x16xf32> to vector<16xf32>
        %swap3A_533 = vector.shape_cast %get3A_526 : vector<16xf32> to vector<1x1x16xf32>
        tpu.vector_store %arg11[%swap3A_528, %swap3A_529, %swap3A_530], %swap3A_533 {strides = array<i32>} : memref<4x64x256xf32, #tpu.memory_space<vmem>>, vector<1x1x16xf32>,
        %get3A_534 = arith.constant 3 : i32
        %get3A_535 = arith.index_cast %get3A_534 : i32 to index
        %get3A_536 = arith.index_cast %add3A_496 : i32 to index
        %get3A_537 = arith.constant 112 : index
        %get3A_538 = tpu.vector_load %arg12[%get3A_535, %get3A_536, %get3A_537] {strides = array<i32>} : memref<4x64x128xf32, #tpu.memory_space<vmem>>, vector<1x1x16xf32>,
        %get3A_539 = vector.shape_cast %get3A_538 : vector<1x1x16xf32> to vector<16xf32>
        %swap3A_540 = arith.constant 3 : i32
        %swap3A_541 = arith.index_cast %swap3A_540 : i32 to index
        %swap3A_542 = arith.index_cast %add3A_496 : i32 to index
        %swap3A_543 = arith.constant 240 : index
        %swap3A_544 = tpu.vector_load %arg11[%swap3A_541, %swap3A_542, %swap3A_543] {strides = array<i32>} : memref<4x64x256xf32, #tpu.memory_space<vmem>>, vector<1x1x16xf32>,
        %swap3A_545 = vector.shape_cast %swap3A_544 : vector<1x1x16xf32> to vector<16xf32>
        %swap3A_546 = vector.shape_cast %get3A_539 : vector<16xf32> to vector<1x1x16xf32>
        tpu.vector_store %arg11[%swap3A_541, %swap3A_542, %swap3A_543], %swap3A_546 {strides = array<i32>} : memref<4x64x256xf32, #tpu.memory_space<vmem>>, vector<1x1x16xf32>,
        %scan3A_547 = arith.constant 1 : i32
        %scan3A_548 = arith.addi %scan3A_492, %scan3A_547 : i32
        %mul3A_549 = arith.constant 1 : i32
        %mul3A_550 = arith.muli %scan3A_548, %mul3A_549 : i32
        %add3A_551 = arith.constant 0 : i32
        %add3A_552 = arith.addi %add3A_551, %mul3A_550 : i32
        %get3A_553 = arith.constant 3 : i32
        %get3A_554 = arith.index_cast %get3A_553 : i32 to index
        %get3A_555 = arith.index_cast %add3A_552 : i32 to index
        %get3A_556 = arith.constant 64 : index
        %get3A_557 = tpu.vector_load %arg12[%get3A_554, %get3A_555, %get3A_556] {strides = array<i32>} : memref<4x64x128xf32, #tpu.memory_space<vmem>>, vector<1x1x16xf32>,
        %get3A_558 = vector.shape_cast %get3A_557 : vector<1x1x16xf32> to vector<16xf32>
        %swap3A_559 = arith.constant 3 : i32
        %swap3A_560 = arith.index_cast %swap3A_559 : i32 to index
        %swap3A_561 = arith.index_cast %add3A_552 : i32 to index
        %swap3A_562 = arith.constant 192 : index
        %swap3A_563 = tpu.vector_load %arg11[%swap3A_560, %swap3A_561, %swap3A_562] {strides = array<i32>} : memref<4x64x256xf32, #tpu.memory_space<vmem>>, vector<1x1x16xf32>,
        %swap3A_564 = vector.shape_cast %swap3A_563 : vector<1x1x16xf32> to vector<16xf32>
        %swap3A_565 = vector.shape_cast %get3A_558 : vector<16xf32> to vector<1x1x16xf32>
        tpu.vector_store %arg11[%swap3A_560, %swap3A_561, %swap3A_562], %swap3A_565 {strides = array<i32>} : memref<4x64x256xf32, #tpu.memory_space<vmem>>, vector<1x1x16xf32>,
        %get3A_566 = arith.constant 3 : i32
        %get3A_567 = arith.index_cast %get3A_566 : i32 to index
        %get3A_568 = arith.index_cast %add3A_552 : i32 to index
        %get3A_569 = arith.constant 80 : index
        %get3A_570 = tpu.vector_load %arg12[%get3A_567, %get3A_568, %get3A_569] {strides = array<i32>} : memref<4x64x128xf32, #tpu.memory_space<vmem>>, vector<1x1x16xf32>,
        %get3A_571 = vector.shape_cast %get3A_570 : vector<1x1x16xf32> to vector<16xf32>
        %swap3A_572 = arith.constant 3 : i32
        %swap3A_573 = arith.index_cast %swap3A_572 : i32 to index
        %swap3A_574 = arith.index_cast %add3A_552 : i32 to index
        %swap3A_575 = arith.constant 208 : index
        %swap3A_576 = tpu.vector_load %arg11[%swap3A_573, %swap3A_574, %swap3A_575] {strides = array<i32>} : memref<4x64x256xf32, #tpu.memory_space<vmem>>, vector<1x1x16xf32>,
        %swap3A_577 = vector.shape_cast %swap3A_576 : vector<1x1x16xf32> to vector<16xf32>
        %swap3A_578 = vector.shape_cast %get3A_571 : vector<16xf32> to vector<1x1x16xf32>
        tpu.vector_store %arg11[%swap3A_573, %swap3A_574, %swap3A_575], %swap3A_578 {strides = array<i32>} : memref<4x64x256xf32, #tpu.memory_space<vmem>>, vector<1x1x16xf32>,
        %get3A_579 = arith.constant 3 : i32
        %get3A_580 = arith.index_cast %get3A_579 : i32 to index
        %get3A_581 = arith.index_cast %add3A_552 : i32 to index
        %get3A_582 = arith.constant 96 : index
        %get3A_583 = tpu.vector_load %arg12[%get3A_580, %get3A_581, %get3A_582] {strides = array<i32>} : memref<4x64x128xf32, #tpu.memory_space<vmem>>, vector<1x1x16xf32>,
        %get3A_584 = vector.shape_cast %get3A_583 : vector<1x1x16xf32> to vector<16xf32>
        %swap3A_585 = arith.constant 3 : i32
        %swap3A_586 = arith.index_cast %swap3A_585 : i32 to index
        %swap3A_587 = arith.index_cast %add3A_552 : i32 to index
        %swap3A_588 = arith.constant 224 : index
        %swap3A_589 = tpu.vector_load %arg11[%swap3A_586, %swap3A_587, %swap3A_588] {strides = array<i32>} : memref<4x64x256xf32, #tpu.memory_space<vmem>>, vector<1x1x16xf32>,
        %swap3A_590 = vector.shape_cast %swap3A_589 : vector<1x1x16xf32> to vector<16xf32>
        %swap3A_591 = vector.shape_cast %get3A_584 : vector<16xf32> to vector<1x1x16xf32>
        tpu.vector_store %arg11[%swap3A_586, %swap3A_587, %swap3A_588], %swap3A_591 {strides = array<i32>} : memref<4x64x256xf32, #tpu.memory_space<vmem>>, vector<1x1x16xf32>,
        %get3A_592 = arith.constant 3 : i32
        %get3A_593 = arith.index_cast %get3A_592 : i32 to index
        %get3A_594 = arith.index_cast %add3A_552 : i32 to index
        %get3A_595 = arith.constant 112 : index
        %get3A_596 = tpu.vector_load %arg12[%get3A_593, %get3A_594, %get3A_595] {strides = array<i32>} : memref<4x64x128xf32, #tpu.memory_space<vmem>>, vector<1x1x16xf32>,
        %get3A_597 = vector.shape_cast %get3A_596 : vector<1x1x16xf32> to vector<16xf32>
        %swap3A_598 = arith.constant 3 : i32
        %swap3A_599 = arith.index_cast %swap3A_598 : i32 to index
        %swap3A_600 = arith.index_cast %add3A_552 : i32 to index
        %swap3A_601 = arith.constant 240 : index
        %swap3A_602 = tpu.vector_load %arg11[%swap3A_599, %swap3A_600, %swap3A_601] {strides = array<i32>} : memref<4x64x256xf32, #tpu.memory_space<vmem>>, vector<1x1x16xf32>,
        %swap3A_603 = vector.shape_cast %swap3A_602 : vector<1x1x16xf32> to vector<16xf32>
        %swap3A_604 = vector.shape_cast %get3A_597 : vector<16xf32> to vector<1x1x16xf32>
        tpu.vector_store %arg11[%swap3A_599, %swap3A_600, %swap3A_601], %swap3A_604 {strides = array<i32>} : memref<4x64x256xf32, #tpu.memory_space<vmem>>, vector<1x1x16xf32>,
        %scan3A_605 = arith.constant 2 : i32
        %scan3A_606 = arith.addi %scan3A_492, %scan3A_605 : i32
        %mul3A_607 = arith.constant 1 : i32
        %mul3A_608 = arith.muli %scan3A_606, %mul3A_607 : i32
        %add3A_609 = arith.constant 0 : i32
        %add3A_610 = arith.addi %add3A_609, %mul3A_608 : i32
        %get3A_611 = arith.constant 3 : i32
        %get3A_612 = arith.index_cast %get3A_611 : i32 to index
        %get3A_613 = arith.index_cast %add3A_610 : i32 to index
        %get3A_614 = arith.constant 64 : index
        %get3A_615 = tpu.vector_load %arg12[%get3A_612, %get3A_613, %get3A_614] {strides = array<i32>} : memref<4x64x128xf32, #tpu.memory_space<vmem>>, vector<1x1x16xf32>,
        %get3A_616 = vector.shape_cast %get3A_615 : vector<1x1x16xf32> to vector<16xf32>
        %swap3A_617 = arith.constant 3 : i32
        %swap3A_618 = arith.index_cast %swap3A_617 : i32 to index
        %swap3A_619 = arith.index_cast %add3A_610 : i32 to index
        %swap3A_620 = arith.constant 192 : index
        %swap3A_621 = tpu.vector_load %arg11[%swap3A_618, %swap3A_619, %swap3A_620] {strides = array<i32>} : memref<4x64x256xf32, #tpu.memory_space<vmem>>, vector<1x1x16xf32>,
        %swap3A_622 = vector.shape_cast %swap3A_621 : vector<1x1x16xf32> to vector<16xf32>
        %swap3A_623 = vector.shape_cast %get3A_616 : vector<16xf32> to vector<1x1x16xf32>
        tpu.vector_store %arg11[%swap3A_618, %swap3A_619, %swap3A_620], %swap3A_623 {strides = array<i32>} : memref<4x64x256xf32, #tpu.memory_space<vmem>>, vector<1x1x16xf32>,
        %get3A_624 = arith.constant 3 : i32
        %get3A_625 = arith.index_cast %get3A_624 : i32 to index
        %get3A_626 = arith.index_cast %add3A_610 : i32 to index
        %get3A_627 = arith.constant 80 : index
        %get3A_628 = tpu.vector_load %arg12[%get3A_625, %get3A_626, %get3A_627] {strides = array<i32>} : memref<4x64x128xf32, #tpu.memory_space<vmem>>, vector<1x1x16xf32>,
        %get3A_629 = vector.shape_cast %get3A_628 : vector<1x1x16xf32> to vector<16xf32>
        %swap3A_630 = arith.constant 3 : i32
        %swap3A_631 = arith.index_cast %swap3A_630 : i32 to index
        %swap3A_632 = arith.index_cast %add3A_610 : i32 to index
        %swap3A_633 = arith.constant 208 : index
        %swap3A_634 = tpu.vector_load %arg11[%swap3A_631, %swap3A_632, %swap3A_633] {strides = array<i32>} : memref<4x64x256xf32, #tpu.memory_space<vmem>>, vector<1x1x16xf32>,
        %swap3A_635 = vector.shape_cast %swap3A_634 : vector<1x1x16xf32> to vector<16xf32>
        %swap3A_636 = vector.shape_cast %get3A_629 : vector<16xf32> to vector<1x1x16xf32>
        tpu.vector_store %arg11[%swap3A_631, %swap3A_632, %swap3A_633], %swap3A_636 {strides = array<i32>} : memref<4x64x256xf32, #tpu.memory_space<vmem>>, vector<1x1x16xf32>,
        %get3A_637 = arith.constant 3 : i32
        %get3A_638 = arith.index_cast %get3A_637 : i32 to index
        %get3A_639 = arith.index_cast %add3A_610 : i32 to index
        %get3A_640 = arith.constant 96 : index
        %get3A_641 = tpu.vector_load %arg12[%get3A_638, %get3A_639, %get3A_640] {strides = array<i32>} : memref<4x64x128xf32, #tpu.memory_space<vmem>>, vector<1x1x16xf32>,
        %get3A_642 = vector.shape_cast %get3A_641 : vector<1x1x16xf32> to vector<16xf32>
        %swap3A_643 = arith.constant 3 : i32
        %swap3A_644 = arith.index_cast %swap3A_643 : i32 to index
        %swap3A_645 = arith.index_cast %add3A_610 : i32 to index
        %swap3A_646 = arith.constant 224 : index
        %swap3A_647 = tpu.vector_load %arg11[%swap3A_644, %swap3A_645, %swap3A_646] {strides = array<i32>} : memref<4x64x256xf32, #tpu.memory_space<vmem>>, vector<1x1x16xf32>,
        %swap3A_648 = vector.shape_cast %swap3A_647 : vector<1x1x16xf32> to vector<16xf32>
        %swap3A_649 = vector.shape_cast %get3A_642 : vector<16xf32> to vector<1x1x16xf32>
        tpu.vector_store %arg11[%swap3A_644, %swap3A_645, %swap3A_646], %swap3A_649 {strides = array<i32>} : memref<4x64x256xf32, #tpu.memory_space<vmem>>, vector<1x1x16xf32>,
        %get3A_650 = arith.constant 3 : i32
        %get3A_651 = arith.index_cast %get3A_650 : i32 to index
        %get3A_652 = arith.index_cast %add3A_610 : i32 to index
        %get3A_653 = arith.constant 112 : index
        %get3A_654 = tpu.vector_load %arg12[%get3A_651, %get3A_652, %get3A_653] {strides = array<i32>} : memref<4x64x128xf32, #tpu.memory_space<vmem>>, vector<1x1x16xf32>,
        %get3A_655 = vector.shape_cast %get3A_654 : vector<1x1x16xf32> to vector<16xf32>
        %swap3A_656 = arith.constant 3 : i32
        %swap3A_657 = arith.index_cast %swap3A_656 : i32 to index
        %swap3A_658 = arith.index_cast %add3A_610 : i32 to index
        %swap3A_659 = arith.constant 240 : index
        %swap3A_660 = tpu.vector_load %arg11[%swap3A_657, %swap3A_658, %swap3A_659] {strides = array<i32>} : memref<4x64x256xf32, #tpu.memory_space<vmem>>, vector<1x1x16xf32>,
        %swap3A_661 = vector.shape_cast %swap3A_660 : vector<1x1x16xf32> to vector<16xf32>
        %swap3A_662 = vector.shape_cast %get3A_655 : vector<16xf32> to vector<1x1x16xf32>
        tpu.vector_store %arg11[%swap3A_657, %swap3A_658, %swap3A_659], %swap3A_662 {strides = array<i32>} : memref<4x64x256xf32, #tpu.memory_space<vmem>>, vector<1x1x16xf32>,
        %scan3A_663 = arith.constant 3 : i32
        %scan3A_664 = arith.addi %scan3A_492, %scan3A_663 : i32
        %mul3A_665 = arith.constant 1 : i32
        %mul3A_666 = arith.muli %scan3A_664, %mul3A_665 : i32
        %add3A_667 = arith.constant 0 : i32
        %add3A_668 = arith.addi %add3A_667, %mul3A_666 : i32
        %get3A_669 = arith.constant 3 : i32
        %get3A_670 = arith.index_cast %get3A_669 : i32 to index
        %get3A_671 = arith.index_cast %add3A_668 : i32 to index
        %get3A_672 = arith.constant 64 : index
        %get3A_673 = tpu.vector_load %arg12[%get3A_670, %get3A_671, %get3A_672] {strides = array<i32>} : memref<4x64x128xf32, #tpu.memory_space<vmem>>, vector<1x1x16xf32>,
        %get3A_674 = vector.shape_cast %get3A_673 : vector<1x1x16xf32> to vector<16xf32>
        %swap3A_675 = arith.constant 3 : i32
        %swap3A_676 = arith.index_cast %swap3A_675 : i32 to index
        %swap3A_677 = arith.index_cast %add3A_668 : i32 to index
        %swap3A_678 = arith.constant 192 : index
        %swap3A_679 = tpu.vector_load %arg11[%swap3A_676, %swap3A_677, %swap3A_678] {strides = array<i32>} : memref<4x64x256xf32, #tpu.memory_space<vmem>>, vector<1x1x16xf32>,
        %swap3A_680 = vector.shape_cast %swap3A_679 : vector<1x1x16xf32> to vector<16xf32>
        %swap3A_681 = vector.shape_cast %get3A_674 : vector<16xf32> to vector<1x1x16xf32>
        tpu.vector_store %arg11[%swap3A_676, %swap3A_677, %swap3A_678], %swap3A_681 {strides = array<i32>} : memref<4x64x256xf32, #tpu.memory_space<vmem>>, vector<1x1x16xf32>,
        %get3A_682 = arith.constant 3 : i32
        %get3A_683 = arith.index_cast %get3A_682 : i32 to index
        %get3A_684 = arith.index_cast %add3A_668 : i32 to index
        %get3A_685 = arith.constant 80 : index
        %get3A_686 = tpu.vector_load %arg12[%get3A_683, %get3A_684, %get3A_685] {strides = array<i32>} : memref<4x64x128xf32, #tpu.memory_space<vmem>>, vector<1x1x16xf32>,
        %get3A_687 = vector.shape_cast %get3A_686 : vector<1x1x16xf32> to vector<16xf32>
        %swap3A_688 = arith.constant 3 : i32
        %swap3A_689 = arith.index_cast %swap3A_688 : i32 to index
        %swap3A_690 = arith.index_cast %add3A_668 : i32 to index
        %swap3A_691 = arith.constant 208 : index
        %swap3A_692 = tpu.vector_load %arg11[%swap3A_689, %swap3A_690, %swap3A_691] {strides = array<i32>} : memref<4x64x256xf32, #tpu.memory_space<vmem>>, vector<1x1x16xf32>,
        %swap3A_693 = vector.shape_cast %swap3A_692 : vector<1x1x16xf32> to vector<16xf32>
        %swap3A_694 = vector.shape_cast %get3A_687 : vector<16xf32> to vector<1x1x16xf32>
        tpu.vector_store %arg11[%swap3A_689, %swap3A_690, %swap3A_691], %swap3A_694 {strides = array<i32>} : memref<4x64x256xf32, #tpu.memory_space<vmem>>, vector<1x1x16xf32>,
        %get3A_695 = arith.constant 3 : i32
        %get3A_696 = arith.index_cast %get3A_695 : i32 to index
        %get3A_697 = arith.index_cast %add3A_668 : i32 to index
        %get3A_698 = arith.constant 96 : index
        %get3A_699 = tpu.vector_load %arg12[%get3A_696, %get3A_697, %get3A_698] {strides = array<i32>} : memref<4x64x128xf32, #tpu.memory_space<vmem>>, vector<1x1x16xf32>,
        %get3A_700 = vector.shape_cast %get3A_699 : vector<1x1x16xf32> to vector<16xf32>
        %swap3A_701 = arith.constant 3 : i32
        %swap3A_702 = arith.index_cast %swap3A_701 : i32 to index
        %swap3A_703 = arith.index_cast %add3A_668 : i32 to index
        %swap3A_704 = arith.constant 224 : index
        %swap3A_705 = tpu.vector_load %arg11[%swap3A_702, %swap3A_703, %swap3A_704] {strides = array<i32>} : memref<4x64x256xf32, #tpu.memory_space<vmem>>, vector<1x1x16xf32>,
        %swap3A_706 = vector.shape_cast %swap3A_705 : vector<1x1x16xf32> to vector<16xf32>
        %swap3A_707 = vector.shape_cast %get3A_700 : vector<16xf32> to vector<1x1x16xf32>
        tpu.vector_store %arg11[%swap3A_702, %swap3A_703, %swap3A_704], %swap3A_707 {strides = array<i32>} : memref<4x64x256xf32, #tpu.memory_space<vmem>>, vector<1x1x16xf32>,
        %get3A_708 = arith.constant 3 : i32
        %get3A_709 = arith.index_cast %get3A_708 : i32 to index
        %get3A_710 = arith.index_cast %add3A_668 : i32 to index
        %get3A_711 = arith.constant 112 : index
        %get3A_712 = tpu.vector_load %arg12[%get3A_709, %get3A_710, %get3A_711] {strides = array<i32>} : memref<4x64x128xf32, #tpu.memory_space<vmem>>, vector<1x1x16xf32>,
        %get3A_713 = vector.shape_cast %get3A_712 : vector<1x1x16xf32> to vector<16xf32>
        %swap3A_714 = arith.constant 3 : i32
        %swap3A_715 = arith.index_cast %swap3A_714 : i32 to index
        %swap3A_716 = arith.index_cast %add3A_668 : i32 to index
        %swap3A_717 = arith.constant 240 : index
        %swap3A_718 = tpu.vector_load %arg11[%swap3A_715, %swap3A_716, %swap3A_717] {strides = array<i32>} : memref<4x64x256xf32, #tpu.memory_space<vmem>>, vector<1x1x16xf32>,
        %swap3A_719 = vector.shape_cast %swap3A_718 : vector<1x1x16xf32> to vector<16xf32>
        %swap3A_720 = vector.shape_cast %get3A_713 : vector<16xf32> to vector<1x1x16xf32>
        tpu.vector_store %arg11[%swap3A_715, %swap3A_716, %swap3A_717], %swap3A_720 {strides = array<i32>} : memref<4x64x256xf32, #tpu.memory_space<vmem>>, vector<1x1x16xf32>,
      }
      %scan3A_466 = arith.constant 64 : i32
      %mul3A_467 = arith.constant 64 : i32
      %mul3A_468 = arith.muli %add3A_413, %mul3A_467 : i32
      %add3A_469 = arith.addi %mul3A_2, %mul3A_468 : i32
      %dma_start3A_470 = arith.constant 3 : i32
      %dma_start3A_471 = arith.constant 0 : i32
      %dma_start3A_472 = arith.constant 0 : i32
      %dma_start3A_473 = tpu.memref_slice %arg11[%dma_start3A_470, %dma_start3A_471, %dma_start3A_472] : memref<4x64x256xf32, #tpu.memory_space<vmem>> -> memref<1x64x256xf32, #tpu.memory_space<vmem>>
      %dma_start3A_474 = tpu.memref_squeeze %dma_start3A_473 : memref<1x64x256xf32, #tpu.memory_space<vmem>> -> memref<64x256xf32, #tpu.memory_space<vmem>>
      %dma_start3A_475 = arith.constant 0 : i32
      %dma_start3A_476 = tpu.memref_slice %arg7[%add3A_469, %dma_start3A_475] : memref<204800x256xf32, #tpu.memory_space<hbm>> -> memref<64x256xf32, #tpu.memory_space<hbm>>
      %dma_start3A_477 = arith.constant 0 : i32
      %dma_start3A_478 = tpu.memref_slice %arg7[%add3A_469, %dma_start3A_477] : memref<204800x256xf32, #tpu.memory_space<hbm>> -> memref<64x256xf32, #tpu.memory_space<hbm>>
      %dma_start3A_479 = arith.constant 0 : i32
      %dma_start3A_480 = arith.constant 0 : i32
      %dma_start3A_481 = tpu.memref_slice %arg11[%dma_start3A_470, %dma_start3A_479, %dma_start3A_480] : memref<4x64x256xf32, #tpu.memory_space<vmem>> -> memref<1x64x256xf32, #tpu.memory_space<vmem>>
      %dma_start3A_482 = tpu.memref_squeeze %dma_start3A_481 : memref<1x64x256xf32, #tpu.memory_space<vmem>> -> memref<64x256xf32, #tpu.memory_space<vmem>>
      tpu.enqueue_dma source(%dma_start3A_482 : memref<64x256xf32, #tpu.memory_space<vmem>>) target(%dma_start3A_478 : memref<64x256xf32, #tpu.memory_space<hbm>>) target_semaphore(%arg24 : memref<!tpu.dma_semaphore, #tpu.memory_space<semaphore_mem>>)
      %add3A_483 = arith.constant 4 : i32
      %add3A_484 = arith.addi %add3A_413, %add3A_483 : i32
      %sub3A_485 = arith.constant 1 : i32
      %sub3A_486 = arith.subi %add3A_484, %sub3A_485 : i32
      %lt3A_487 = arith.constant 100 : i32
      %lt3A_488 = arith.cmpi slt, %sub3A_486, %lt3A_487 : i32
      %convert_element_type3A_489 = arith.extui %lt3A_488 : i1 to i32
      %cond3A_490 = arith.constant 0 : i32
      %cond3A_491 = arith.cmpi ne, %convert_element_type3A_489, %cond3A_490 : i32
      scf.if %cond3A_491 {
        %ge3A = arith.constant 1 : i32
        %ge3A_492 = arith.cmpi sge, %add3A_413, %ge3A : i32
        %convert_element_type3A_493 = arith.extui %ge3A_492 : i1 to i32
        %cond3A_494 = arith.constant 0 : i32
        %cond3A_495 = arith.cmpi ne, %convert_element_type3A_493, %cond3A_494 : i32
        scf.if %cond3A_495 {
          %sub3A_548 = arith.constant 1 : i32
          %sub3A_549 = arith.subi %add3A_413, %sub3A_548 : i32
          %mul3A_550 = arith.constant 64 : i32
          %mul3A_551 = arith.muli %sub3A_549, %mul3A_550 : i32
          %add3A_552 = arith.addi %mul3A_2, %mul3A_551 : i32
          %dma_wait3A_553 = arith.constant 2 : i32
          %dma_wait3A_554 = arith.constant 0 : i32
          %dma_wait3A_555 = arith.constant 0 : i32
          %dma_wait3A_556 = tpu.memref_slice %arg11[%dma_wait3A_553, %dma_wait3A_554, %dma_wait3A_555] : memref<4x64x256xf32, #tpu.memory_space<vmem>> -> memref<1x64x256xf32, #tpu.memory_space<vmem>>
          %dma_wait3A_557 = tpu.memref_squeeze %dma_wait3A_556 : memref<1x64x256xf32, #tpu.memory_space<vmem>> -> memref<64x256xf32, #tpu.memory_space<vmem>>
          %dma_wait3A_558 = arith.constant 0 : i32
          %dma_wait3A_559 = tpu.memref_slice %arg7[%add3A_552, %dma_wait3A_558] : memref<204800x256xf32, #tpu.memory_space<hbm>> -> memref<64x256xf32, #tpu.memory_space<hbm>>
          %dma_wait3A_560 = arith.constant 0 : i32
          %dma_wait3A_561 = tpu.memref_slice %arg7[%add3A_552, %dma_wait3A_560] : memref<204800x256xf32, #tpu.memory_space<hbm>> -> memref<64x256xf32, #tpu.memory_space<hbm>>
          %dma_wait3A_562 = arith.constant 0 : i32
          %dma_wait3A_563 = arith.constant 0 : i32
          %dma_wait3A_564 = tpu.memref_slice %arg11[%dma_wait3A_553, %dma_wait3A_562, %dma_wait3A_563] : memref<4x64x256xf32, #tpu.memory_space<vmem>> -> memref<1x64x256xf32, #tpu.memory_space<vmem>>
          %dma_wait3A_565 = tpu.memref_squeeze %dma_wait3A_564 : memref<1x64x256xf32, #tpu.memory_space<vmem>> -> memref<64x256xf32, #tpu.memory_space<vmem>>
          tpu.wait_dma2 semaphore(%arg23 : memref<!tpu.dma_semaphore, #tpu.memory_space<semaphore_mem>>) src(%dma_wait3A_565 : memref<64x256xf32, #tpu.memory_space<vmem>>) dst(%dma_wait3A_561 : memref<64x256xf32, #tpu.memory_space<hbm>>)
        } else {
        }
        %add3A_496 = arith.constant 4 : i32
        %add3A_497 = arith.addi %add3A_413, %add3A_496 : i32
        %sub3A_498 = arith.constant 1 : i32
        %sub3A_499 = arith.subi %add3A_497, %sub3A_498 : i32
        %shift_right_arithmetic3A_500 = arith.constant 1 : i32
        %shift_right_arithmetic3A_501 = arith.shrsi %sub3A_499, %shift_right_arithmetic3A_500 : i32
        %and3A_502 = arith.constant 1 : i32
        %and3A_503 = arith.andi %sub3A_499, %and3A_502 : i32
        %mul3A_504 = arith.constant 64 : i32
        %mul3A_505 = arith.muli %and3A_503, %mul3A_504 : i32
        %dma_start3A_506 = arith.constant 2 : i32
        %dma_start3A_507 = arith.constant 0 : i32
        %dma_start3A_508 = arith.constant 0 : i32
        %dma_start3A_509 = tpu.memref_slice %arg11[%dma_start3A_506, %dma_start3A_507, %dma_start3A_508] : memref<4x64x256xf32, #tpu.memory_space<vmem>> -> memref<1x64x128xf32, #tpu.memory_space<vmem>>
        %dma_start3A_510 = tpu.memref_squeeze %dma_start3A_509 : memref<1x64x128xf32, #tpu.memory_space<vmem>> -> memref<64x128xf32, #tpu.memory_space<vmem>>
        %dma_start3A_511 = tpu.memref_slice %arg8[%shift_right_arithmetic3A_501, %mul3A_505] : memref<50x128xi32, #tpu.memory_space<vmem>> -> memref<1x64xi32, #tpu.memory_space<vmem>>
        %dma_start3A_512 = tpu.memref_squeeze %dma_start3A_511 : memref<1x64xi32, #tpu.memory_space<vmem>> -> memref<64xi32, #tpu.memory_space<vmem>>
        %dma_start3A_513 = arith.constant 0 : i32
        %dma_start3A_514 = arith.constant 0 : i32
        %dma_start3A_515 = tpu.memref_slice %arg2[%dma_start3A_513, %dma_start3A_514] : memref<100000x128xf32, #tpu.memory_space<hbm>> -> memref<100000x128xf32, #tpu.memory_space<hbm>>
        tpu.enqueue_indirect_dma source(%dma_start3A_515 : memref<100000x128xf32, #tpu.memory_space<hbm>>) target(%dma_start3A_510 : memref<64x128xf32, #tpu.memory_space<vmem>>) offsets(%dma_start3A_512 : memref<64xi32, #tpu.memory_space<vmem>>) semaphore(%arg15 : memref<!tpu.dma_semaphore, #tpu.memory_space<semaphore_mem>>)
        %shift_right_arithmetic3A_516 = arith.constant 1 : i32
        %shift_right_arithmetic3A_517 = arith.shrsi %sub3A_499, %shift_right_arithmetic3A_516 : i32
        %and3A_518 = arith.constant 1 : i32
        %and3A_519 = arith.andi %sub3A_499, %and3A_518 : i32
        %mul3A_520 = arith.constant 64 : i32
        %mul3A_521 = arith.muli %and3A_519, %mul3A_520 : i32
        %dma_start3A_522 = arith.constant 2 : i32
        %dma_start3A_523 = arith.constant 0 : i32
        %dma_start3A_524 = arith.constant 128 : i32
        %dma_start3A_525 = tpu.memref_slice %arg11[%dma_start3A_522, %dma_start3A_523, %dma_start3A_524] : memref<4x64x256xf32, #tpu.memory_space<vmem>> -> memref<1x64x128xf32, #tpu.memory_space<vmem>>
        %dma_start3A_526 = tpu.memref_squeeze %dma_start3A_525 : memref<1x64x128xf32, #tpu.memory_space<vmem>> -> memref<64x128xf32, #tpu.memory_space<vmem>>
        %dma_start3A_527 = tpu.memref_slice %arg9[%shift_right_arithmetic3A_517, %mul3A_521] : memref<50x128xi32, #tpu.memory_space<vmem>> -> memref<1x64xi32, #tpu.memory_space<vmem>>
        %dma_start3A_528 = tpu.memref_squeeze %dma_start3A_527 : memref<1x64xi32, #tpu.memory_space<vmem>> -> memref<64xi32, #tpu.memory_space<vmem>>
        %dma_start3A_529 = arith.constant 0 : i32
        %dma_start3A_530 = arith.constant 0 : i32
        %dma_start3A_531 = tpu.memref_slice %arg3[%dma_start3A_529, %dma_start3A_530] : memref<1000x128xf32, #tpu.memory_space<hbm>> -> memref<1000x128xf32, #tpu.memory_space<hbm>>
        tpu.enqueue_indirect_dma source(%dma_start3A_531 : memref<1000x128xf32, #tpu.memory_space<hbm>>) target(%dma_start3A_526 : memref<64x128xf32, #tpu.memory_space<vmem>>) offsets(%dma_start3A_528 : memref<64xi32, #tpu.memory_space<vmem>>) semaphore(%arg15 : memref<!tpu.dma_semaphore, #tpu.memory_space<semaphore_mem>>)
        %shift_right_arithmetic3A_532 = arith.constant 1 : i32
        %shift_right_arithmetic3A_533 = arith.shrsi %sub3A_499, %shift_right_arithmetic3A_532 : i32
        %and3A_534 = arith.constant 1 : i32
        %and3A_535 = arith.andi %sub3A_499, %and3A_534 : i32
        %mul3A_536 = arith.constant 64 : i32
        %mul3A_537 = arith.muli %and3A_535, %mul3A_536 : i32
        %dma_start3A_538 = arith.constant 2 : i32
        %dma_start3A_539 = arith.constant 0 : i32
        %dma_start3A_540 = arith.constant 0 : i32
        %dma_start3A_541 = tpu.memref_slice %arg12[%dma_start3A_538, %dma_start3A_539, %dma_start3A_540] : memref<4x64x128xf32, #tpu.memory_space<vmem>> -> memref<1x64x128xf32, #tpu.memory_space<vmem>>
        %dma_start3A_542 = tpu.memref_squeeze %dma_start3A_541 : memref<1x64x128xf32, #tpu.memory_space<vmem>> -> memref<64x128xf32, #tpu.memory_space<vmem>>
        %dma_start3A_543 = tpu.memref_slice %arg10[%shift_right_arithmetic3A_533, %mul3A_537] : memref<50x128xi32, #tpu.memory_space<vmem>> -> memref<1x64xi32, #tpu.memory_space<vmem>>
        %dma_start3A_544 = tpu.memref_squeeze %dma_start3A_543 : memref<1x64xi32, #tpu.memory_space<vmem>> -> memref<64xi32, #tpu.memory_space<vmem>>
        %dma_start3A_545 = arith.constant 0 : i32
        %dma_start3A_546 = arith.constant 0 : i32
        %dma_start3A_547 = tpu.memref_slice %arg3[%dma_start3A_545, %dma_start3A_546] : memref<1000x128xf32, #tpu.memory_space<hbm>> -> memref<1000x128xf32, #tpu.memory_space<hbm>>
        tpu.enqueue_indirect_dma source(%dma_start3A_547 : memref<1000x128xf32, #tpu.memory_space<hbm>>) target(%dma_start3A_542 : memref<64x128xf32, #tpu.memory_space<vmem>>) offsets(%dma_start3A_544 : memref<64xi32, #tpu.memory_space<vmem>>) semaphore(%arg19 : memref<!tpu.dma_semaphore, #tpu.memory_space<semaphore_mem>>)
      } else {
      }
    }
    %scan3A_113 = arith.constant 25 : i32
    %add3A_114 = arith.constant 6144 : i32
    %add3A_115 = arith.addi %mul3A_2, %add3A_114 : i32
    %dma_wait3A = arith.constant 0 : i32
    %dma_wait3A_116 = arith.constant 0 : i32
    %dma_wait3A_117 = arith.constant 0 : i32
    %dma_wait3A_118 = tpu.memref_slice %arg11[%dma_wait3A, %dma_wait3A_116, %dma_wait3A_117] : memref<4x64x256xf32, #tpu.memory_space<vmem>> -> memref<1x64x256xf32, #tpu.memory_space<vmem>>
    %dma_wait3A_119 = tpu.memref_squeeze %dma_wait3A_118 : memref<1x64x256xf32, #tpu.memory_space<vmem>> -> memref<64x256xf32, #tpu.memory_space<vmem>>
    %dma_wait3A_120 = arith.constant 0 : i32
    %dma_wait3A_121 = tpu.memref_slice %arg7[%add3A_115, %dma_wait3A_120] : memref<204800x256xf32, #tpu.memory_space<hbm>> -> memref<64x256xf32, #tpu.memory_space<hbm>>
    %dma_wait3A_122 = arith.constant 0 : i32
    %dma_wait3A_123 = tpu.memref_slice %arg7[%add3A_115, %dma_wait3A_122] : memref<204800x256xf32, #tpu.memory_space<hbm>> -> memref<64x256xf32, #tpu.memory_space<hbm>>
    %dma_wait3A_124 = arith.constant 0 : i32
    %dma_wait3A_125 = arith.constant 0 : i32
    %dma_wait3A_126 = tpu.memref_slice %arg11[%dma_wait3A, %dma_wait3A_124, %dma_wait3A_125] : memref<4x64x256xf32, #tpu.memory_space<vmem>> -> memref<1x64x256xf32, #tpu.memory_space<vmem>>
    %dma_wait3A_127 = tpu.memref_squeeze %dma_wait3A_126 : memref<1x64x256xf32, #tpu.memory_space<vmem>> -> memref<64x256xf32, #tpu.memory_space<vmem>>
    tpu.wait_dma2 semaphore(%arg21 : memref<!tpu.dma_semaphore, #tpu.memory_space<semaphore_mem>>) src(%dma_wait3A_127 : memref<64x256xf32, #tpu.memory_space<vmem>>) dst(%dma_wait3A_123 : memref<64x256xf32, #tpu.memory_space<hbm>>)
    %add3A_128 = arith.constant 6208 : i32
    %add3A_129 = arith.addi %mul3A_2, %add3A_128 : i32
    %dma_wait3A_130 = arith.constant 1 : i32
    %dma_wait3A_131 = arith.constant 0 : i32
    %dma_wait3A_132 = arith.constant 0 : i32
    %dma_wait3A_133 = tpu.memref_slice %arg11[%dma_wait3A_130, %dma_wait3A_131, %dma_wait3A_132] : memref<4x64x256xf32, #tpu.memory_space<vmem>> -> memref<1x64x256xf32, #tpu.memory_space<vmem>>
    %dma_wait3A_134 = tpu.memref_squeeze %dma_wait3A_133 : memref<1x64x256xf32, #tpu.memory_space<vmem>> -> memref<64x256xf32, #tpu.memory_space<vmem>>
    %dma_wait3A_135 = arith.constant 0 : i32
    %dma_wait3A_136 = tpu.memref_slice %arg7[%add3A_129, %dma_wait3A_135] : memref<204800x256xf32, #tpu.memory_space<hbm>> -> memref<64x256xf32, #tpu.memory_space<hbm>>
    %dma_wait3A_137 = arith.constant 0 : i32
    %dma_wait3A_138 = tpu.memref_slice %arg7[%add3A_129, %dma_wait3A_137] : memref<204800x256xf32, #tpu.memory_space<hbm>> -> memref<64x256xf32, #tpu.memory_space<hbm>>
    %dma_wait3A_139 = arith.constant 0 : i32
    %dma_wait3A_140 = arith.constant 0 : i32
    %dma_wait3A_141 = tpu.memref_slice %arg11[%dma_wait3A_130, %dma_wait3A_139, %dma_wait3A_140] : memref<4x64x256xf32, #tpu.memory_space<vmem>> -> memref<1x64x256xf32, #tpu.memory_space<vmem>>
    %dma_wait3A_142 = tpu.memref_squeeze %dma_wait3A_141 : memref<1x64x256xf32, #tpu.memory_space<vmem>> -> memref<64x256xf32, #tpu.memory_space<vmem>>
    tpu.wait_dma2 semaphore(%arg22 : memref<!tpu.dma_semaphore, #tpu.memory_space<semaphore_mem>>) src(%dma_wait3A_142 : memref<64x256xf32, #tpu.memory_space<vmem>>) dst(%dma_wait3A_138 : memref<64x256xf32, #tpu.memory_space<hbm>>)
    %add3A_143 = arith.constant 6272 : i32
    %add3A_144 = arith.addi %mul3A_2, %add3A_143 : i32
    %dma_wait3A_145 = arith.constant 2 : i32
    %dma_wait3A_146 = arith.constant 0 : i32
    %dma_wait3A_147 = arith.constant 0 : i32
    %dma_wait3A_148 = tpu.memref_slice %arg11[%dma_wait3A_145, %dma_wait3A_146, %dma_wait3A_147] : memref<4x64x256xf32, #tpu.memory_space<vmem>> -> memref<1x64x256xf32, #tpu.memory_space<vmem>>
    %dma_wait3A_149 = tpu.memref_squeeze %dma_wait3A_148 : memref<1x64x256xf32, #tpu.memory_space<vmem>> -> memref<64x256xf32, #tpu.memory_space<vmem>>
    %dma_wait3A_150 = arith.constant 0 : i32
    %dma_wait3A_151 = tpu.memref_slice %arg7[%add3A_144, %dma_wait3A_150] : memref<204800x256xf32, #tpu.memory_space<hbm>> -> memref<64x256xf32, #tpu.memory_space<hbm>>
    %dma_wait3A_152 = arith.constant 0 : i32
    %dma_wait3A_153 = tpu.memref_slice %arg7[%add3A_144, %dma_wait3A_152] : memref<204800x256xf32, #tpu.memory_space<hbm>> -> memref<64x256xf32, #tpu.memory_space<hbm>>
    %dma_wait3A_154 = arith.constant 0 : i32
    %dma_wait3A_155 = arith.constant 0 : i32
    %dma_wait3A_156 = tpu.memref_slice %arg11[%dma_wait3A_145, %dma_wait3A_154, %dma_wait3A_155] : memref<4x64x256xf32, #tpu.memory_space<vmem>> -> memref<1x64x256xf32, #tpu.memory_space<vmem>>
    %dma_wait3A_157 = tpu.memref_squeeze %dma_wait3A_156 : memref<1x64x256xf32, #tpu.memory_space<vmem>> -> memref<64x256xf32, #tpu.memory_space<vmem>>
    tpu.wait_dma2 semaphore(%arg23 : memref<!tpu.dma_semaphore, #tpu.memory_space<semaphore_mem>>) src(%dma_wait3A_157 : memref<64x256xf32, #tpu.memory_space<vmem>>) dst(%dma_wait3A_153 : memref<64x256xf32, #tpu.memory_space<hbm>>)
    %add3A_158 = arith.constant 6336 : i32
    %add3A_159 = arith.addi %mul3A_2, %add3A_158 : i32
    %dma_wait3A_160 = arith.constant 3 : i32
    %dma_wait3A_161 = arith.constant 0 : i32
    %dma_wait3A_162 = arith.constant 0 : i32
    %dma_wait3A_163 = tpu.memref_slice %arg11[%dma_wait3A_160, %dma_wait3A_161, %dma_wait3A_162] : memref<4x64x256xf32, #tpu.memory_space<vmem>> -> memref<1x64x256xf32, #tpu.memory_space<vmem>>
    %dma_wait3A_164 = tpu.memref_squeeze %dma_wait3A_163 : memref<1x64x256xf32, #tpu.memory_space<vmem>> -> memref<64x256xf32, #tpu.memory_space<vmem>>
    %dma_wait3A_165 = arith.constant 0 : i32
    %dma_wait3A_166 = tpu.memref_slice %arg7[%add3A_159, %dma_wait3A_165] : memref<204800x256xf32, #tpu.memory_space<hbm>> -> memref<64x256xf32, #tpu.memory_space<hbm>>
    %dma_wait3A_167 = arith.constant 0 : i32
    %dma_wait3A_168 = tpu.memref_slice %arg7[%add3A_159, %dma_wait3A_167] : memref<204800x256xf32, #tpu.memory_space<hbm>> -> memref<64x256xf32, #tpu.memory_space<hbm>>
    %dma_wait3A_169 = arith.constant 0 : i32
    %dma_wait3A_170 = arith.constant 0 : i32
    %dma_wait3A_171 = tpu.memref_slice %arg11[%dma_wait3A_160, %dma_wait3A_169, %dma_wait3A_170] : memref<4x64x256xf32, #tpu.memory_space<vmem>> -> memref<1x64x256xf32, #tpu.memory_space<vmem>>
    %dma_wait3A_172 = tpu.memref_squeeze %dma_wait3A_171 : memref<1x64x256xf32, #tpu.memory_space<vmem>> -> memref<64x256xf32, #tpu.memory_space<vmem>>
    tpu.wait_dma2 semaphore(%arg24 : memref<!tpu.dma_semaphore, #tpu.memory_space<semaphore_mem>>) src(%dma_wait3A_172 : memref<64x256xf32, #tpu.memory_space<vmem>>) dst(%dma_wait3A_168 : memref<64x256xf32, #tpu.memory_space<hbm>>)
    return
  }
}

</mosaic_0001>

<sc_bundles>
// kernel: kernel.3.cloned.1.call-start
scs
__scs_entry_jumppad:
0x0: {  	(pc) =	sbr.rel $0x88, $3  }
0x1: {  	(tag) =	ssettag $0x0;
	lr =	simm.s32 $0x1  }
0x2: {  	[smem:$0x3F9D] =	sst lr;
	_ =	strace $0xD0000000  }
0x3: {  	_ = 	snop  }
0x4: {  	_ = 	snop  }
0x5: {  	_ = 	snop  }
0x6: {  	_ = 	snop  }
0x7: {  	_ = 	snop  }
__scs_overlays_trampoline_lowered:
0x8: {  	[smem:$0x3FAC] =	sst s0  }
0x9: {  	[smem:$0x3FAD] =	sst s1  }
0xa: {  	[smem:$0x3FAE] =	sst s2  }
0xb: {  	[smem:$0x3FAF] =	sst s3  }
0xc: {  	[smem:$0x3FB0] =	sst s4  }
0xd: {  	[smem:$0x3FB1] =	sst s5  }
0xe: {  	[smem:$0x3FB2] =	sst s6  }
0xf: {  	[smem:$0x3FB3] =	sst s7  }
0x10: {  	[smem:$0x3FB4] =	sst s8  }
0x11: {  	[smem:$0x3FB5] =	sst s9;
	s0 =	simm.s32 @!p0 $0x0  }
0x12: {  	s1 =	sld [smem:$0x3F9B];
	s0 =	simm.s32 @p0 $0x1  }
0x13: {  	[smem:$0x3FB6] =	sst s0;
	s0 =	simm.s32 @!p1 $0x0  }
0x14: {  	s2 =	sld [smem:$0x3F9A];
	s0 =	simm.s32 @p1 $0x1  }
0x15: {  	[smem:$0x3FB7] =	sst s0;
	s0 =	simm.s32 @!p2 $0x0  }
0x16: {  	s3 =	sld [smem:$0x3FDB];
	s0 =	simm.s32 @p2 $0x1  }
0x17: {  	s4 =	simm.s32 $0x1BF5;
	[smem:$0x3FB9] =	sst s0  }
0x18: {  	s0 =	sld [smem:$0x3F9C];
	_ =	swait.ge [sflag:s4], $0x0  }
0x19: {  	s7 =	sld [smem:$0x3F9D]  }
0x1a: {  	s8 =	sadd.s32 $0xFFFFE003, lr  }
0x1b: {  	s9 =	sadd.s32 $0xFFFFFEF7, lr;
	s5 =	simm.s32 $0xFFFFFFFF;
	p2 =	slt.u32 s8, $0xFFFFF086  }
0x1c: {  	p1 =	slt.u32 s9, $0xF7A;
	s5 =	simm.s32 @!p2 $0x0  }
0x1d: {  	s5 =	simm.s32 @p1 $0x1;
	p0 =	seq.s32 s7, s2  }
0x1e: {  	s7 =	smul.u32 @!p0 $0xF7A, s2;
	p2 =	seq.s32 @!p0 s5, $0x0  }
0x1f: {  	s9 =	smul.u32 $0xF7A, s1;
	s8 =	simm.s32 @!p0 $0x1BF5;
	p2 =	por !p2, p0  }
0x20: {  	[sflag:s8] =	ssyncset.s32 @!p0 $0xFFFFF086;
	s6 =	sadd.s32 @!p0 s3, s7;
	s7 =	simm.s32 @!p0 $0x108  }
0x21: {  	s3 =	sadd.s32 s3, s9;
	s6 =	sadd.s32 @!p0 $0x88, s6;
	s7 =	simm.s32 @p2 $0x1082  }
0x22: {  	[simem:s7], [sflag:s8] =	dma.local @!p0 [hbm:s6], $0xF7A  }
0x23: {  	s9 =	sor.u32 $0xD0000000, s2;
	s6 =	simm.s32 $0x108;
	_ =	swait.ge @!p0 [sflag:s8], $0x0  }
0x24: {  	s3 =	sadd.s32 $0x88, s3;
	s6 =	simm.s32 @!p1 $0x1082;
	[sflag:s4] =	ssyncset.s32 $0xFFFFF086  }
0x25: {  	[simem:s6], [sflag:s4] =	dma.local [hbm:s3], $0xF7A  }
0x26: {  	[smem:$0x3F9D] =	sst s1;
	(tag) =	ssettag s2;
	_ =	strace s9  }
0x27: {  	s1 =	sld [smem:$0x3FAD]  }
0x28: {  	s2 =	sld [smem:$0x3FAE]  }
0x29: {  	s4 =	sld [smem:$0x3FB0]  }
0x2a: {  	p0 =	seq.s32 s5, $0x0;
	s5 =	sld [smem:$0x3FB1]  }
0x2b: {  	s6 =	sld [smem:$0x3FB2]  }
0x2c: {  	s7 =	sld [smem:$0x3FB3]  }
0x2d: {  	s3 =	simm.s32 $0x108;
	s8 =	sld [smem:$0x3FB4]  }
0x2e: {  	s3 =	simm.s32 @!p0 $0x1082;
	s9 =	sld [smem:$0x3FB5]  }
0x2f: {  	lr =	sadd.s32 s0, s3;
	s0 =	sld [smem:$0x3FAC]  }
0x30: {  	s3 =	sld [smem:$0x3FAF]  }
0x31: {  	[smem:$0x3FB8] =	sst s10  }
0x32: {  	s10 =	sld [smem:$0x3FB6];
	_ =	sdelay $0x3  }
0x33: {  	p0 =	seq.s32 s10, $0x1;
	s10 =	sld [smem:$0x3FB8];
	_ =	sdelay $0x3  }
0x34: {  	[smem:$0x3FB8] =	sst s10  }
0x35: {  	s10 =	sld [smem:$0x3FB7];
	_ =	sdelay $0x3  }
0x36: {  	p1 =	seq.s32 s10, $0x1;
	s10 =	sld [smem:$0x3FB8];
	_ =	sdelay $0x3  }
0x37: {  	[smem:$0x3FB8] =	sst s10  }
0x38: {  	s10 =	sld [smem:$0x3FB9]  }
0x39: {  	_ = 	snop;
	(pc) =	sbr.ind lr, $3  }
0x3a: {  	_ = 	snop  }
0x3b: {  	_ = 	snop  }
0x3c: {  	p2 =	seq.s32 s10, $0x1;
	s10 =	sld [smem:$0x3FB8]  }
0x3d: {  	_ =	shalt  }
0x3e: {  	_ =	shalt  }
0x3f: {  	_ =	shalt  }
0x40: {  	_ =	shalt  }
0x41: {  	_ =	shalt  }
0x42: {  	_ =	shalt  }
0x43: {  	_ =	shalt  }
0x44: {  	_ =	shalt  }
0x45: {  	_ =	shalt  }
0x46: {  	_ =	shalt  }
0x47: {  	_ =	shalt  }
0x48: {  	_ =	shalt  }
0x49: {  	_ =	shalt  }
0x4a: {  	_ =	shalt  }
0x4b: {  	_ =	shalt  }
0x4c: {  	_ =	shalt  }
0x4d: {  	_ =	shalt  }
0x4e: {  	_ =	shalt  }
0x4f: {  	_ =	shalt  }
0x50: {  	_ =	shalt  }
0x51: {  	_ =	shalt  }
0x52: {  	_ =	shalt  }
0x53: {  	_ =	shalt  }
0x54: {  	_ =	shalt  }
0x55: {  	_ =	shalt  }
0x56: {  	_ =	shalt  }
0x57: {  	_ =	shalt  }
0x58: {  	_ =	shalt  }
0x59: {  	_ =	shalt  }
0x5a: {  	_ =	shalt  }
0x5b: {  	_ =	shalt  }
0x5c: {  	_ =	shalt  }
0x5d: {  	_ =	shalt  }
0x5e: {  	_ =	shalt  }
0x5f: {  	_ =	shalt  }
0x60: {  	_ =	shalt  }
0x61: {  	_ =	shalt  }
0x62: {  	_ =	shalt  }
0x63: {  	_ =	shalt  }
0x64: {  	_ =	shalt  }
0x65: {  	_ =	shalt  }
0x66: {  	_ =	shalt  }
0x67: {  	_ =	shalt  }
0x68: {  	_ =	shalt  }
0x69: {  	_ =	shalt  }
0x6a: {  	_ =	shalt  }
0x6b: {  	_ =	shalt  }
0x6c: {  	_ =	shalt  }
0x6d: {  	_ =	shalt  }
0x6e: {  	_ =	shalt  }
0x6f: {  	_ =	shalt  }
0x70: {  	_ =	shalt  }
0x71: {  	_ =	shalt  }
0x72: {  	_ =	shalt  }
0x73: {  	_ =	shalt  }
0x74: {  	_ =	shalt  }
0x75: {  	_ =	shalt  }
0x76: {  	_ =	shalt  }
0x77: {  	_ =	shalt  }
0x78: {  	_ =	shalt  }
0x79: {  	_ =	shalt  }
0x7a: {  	_ =	shalt  }
0x7b: {  	_ =	shalt  }
0x7c: {  	_ =	shalt  }
0x7d: {  	_ =	shalt  }
0x7e: {  	_ =	shalt  }
0x7f: {  	_ =	shalt  }
0x80: {  	_ =	shalt  }
0x81: {  	_ =	shalt  }
0x82: {  	_ =	shalt  }
0x83: {  	_ =	shalt  }
0x84: {  	_ =	shalt  }
0x85: {  	_ =	shalt  }
0x86: {  	_ =	shalt  }
0x87: {  	_ =	shalt  }
.Lfunc_end0:
.L_simem_size_0:
called_computation_lowered:
.L_overlay_start_0:
0x88: {  	s2 =	sld [smem:$0x3FD9]  }
0x89: {  	s3 =	sld [smem:$0x3FFE];
	_ =	sdelay $0x1  }
0x8a: {  	s1 =	srdreg.scid  }
0x8b: {  	s0 =	sand.u32 $0x1, s1  }
0x8c: {  	s17 =	sshll.u32 s0, $0xA;
	s2 =	sadd.s32 s3, s2  }
0x8d: {  	s2 =	sadd.s32 s2, s17  }
0x8e: {  	[smem:$0x3FC4] =	sst s2  }
0x8f: {  	_ = 	snop  }
0x90: {  	s2 =	sld [smem:$0x3FC8]  }
0x91: {  	s18 =	sld [smem:$0x3FD0];
	(tm) =	ssettm $0x1  }
0x92: {  	s4 =	sld [smem:$0x3FFB];
	_ =	sdelay $0x3  }
0x93: {  	_ =	strace s4  }
0x94: {  	s4 =	sld [smem:$0x3FFC];
	_ =	sdelay $0x3  }
0x95: {  	_ =	strace s4  }
0x96: {  	s4 =	sld [smem:$0x3FFD];
	_ =	sdelay $0x3  }
0x97: {  	_ =	strace s4  }
0x98: {  	_ =	strace $0x8FFFFFFF  }
0x99: {  	s19 =	sld [smem:$0x3FDB];
	_ =	sdelay $0x1  }
0x9a: {  	s5 =	simm.s32 $_scs_section_size  }
0x9b: {  	s6 =	simm.s32 $_size__tile_overlayer_lowered;
	s7 =	simm.s32 $_tile_overlayer_lowered  }
0x9c: {  	s22 =	simm.s32 $0x1BFF;
	s21 =	sshll.u32 s7, $0x1;
	s4 =	sadd.s32 s5, s19  }
0x9d: {  	s8 =	simm.s32 $0x0;
	s20 =	sshll.u32 s6, $0x1;
	s6 =	sadd.s32 s21, s4  }
0x9e: {  	[timem:s8], [sflag:s22] =	dma.local [hbm:s6], s20  }
0x9f: {  	_ =	swait.ge [sflag:s22], s20  }
0xa0: {  	s5 =	ssub.s32 $0x0, s20;
	[sflag:s22] =	ssyncset.done $0x0  }
0xa1: {  	[sflag:s22] =	ssyncadd.s32 s5;
	_ =	sdelay $0x1  }
0xa2: {  	s23 =	simm.s32 $0x1B8B  }
0xa3: {  	_ =	swait.ge [sflag:s23], $0x1  }
0xa4: {  	[sflag:s23] =	ssyncset.done $0x0  }
0xa5: {  	s25 =	simm.s32 $0x1B8E;
	s24 =	sld [smem:$0x3FFE];
	[sflag:s23] =	ssyncadd.s32 $0xFFFFFFFF  }
0xa6: {  	s26 =	simm.s32 $execute0_lowered;
	[smem:$0x3FD2] =	sst s25  }
0xa7: {  	s6 =	sshll.u32 s26, $0x1;
	_ =	strace $0x80000046;
	[dreg:$0x1] =	wrdreg $0xFFFFFFFF  }
0xa8: {  	s28 =	simm.s32 $_size_execute0_lowered;
	s4 =	sadd.s32 s4, s6;
	[dreg:$0x0] =	wrdreg $0x0  }
0xa9: {  	s6 =	sshll.u32 s28, $0x1;
	[dreg:$0x2] =	wrdreg s4  }
0xaa: {  	[dreg:$0x3] =	wrdreg s6  }
0xab: {  	[dreg:$0x4] =	wrdreg $0xC0  }
0xac: {  	_ =	task [dreg:s8], $0x5FFFF  }
0xad: {  	[dreg:$0x1] =	wrdreg $0xFFFFFFFF  }
0xae: {  	[dreg:$0x0] =	wrdreg $0x60  }
0xaf: {  	[dreg:$0x2] =	wrdreg s2  }
0xb0: {  	[dreg:$0x3] =	wrdreg s24  }
0xb1: {  	[dreg:$0x4] =	wrdreg s18  }
0xb2: {  	[dreg:$0x5] =	wrdreg $0x9  }
0xb3: {  	_ =	task.clear_ibuf [dreg:s8], $0x6FFFF;
	_ =	strace $0x90000046  }
0xb4: {  	s29 =	simm.s32 $0x9;
	_ =	strace $0x80000048  }
0xb5: {  	_ =	swait.ge [sflag:s29], $0x1  }
0xb6: {  	[sflag:s29] =	ssyncadd.s32 $0xFFFFFFFF  }
0xb7: {  	_ =	strace $0x90000048  }
0xb8: {  	_ =	sfence  }
0xb9: {  	s30 =	sld [smem:$0x0];
	_ =	sdelay $0x2  }
0xba: {  	s31 =	sshll.u32 s1, $0xD;
	s1 =	sshrl.u32 s1, $0x2  }
0xbb: {  	s3 =	sand.u32 $0x4000, s31;
	s1 =	sadd.s32 s1, s30  }
0xbc: {  	s0 =	sor.u32 s3, s0;
	s1 =	sshll.u32 s1, $0x11  }
0xbd: {  	s0 =	sor.u32 s1, s0  }
0xbe: {  	s0 =	sadd.s32 $0x8F2B, s0  }
0xbf: {  	[sflag:s0] =	ssyncadd.remote.s32 $0x1  }
0xc0: {  	_ =	sfence.sel $0xFFFF  }
0xc1: {  	[dreg:$0x0] =	wrdreg $0xFFFFFFFF;
	(pc) =	sbr.abs _section_cstart, $3  }
0xc2: {  	[dreg:$0x1] =	wrdreg $0xFFFFFFFF  }
0xc3: {  	_ =	task.clear_ibuf [dreg:s8], $0x2FFFF;
	_ =	strace $0x9FFFFFFF  }
0xc4: {  	(tm) =	ssettm $0x7FFFFFFF  }
0xc5: {  	_ =	shalt  }
tec
execute0_lowered:
.L_overlay_start_1:
0x0: {  	(tag) =	ssettag $0x1  }
0x1: {  	s1 =	rddreg [dreg:$0x0]  }
0x2: {  	s0 =	rddreg [dreg:$0x1];
	s2 =	srdreg.scid  }
0x3: {  	s4 =	stileid.u32;
	s3 =	rddreg [dreg:$0x2]  }
0x4: {  	s29 =	simm.s32 $0xD400;
	s23 =	simm.s32 $0x2;
	s28 =	simm.s32 $0x6  }
0x5: {  	s30 =	simm.s32 $0x3;
	s31 =	simm.s32 $0x7;
	s14 =	simm.s32 $0x8  }
0x6: {  	s12 =	simm.s32 $0xB;
	s2 =	sand.u32 $0x1, s2;
	s5 =	sshll.u32 s4, $0x1  }
0x7: {  	s4 =	simm.s32 $0x0;
	s6 =	sor.u32 s2, s5;
	s2 =	ssub.s32 $0x2, s2  }
0x8: {  	[smem:$0x7FF] =	sst s4;
	s7 =	smul.u32 $0x380, s6;
	s8 =	sshrl.u32 s2, $0x1  }
0x9: {  	s5 =	sadd.s32 $0x15000, s0;
	_ =	strace $0x80000047;
	s24 =	ssub.s32 s2, s8  }
0xa: {  	s2 =	simm.s32 $0x4;
	s9 =	sadd.s32 s0, s7;
	s7 =	smul.u32 $0x190000, s6  }
.Ltmp0:
0xb: {  	s0 =	smax.u32 s24, $0x1;
	[dreg:$0x4] =	wrdreg s9;
	(pc) =	sbr.rel .LBB2_1-.Ltmp0, $4  }
0xc: {  	s24 =	simm.s32 $0x1;
	s25 =	sadd.s32 $0xE000, s9;
	[dreg:$0x7] =	wrdreg s0  }
0xd: {  	v2 =	vlaneseq.u32;
	s26 =	sadd.s32 $0x7000, s9;
	s0 =	simm.s32 $0x40;
	[dreg:$0x5] =	wrdreg s25  }
0xe: {  	vm0 =	vmmov $0xff;
	v1 =	vshrl.u32 v2, $0x3;
	s9 =	simm.s32 $0x0;
	[dreg:$0x6] =	wrdreg s26;
	s10 =	sor.u32 $0x4000, s7  }
0xf: {  	v0 =	vand.u32 $0x7, v2;
	v2 =	vor.u32 $0x8, v2;
	v1 =	vmul.u32 $0x8, v1;
	s11 =	sor.u32 $0x8000, s7;
	s25 =	simm.s32 $0x5;
	s26 =	simm.s32 $0x11400  }
.LBB2_16:
0x10: {  	s6 =	simm.s32 $0x9  }
0x11: {  	_ =	swait.ge [sflag:s6], $0x4000  }
0x12: {  	[sflag:s6] =	ssyncset.done $0x0  }
0x13: {  	s21 =	simm.s32 $0xA;
	[sflag:s6] =	ssyncadd.s32 $0xFFFFC000  }
0x14: {  	_ =	swait.ge [sflag:s21], $0x4000  }
0x15: {  	[sflag:s21] =	ssyncset.done $0x0  }
0x16: {  	[sflag:s21] =	ssyncadd.s32 $0xFFFFC000  }
0x17: {  	_ =	swait.ge [sflag:s12], $0x4000  }
0x18: {  	[sflag:s12] =	ssyncset.done $0x0  }
0x19: {  	s8 =	simm.s32 $0xC;
	[sflag:s12] =	ssyncadd.s32 $0xFFFFC000  }
0x1a: {  	_ =	swait.ge [sflag:s8], $0x4000  }
0x1b: {  	s9 =	rddreg [dreg:$0x8]  }
0x1c: {  	s22 =	rddreg [dreg:$0x7];
	s9 =	sadd.s32 $0x1, s9  }
0x1d: {  	p0 =	sne.s32 s9, s22  }
.Ltmp1:
0x1e: {  	_ = 	snop;
	(pc) =	sbr.rel @!p0 .LBB2_17-.Ltmp1, $3  }
0x1f: {  	_ =	sdelay $0x1  }
0x20: {  	[sflag:s8] =	ssyncset.done $0x0  }
0x21: {  	[sflag:s8] =	ssyncadd.s32 $0xFFFFC000  }
.LBB2_1:
0x22: {  	[dreg:$0x8] =	wrdreg s9  }
0x23: {  	s6 =	rddreg [dreg:$0x5];
	s8 =	simm.s32 $0xD  }
0x24: {  	[tilespmem:s4], [sflag:$0xD] =	stream.linear.gather [hbm4b:s6+s4], $0x1900, $0x38;
	[tilespmem:$0x1D400] =	vst v63  }
0x25: {  	_ =	swait.ge [sflag:s8], $0x1900  }
0x26: {  	[sflag:s8] =	ssyncset.done $0x0  }
0x27: {  	s21 =	simm.s32 $0x1C00;
	s20 =	rddreg [dreg:$0x6];
	[sflag:s8] =	ssyncadd.s32 $0xFFFFE700  }
0x28: {  	[tilespmem:s21], [sflag:$0xD] =	stream.linear.gather [hbm4b:s20+s4], $0x1900, $0x38;
	[tilespmem:$0x1D400] =	vst v63  }
0x29: {  	_ =	swait.ge [sflag:s8], $0x1900  }
0x2a: {  	[sflag:s8] =	ssyncset.done $0x0  }
0x2b: {  	s9 =	simm.s32 $0x3800;
	s22 =	rddreg [dreg:$0x4];
	[sflag:s8] =	ssyncadd.s32 $0xFFFFE700  }
0x2c: {  	[tilespmem:s9], [sflag:$0xD] =	stream.linear.gather [hbm4b:s22+s4], $0x1900, $0x38;
	[tilespmem:$0x1D400] =	vst v63  }
0x2d: {  	_ =	swait.ge [sflag:s8], $0x1900  }
0x2e: {  	[sflag:s8] =	ssyncset.done $0x0  }
0x2f: {  	[sflag:s8] =	ssyncadd.s32 $0xFFFFE700  }
0x30: {  	v3 =	vld [tilespmem:$0x0];
	_ =	sdelay $0x4  }
0x31: {  	v4 =	vperm.xlane v3, v0;
	_ =	sdelay $0x1  }
0x32: {  	v3 =	vperm.xlane v3, v2;
	v4 =	vadd.s32 v1, v4;
	_ =	sdelay $0x1  }
0x33: {  	v3 =	vadd.s32 v1, v3;
	_ =	sdelay $0x1  }
0x34: {  	s13 =	simm.s32 $0x5400  }
0x35: {  	[tilespmem:s13], [sflag:$0x1] =	stream.indirect_vreg.gather [hbm4b:s1+s4], $0x80, v4, vm0, $0xb8;
	[tilespmem:$0x1D400] =	vst v63  }
0x36: {  	s15 =	simm.s32 $0x5C00  }
0x37: {  	[tilespmem:s15], [sflag:$0x1] =	stream.indirect_vreg.gather [hbm4b:s1+s4], $0x80, v3, vm0, $0xb8;
	[tilespmem:$0x1D400] =	vst v63  }
0x38: {  	v3 =	vld [tilespmem:$0x10];
	_ =	sdelay $0x4  }
0x39: {  	v41 =	vperm.xlane v3, v0;
	_ =	sdelay $0x1  }
0x3a: {  	v3 =	vperm.xlane v3, v2;
	v4 =	vadd.s32 v1, v41;
	_ =	sdelay $0x1  }
0x3b: {  	v3 =	vadd.s32 v1, v3;
	_ =	sdelay $0x1  }
0x3c: {  	s16 =	simm.s32 $0x6400  }
0x3d: {  	[tilespmem:s16], [sflag:$0x1] =	stream.indirect_vreg.gather [hbm4b:s1+s4], $0x80, v4, vm0, $0xb8;
	[tilespmem:$0x1D400] =	vst v63  }
0x3e: {  	s17 =	simm.s32 $0x6C00  }
0x3f: {  	[tilespmem:s17], [sflag:$0x1] =	stream.indirect_vreg.gather [hbm4b:s1+s4], $0x80, v3, vm0, $0xb8;
	[tilespmem:$0x1D400] =	vst v63  }
0x40: {  	v3 =	vld [tilespmem:$0x20];
	_ =	sdelay $0x4  }
0x41: {  	v42 =	vperm.xlane v3, v0;
	_ =	sdelay $0x1  }
0x42: {  	v3 =	vperm.xlane v3, v2;
	v4 =	vadd.s32 v1, v42;
	_ =	sdelay $0x1  }
0x43: {  	v3 =	vadd.s32 v1, v3;
	_ =	sdelay $0x1  }
0x44: {  	s18 =	simm.s32 $0x7400  }
0x45: {  	[tilespmem:s18], [sflag:$0x1] =	stream.indirect_vreg.gather [hbm4b:s1+s4], $0x80, v4, vm0, $0xb8;
	[tilespmem:$0x1D400] =	vst v63  }
0x46: {  	s19 =	simm.s32 $0x7C00  }
0x47: {  	[tilespmem:s19], [sflag:$0x1] =	stream.indirect_vreg.gather [hbm4b:s1+s4], $0x80, v3, vm0, $0xb8;
	[tilespmem:$0x1D400] =	vst v63  }
0x48: {  	v3 =	vld [tilespmem:$0x30];
	_ =	sdelay $0x4  }
0x49: {  	v43 =	vperm.xlane v3, v0;
	_ =	sdelay $0x1  }
0x4a: {  	v3 =	vperm.xlane v3, v2;
	v4 =	vadd.s32 v1, v43;
	_ =	sdelay $0x1  }
0x4b: {  	v3 =	vadd.s32 v1, v3;
	_ =	sdelay $0x1  }
0x4c: {  	s20 =	simm.s32 $0x8400  }
0x4d: {  	[tilespmem:s20], [sflag:$0x1] =	stream.indirect_vreg.gather [hbm4b:s1+s4], $0x80, v4, vm0, $0xb8;
	[tilespmem:$0x1D400] =	vst v63  }
0x4e: {  	s21 =	simm.s32 $0x8C00  }
0x4f: {  	[tilespmem:s21], [sflag:$0x1] =	stream.indirect_vreg.gather [hbm4b:s1+s4], $0x80, v3, vm0, $0xb8;
	[tilespmem:$0x1D400] =	vst v63  }
0x50: {  	v3 =	vld [tilespmem:$0x1C00];
	_ =	sdelay $0x4  }
0x51: {  	v44 =	vperm.xlane v3, v0;
	_ =	sdelay $0x1  }
0x52: {  	v3 =	vperm.xlane v3, v2;
	v4 =	vadd.s32 v1, v44;
	_ =	sdelay $0x1  }
0x53: {  	v3 =	vadd.s32 v1, v3;
	_ =	sdelay $0x1  }
0x54: {  	s22 =	simm.s32 $0x5800  }
0x55: {  	[tilespmem:s22], [sflag:$0x1] =	stream.indirect_vreg.gather [hbm4b:s5+s4], $0x80, v4, vm0, $0xb8;
	[tilespmem:$0x1D400] =	vst v63  }
0x56: {  	s8 =	simm.s32 $0x6000  }
0x57: {  	[tilespmem:s8], [sflag:$0x1] =	stream.indirect_vreg.gather [hbm4b:s5+s4], $0x80, v3, vm0, $0xb8;
	[tilespmem:$0x1D400] =	vst v63  }
0x58: {  	v3 =	vld [tilespmem:$0x1C10];
	_ =	sdelay $0x4  }
0x59: {  	v45 =	vperm.xlane v3, v0;
	_ =	sdelay $0x1  }
0x5a: {  	v3 =	vperm.xlane v3, v2;
	v4 =	vadd.s32 v1, v45;
	_ =	sdelay $0x1  }
0x5b: {  	v3 =	vadd.s32 v1, v3;
	_ =	sdelay $0x1  }
0x5c: {  	s13 =	simm.s32 $0x6800  }
0x5d: {  	[tilespmem:s13], [sflag:$0x1] =	stream.indirect_vreg.gather [hbm4b:s5+s4], $0x80, v4, vm0, $0xb8;
	[tilespmem:$0x1D400] =	vst v63  }
0x5e: {  	s15 =	simm.s32 $0x7000  }
0x5f: {  	[tilespmem:s15], [sflag:$0x1] =	stream.indirect_vreg.gather [hbm4b:s5+s4], $0x80, v3, vm0, $0xb8;
	[tilespmem:$0x1D400] =	vst v63  }
0x60: {  	v3 =	vld [tilespmem:$0x1C20];
	_ =	sdelay $0x4  }
0x61: {  	v46 =	vperm.xlane v3, v0;
	_ =	sdelay $0x1  }
0x62: {  	v3 =	vperm.xlane v3, v2;
	v4 =	vadd.s32 v1, v46;
	_ =	sdelay $0x1  }
0x63: {  	v3 =	vadd.s32 v1, v3;
	_ =	sdelay $0x1  }
0x64: {  	s16 =	simm.s32 $0x7800  }
0x65: {  	[tilespmem:s16], [sflag:$0x1] =	stream.indirect_vreg.gather [hbm4b:s5+s4], $0x80, v4, vm0, $0xb8;
	[tilespmem:$0x1D400] =	vst v63  }
0x66: {  	s17 =	simm.s32 $0x8000  }
0x67: {  	[tilespmem:s17], [sflag:$0x1] =	stream.indirect_vreg.gather [hbm4b:s5+s4], $0x80, v3, vm0, $0xb8;
	[tilespmem:$0x1D400] =	vst v63  }
0x68: {  	v3 =	vld [tilespmem:$0x1C30];
	_ =	sdelay $0x4  }
0x69: {  	v47 =	vperm.xlane v3, v0;
	_ =	sdelay $0x1  }
0x6a: {  	v3 =	vperm.xlane v3, v2;
	v4 =	vadd.s32 v1, v47;
	_ =	sdelay $0x1  }
0x6b: {  	v3 =	vadd.s32 v1, v3;
	_ =	sdelay $0x1  }
0x6c: {  	s18 =	simm.s32 $0x8800  }
0x6d: {  	[tilespmem:s18], [sflag:$0x1] =	stream.indirect_vreg.gather [hbm4b:s5+s4], $0x80, v4, vm0, $0xb8;
	[tilespmem:$0x1D400] =	vst v63  }
0x6e: {  	s19 =	simm.s32 $0x9000  }
0x6f: {  	[tilespmem:s19], [sflag:$0x1] =	stream.indirect_vreg.gather [hbm4b:s5+s4], $0x80, v3, vm0, $0xb8;
	[tilespmem:$0x1D400] =	vst v63  }
0x70: {  	s20 =	simm.s32 $0x15400  }
0x71: {  	[tilespmem:s20], [sflag:$0x5] =	stream.indirect.gather [hbm4b:s5+s0], $0x80, s9, s0, $0xb8;
	[tilespmem:$0x1D400] =	vst v63  }
0x72: {  	v3 =	vld [tilespmem:$0x40];
	_ =	sdelay $0x4  }
0x73: {  	v48 =	vperm.xlane v3, v0;
	_ =	sdelay $0x1  }
0x74: {  	v3 =	vperm.xlane v3, v2;
	v4 =	vadd.s32 v1, v48;
	_ =	sdelay $0x1  }
0x75: {  	v3 =	vadd.s32 v1, v3;
	_ =	sdelay $0x1  }
0x76: {  	s21 =	simm.s32 $0x9400  }
0x77: {  	[tilespmem:s21], [sflag:$0x2] =	stream.indirect_vreg.gather [hbm4b:s1+s4], $0x80, v4, vm0, $0xb8;
	[tilespmem:$0x1D400] =	vst v63  }
0x78: {  	s22 =	simm.s32 $0x9C00  }
0x79: {  	[tilespmem:s22], [sflag:$0x2] =	stream.indirect_vreg.gather [hbm4b:s1+s4], $0x80, v3, vm0, $0xb8;
	[tilespmem:$0x1D400] =	vst v63  }
0x7a: {  	v3 =	vld [tilespmem:$0x50];
	_ =	sdelay $0x4  }
0x7b: {  	v49 =	vperm.xlane v3, v0;
	_ =	sdelay $0x1  }
0x7c: {  	v3 =	vperm.xlane v3, v2;
	v4 =	vadd.s32 v1, v49;
	_ =	sdelay $0x1  }
0x7d: {  	v3 =	vadd.s32 v1, v3;
	_ =	sdelay $0x1  }
0x7e: {  	s8 =	simm.s32 $0xA400  }
0x7f: {  	[tilespmem:s8], [sflag:$0x2] =	stream.indirect_vreg.gather [hbm4b:s1+s4], $0x80, v4, vm0, $0xb8;
	[tilespmem:$0x1D400] =	vst v63  }
0x80: {  	s9 =	simm.s32 $0xAC00  }
0x81: {  	[tilespmem:s9], [sflag:$0x2] =	stream.indirect_vreg.gather [hbm4b:s1+s4], $0x80, v3, vm0, $0xb8;
	[tilespmem:$0x1D400] =	vst v63  }
0x82: {  	v3 =	vld [tilespmem:$0x60];
	_ =	sdelay $0x4  }
0x83: {  	v50 =	vperm.xlane v3, v0;
	_ =	sdelay $0x1  }
0x84: {  	v3 =	vperm.xlane v3, v2;
	v4 =	vadd.s32 v1, v50;
	_ =	sdelay $0x1  }
0x85: {  	v3 =	vadd.s32 v1, v3;
	_ =	sdelay $0x1  }
0x86: {  	s13 =	simm.s32 $0xB400  }
0x87: {  	[tilespmem:s13], [sflag:$0x2] =	stream.indirect_vreg.gather [hbm4b:s1+s4], $0x80, v4, vm0, $0xb8;
	[tilespmem:$0x1D400] =	vst v63  }
0x88: {  	s15 =	simm.s32 $0xBC00  }
0x89: {  	[tilespmem:s15], [sflag:$0x2] =	stream.indirect_vreg.gather [hbm4b:s1+s4], $0x80, v3, vm0, $0xb8;
	[tilespmem:$0x1D400] =	vst v63  }
0x8a: {  	v3 =	vld [tilespmem:$0x70];
	_ =	sdelay $0x4  }
0x8b: {  	v51 =	vperm.xlane v3, v0;
	_ =	sdelay $0x1  }
0x8c: {  	v3 =	vperm.xlane v3, v2;
	v4 =	vadd.s32 v1, v51;
	_ =	sdelay $0x1  }
0x8d: {  	v3 =	vadd.s32 v1, v3;
	_ =	sdelay $0x1  }
0x8e: {  	s16 =	simm.s32 $0xC400  }
0x8f: {  	[tilespmem:s16], [sflag:$0x2] =	stream.indirect_vreg.gather [hbm4b:s1+s4], $0x80, v4, vm0, $0xb8;
	[tilespmem:$0x1D400] =	vst v63  }
0x90: {  	s17 =	simm.s32 $0xCC00  }
0x91: {  	[tilespmem:s17], [sflag:$0x2] =	stream.indirect_vreg.gather [hbm4b:s1+s4], $0x80, v3, vm0, $0xb8;
	[tilespmem:$0x1D400] =	vst v63  }
0x92: {  	v3 =	vld [tilespmem:$0x1C40];
	_ =	sdelay $0x4  }
0x93: {  	v52 =	vperm.xlane v3, v0;
	_ =	sdelay $0x1  }
0x94: {  	v3 =	vperm.xlane v3, v2;
	v4 =	vadd.s32 v1, v52;
	_ =	sdelay $0x1  }
0x95: {  	v3 =	vadd.s32 v1, v3;
	_ =	sdelay $0x1  }
0x96: {  	s18 =	simm.s32 $0x9800  }
0x97: {  	[tilespmem:s18], [sflag:$0x2] =	stream.indirect_vreg.gather [hbm4b:s5+s4], $0x80, v4, vm0, $0xb8;
	[tilespmem:$0x1D400] =	vst v63  }
0x98: {  	s19 =	simm.s32 $0xA000  }
0x99: {  	[tilespmem:s19], [sflag:$0x2] =	stream.indirect_vreg.gather [hbm4b:s5+s4], $0x80, v3, vm0, $0xb8;
	[tilespmem:$0x1D400] =	vst v63  }
0x9a: {  	v3 =	vld [tilespmem:$0x1C50];
	_ =	sdelay $0x4  }
0x9b: {  	v53 =	vperm.xlane v3, v0;
	_ =	sdelay $0x1  }
0x9c: {  	v3 =	vperm.xlane v3, v2;
	v4 =	vadd.s32 v1, v53;
	_ =	sdelay $0x1  }
0x9d: {  	v3 =	vadd.s32 v1, v3;
	_ =	sdelay $0x1  }
0x9e: {  	s20 =	simm.s32 $0xA800  }
0x9f: {  	[tilespmem:s20], [sflag:$0x2] =	stream.indirect_vreg.gather [hbm4b:s5+s4], $0x80, v4, vm0, $0xb8;
	[tilespmem:$0x1D400] =	vst v63  }
0xa0: {  	s21 =	simm.s32 $0xB000  }
0xa1: {  	[tilespmem:s21], [sflag:$0x2] =	stream.indirect_vreg.gather [hbm4b:s5+s4], $0x80, v3, vm0, $0xb8;
	[tilespmem:$0x1D400] =	vst v63  }
0xa2: {  	v3 =	vld [tilespmem:$0x1C60];
	_ =	sdelay $0x4  }
0xa3: {  	v54 =	vperm.xlane v3, v0;
	_ =	sdelay $0x1  }
0xa4: {  	v3 =	vperm.xlane v3, v2;
	v4 =	vadd.s32 v1, v54;
	_ =	sdelay $0x1  }
0xa5: {  	v3 =	vadd.s32 v1, v3;
	_ =	sdelay $0x1  }
0xa6: {  	s22 =	simm.s32 $0xB800  }
0xa7: {  	[tilespmem:s22], [sflag:$0x2] =	stream.indirect_vreg.gather [hbm4b:s5+s4], $0x80, v4, vm0, $0xb8;
	[tilespmem:$0x1D400] =	vst v63  }
0xa8: {  	s8 =	simm.s32 $0xC000  }
0xa9: {  	[tilespmem:s8], [sflag:$0x2] =	stream.indirect_vreg.gather [hbm4b:s5+s4], $0x80, v3, vm0, $0xb8;
	[tilespmem:$0x1D400] =	vst v63  }
0xaa: {  	v3 =	vld [tilespmem:$0x1C70];
	_ =	sdelay $0x4  }
0xab: {  	v55 =	vperm.xlane v3, v0;
	_ =	sdelay $0x1  }
0xac: {  	v3 =	vperm.xlane v3, v2;
	v4 =	vadd.s32 v1, v55;
	_ =	sdelay $0x1  }
0xad: {  	v3 =	vadd.s32 v1, v3;
	_ =	sdelay $0x1  }
0xae: {  	s9 =	simm.s32 $0xC800  }
0xaf: {  	[tilespmem:s9], [sflag:$0x2] =	stream.indirect_vreg.gather [hbm4b:s5+s4], $0x80, v4, vm0, $0xb8;
	[tilespmem:$0x1D400] =	vst v63  }
0xb0: {  	s13 =	simm.s32 $0xD000  }
0xb1: {  	[tilespmem:s13], [sflag:$0x2] =	stream.indirect_vreg.gather [hbm4b:s5+s4], $0x80, v3, vm0, $0xb8;
	[tilespmem:$0x1D400] =	vst v63  }
0xb2: {  	s15 =	simm.s32 $0x3840;
	s16 =	simm.s32 $0x17400  }
0xb3: {  	[tilespmem:s16], [sflag:$0x6] =	stream.indirect.gather [hbm4b:s5+s0], $0x80, s15, s0, $0xb8;
	[tilespmem:$0x1D400] =	vst v63  }
0xb4: {  	v3 =	vld [tilespmem:$0x80];
	_ =	sdelay $0x4  }
0xb5: {  	v56 =	vperm.xlane v3, v0;
	_ =	sdelay $0x1  }
0xb6: {  	v3 =	vperm.xlane v3, v2;
	v4 =	vadd.s32 v1, v56;
	_ =	sdelay $0x1  }
0xb7: {  	v3 =	vadd.s32 v1, v3;
	_ =	sdelay $0x2  }
0xb8: {  	[tilespmem:s29], [sflag:$0x3] =	stream.indirect_vreg.gather [hbm4b:s1+s4], $0x80, v4, vm0, $0xb8;
	[tilespmem:$0x1D400] =	vst v63  }
0xb9: {  	s17 =	simm.s32 $0xDC00  }
0xba: {  	[tilespmem:s17], [sflag:$0x3] =	stream.indirect_vreg.gather [hbm4b:s1+s4], $0x80, v3, vm0, $0xb8;
	[tilespmem:$0x1D400] =	vst v63  }
0xbb: {  	v3 =	vld [tilespmem:$0x90];
	_ =	sdelay $0x4  }
0xbc: {  	v57 =	vperm.xlane v3, v0;
	_ =	sdelay $0x1  }
0xbd: {  	v3 =	vperm.xlane v3, v2;
	v4 =	vadd.s32 v1, v57;
	_ =	sdelay $0x1  }
0xbe: {  	v3 =	vadd.s32 v1, v3;
	_ =	sdelay $0x1  }
0xbf: {  	s18 =	simm.s32 $0xE400  }
0xc0: {  	[tilespmem:s18], [sflag:$0x3] =	stream.indirect_vreg.gather [hbm4b:s1+s4], $0x80, v4, vm0, $0xb8;
	[tilespmem:$0x1D400] =	vst v63  }
0xc1: {  	s19 =	simm.s32 $0xEC00  }
0xc2: {  	[tilespmem:s19], [sflag:$0x3] =	stream.indirect_vreg.gather [hbm4b:s1+s4], $0x80, v3, vm0, $0xb8;
	[tilespmem:$0x1D400] =	vst v63  }
0xc3: {  	v3 =	vld [tilespmem:$0xA0];
	_ =	sdelay $0x4  }
0xc4: {  	v58 =	vperm.xlane v3, v0;
	_ =	sdelay $0x1  }
0xc5: {  	v3 =	vperm.xlane v3, v2;
	v4 =	vadd.s32 v1, v58;
	_ =	sdelay $0x1  }
0xc6: {  	v3 =	vadd.s32 v1, v3;
	_ =	sdelay $0x1  }
0xc7: {  	s20 =	simm.s32 $0xF400  }
0xc8: {  	[tilespmem:s20], [sflag:$0x3] =	stream.indirect_vreg.gather [hbm4b:s1+s4], $0x80, v4, vm0, $0xb8;
	[tilespmem:$0x1D400] =	vst v63  }
0xc9: {  	s21 =	simm.s32 $0xFC00  }
0xca: {  	[tilespmem:s21], [sflag:$0x3] =	stream.indirect_vreg.gather [hbm4b:s1+s4], $0x80, v3, vm0, $0xb8;
	[tilespmem:$0x1D400] =	vst v63  }
0xcb: {  	v3 =	vld [tilespmem:$0xB0];
	_ =	sdelay $0x4  }
0xcc: {  	v59 =	vperm.xlane v3, v0;
	_ =	sdelay $0x1  }
0xcd: {  	v3 =	vperm.xlane v3, v2;
	v4 =	vadd.s32 v1, v59;
	_ =	sdelay $0x1  }
0xce: {  	v3 =	vadd.s32 v1, v3;
	_ =	sdelay $0x1  }
0xcf: {  	s22 =	simm.s32 $0x10400  }
0xd0: {  	[tilespmem:s22], [sflag:$0x3] =	stream.indirect_vreg.gather [hbm4b:s1+s4], $0x80, v4, vm0, $0xb8;
	[tilespmem:$0x1D400] =	vst v63  }
0xd1: {  	s8 =	simm.s32 $0x10C00  }
0xd2: {  	[tilespmem:s8], [sflag:$0x3] =	stream.indirect_vreg.gather [hbm4b:s1+s4], $0x80, v3, vm0, $0xb8;
	[tilespmem:$0x1D400] =	vst v63  }
0xd3: {  	v3 =	vld [tilespmem:$0x1C80];
	_ =	sdelay $0x4  }
0xd4: {  	v60 =	vperm.xlane v3, v0;
	_ =	sdelay $0x1  }
0xd5: {  	v3 =	vperm.xlane v3, v2;
	v4 =	vadd.s32 v1, v60;
	_ =	sdelay $0x1  }
0xd6: {  	v3 =	vadd.s32 v1, v3;
	_ =	sdelay $0x1  }
0xd7: {  	s9 =	simm.s32 $0xD800  }
0xd8: {  	[tilespmem:s9], [sflag:$0x3] =	stream.indirect_vreg.gather [hbm4b:s5+s4], $0x80, v4, vm0, $0xb8;
	[tilespmem:$0x1D400] =	vst v63  }
0xd9: {  	s13 =	simm.s32 $0xE000  }
0xda: {  	[tilespmem:s13], [sflag:$0x3] =	stream.indirect_vreg.gather [hbm4b:s5+s4], $0x80, v3, vm0, $0xb8;
	[tilespmem:$0x1D400] =	vst v63  }
0xdb: {  	v3 =	vld [tilespmem:$0x1C90];
	_ =	sdelay $0x4  }
0xdc: {  	v61 =	vperm.xlane v3, v0;
	_ =	sdelay $0x1  }
0xdd: {  	v3 =	vperm.xlane v3, v2;
	v4 =	vadd.s32 v1, v61;
	_ =	sdelay $0x1  }
0xde: {  	v3 =	vadd.s32 v1, v3;
	_ =	sdelay $0x1  }
0xdf: {  	s15 =	simm.s32 $0xE800  }
0xe0: {  	[tilespmem:s15], [sflag:$0x3] =	stream.indirect_vreg.gather [hbm4b:s5+s4], $0x80, v4, vm0, $0xb8;
	[tilespmem:$0x1D400] =	vst v63  }
0xe1: {  	s16 =	simm.s32 $0xF000  }
0xe2: {  	[tilespmem:s16], [sflag:$0x3] =	stream.indirect_vreg.gather [hbm4b:s5+s4], $0x80, v3, vm0, $0xb8;
	[tilespmem:$0x1D400] =	vst v63  }
0xe3: {  	v3 =	vld [tilespmem:$0x1CA0];
	_ =	sdelay $0x4  }
0xe4: {  	v62 =	vperm.xlane v3, v0;
	_ =	sdelay $0x1  }
0xe5: {  	v3 =	vperm.xlane v3, v2;
	v4 =	vadd.s32 v1, v62;
	_ =	sdelay $0x1  }
0xe6: {  	v3 =	vadd.s32 v1, v3;
	_ =	sdelay $0x1  }
0xe7: {  	s17 =	simm.s32 $0xF800  }
0xe8: {  	[tilespmem:s17], [sflag:$0x3] =	stream.indirect_vreg.gather [hbm4b:s5+s4], $0x80, v4, vm0, $0xb8;
	[tilespmem:$0x1D400] =	vst v63  }
0xe9: {  	s18 =	simm.s32 $0x10000  }
0xea: {  	[tilespmem:s18], [sflag:$0x3] =	stream.indirect_vreg.gather [hbm4b:s5+s4], $0x80, v3, vm0, $0xb8;
	[tilespmem:$0x1D400] =	vst v63  }
0xeb: {  	v3 =	vld [tilespmem:$0x1CB0];
	_ =	sdelay $0x4  }
0xec: {  	v63 =	vperm.xlane v3, v0;
	_ =	sdelay $0x1  }
0xed: {  	v3 =	vperm.xlane v3, v2;
	v4 =	vadd.s32 v1, v63;
	_ =	sdelay $0x1  }
0xee: {  	v3 =	vadd.s32 v1, v3;
	_ =	sdelay $0x1  }
0xef: {  	s19 =	simm.s32 $0x10800  }
0xf0: {  	[tilespmem:s19], [sflag:$0x3] =	stream.indirect_vreg.gather [hbm4b:s5+s4], $0x80, v4, vm0, $0xb8;
	[tilespmem:$0x1D400] =	vst v63  }
0xf1: {  	s20 =	simm.s32 $0x11000  }
0xf2: {  	[tilespmem:s20], [sflag:$0x3] =	stream.indirect_vreg.gather [hbm4b:s5+s4], $0x80, v3, vm0, $0xb8;
	[tilespmem:$0x1D400] =	vst v63  }
0xf3: {  	s6 =	simm.s32 $0x0;
	s21 =	simm.s32 $0x3880;
	s22 =	simm.s32 $0x19400  }
0xf4: {  	[tilespmem:s22], [sflag:$0x7] =	stream.indirect.gather [hbm4b:s5+s0], $0x80, s21, s0, $0xb8;
	[tilespmem:$0x1D400] =	vst v63  }
.LBB2_2:
0xf5: {  	_ =	swait.ge [sflag:s24], $0x2000  }
0xf6: {  	[sflag:s24] =	ssyncset.done $0x0  }
0xf7: {  	[sflag:s24] =	ssyncadd.s32 $0xFFFFE000  }
0xf8: {  	_ =	swait.ge [sflag:s24], $0x2000  }
0xf9: {  	[sflag:s24] =	ssyncset.done $0x0  }
0xfa: {  	[sflag:s24] =	ssyncadd.s32 $0xFFFFE000  }
0xfb: {  	_ =	swait.ge [sflag:s25], $0x2000  }
0xfc: {  	[sflag:s25] =	ssyncset.done $0x0  }
0xfd: {  	s15 =	simm.s32 $0x15540;
	[sflag:s25] =	ssyncadd.s32 $0xFFFFE000  }
0xfe: {  	p0 =	por $0x0, $0x0;
	s13 =	simm.s32 $0x1;
	v3 =	vld [tilespmem:s15+$0xFFFFFF00]  }
0xff: {  	s13 =	simm.s32 @!p0 $0x0  }
0x100: {  	s13 =	sshll.u32 s13, $0x9  }
0x101: {  	s13 =	sadd.s32 $0x0, s13  }
0x102: {  	s16 =	sor.u32 $0x440, s13  }
0x103: {  	[tilespmem:s16+$0x5400] =	vst v3  }
0x104: {  	v3 =	vld [tilespmem:s15+$0xFFFFFF10];
	_ =	sdelay $0x3  }
0x105: {  	s8 =	sor.u32 $0x450, s13  }
0x106: {  	[tilespmem:s8+$0x5400] =	vst v3  }
0x107: {  	v3 =	vld [tilespmem:s15+$0xFFFFFF20];
	_ =	sdelay $0x3  }
0x108: {  	s9 =	sor.u32 $0x460, s13  }
0x109: {  	[tilespmem:s9+$0x5400] =	vst v3  }
0x10a: {  	v3 =	vld [tilespmem:s15+$0xFFFFFF30];
	_ =	sdelay $0x3  }
0x10b: {  	s17 =	sor.u32 $0x470, s13  }
0x10c: {  	s13 =	simm.s32 $0x0;
	[tilespmem:s17+$0x5400] =	vst v3  }
0x10d: {  	s18 =	sand.u32 $0x7, s13;
	v3 =	vld [tilespmem:s15+$0xFFFFFF80]  }
0x10e: {  	s16 =	sshll.u32 s18, $0x7  }
0x10f: {  	s16 =	sadd.s32 $0x0, s16  }
0x110: {  	s17 =	sadd.s32 $0x80, s16  }
0x111: {  	s18 =	sor.u32 $0x440, s17  }
0x112: {  	[tilespmem:s18+$0x5400] =	vst v3  }
0x113: {  	v3 =	vld [tilespmem:s15+$0xFFFFFF90];
	_ =	sdelay $0x3  }
0x114: {  	s19 =	sor.u32 $0x450, s17  }
0x115: {  	[tilespmem:s19+$0x5400] =	vst v3  }
0x116: {  	v3 =	vld [tilespmem:s15+$0xFFFFFFA0];
	_ =	sdelay $0x3  }
0x117: {  	s20 =	sor.u32 $0x460, s17  }
0x118: {  	[tilespmem:s20+$0x5400] =	vst v3  }
0x119: {  	v3 =	vld [tilespmem:s15+$0xFFFFFFB0];
	_ =	sdelay $0x3  }
0x11a: {  	s17 =	sor.u32 $0x470, s17  }
0x11b: {  	[tilespmem:s17+$0x5400] =	vst v3  }
0x11c: {  	v3 =	vld [tilespmem:s15+$0x0]  }
0x11d: {  	s21 =	sand.u32 $0x3, s13  }
0x11e: {  	s17 =	sshll.u32 s21, $0x8  }
0x11f: {  	s17 =	sadd.s32 $0x100, s17  }
0x120: {  	s22 =	sor.u32 $0x440, s17  }
0x121: {  	[tilespmem:s22+$0x5400] =	vst v3  }
0x122: {  	v3 =	vld [tilespmem:s15+$0x10];
	_ =	sdelay $0x3  }
0x123: {  	s8 =	sor.u32 $0x450, s17  }
0x124: {  	[tilespmem:s8+$0x5400] =	vst v3  }
0x125: {  	v3 =	vld [tilespmem:s15+$0x20];
	_ =	sdelay $0x3  }
0x126: {  	s9 =	sor.u32 $0x460, s17  }
0x127: {  	[tilespmem:s9+$0x5400] =	vst v3  }
0x128: {  	v3 =	vld [tilespmem:s15+$0x30];
	_ =	sdelay $0x3  }
0x129: {  	s17 =	sor.u32 $0x470, s17  }
0x12a: {  	[tilespmem:s17+$0x5400] =	vst v3  }
0x12b: {  	v3 =	vld [tilespmem:s15+$0x80];
	_ =	sdelay $0x2  }
0x12c: {  	s16 =	sadd.s32 $0x180, s16  }
0x12d: {  	s19 =	sor.u32 $0x440, s16  }
0x12e: {  	[tilespmem:s19+$0x5400] =	vst v3  }
0x12f: {  	v3 =	vld [tilespmem:s15+$0x90];
	_ =	sdelay $0x3  }
0x130: {  	s20 =	sor.u32 $0x450, s16  }
0x131: {  	[tilespmem:s20+$0x5400] =	vst v3  }
0x132: {  	v3 =	vld [tilespmem:s15+$0xA0];
	_ =	sdelay $0x3  }
0x133: {  	s21 =	sor.u32 $0x460, s16  }
0x134: {  	[tilespmem:s21+$0x5400] =	vst v3  }
0x135: {  	v3 =	vld [tilespmem:s15+$0xB0];
	_ =	sdelay $0x3  }
0x136: {  	s18 =	simm.s32 $0x0;
	s22 =	sor.u32 $0x470, s16;
	s17 =	simm.s32 $0x100  }
0x137: {  	s19 =	simm.s32 $0x15740;
	s20 =	simm.s32 $0x0;
	s21 =	simm.s32 $0x0;
	[tilespmem:s22+$0x5400] =	vst v3  }
.LBB2_3:
0x138: {  	v3 =	vld [tilespmem:s19+$0xFFFFFF00];
	s18 =	sadd.s32 $0x4, s18;
	p0 =	por !p0, !p0;
	s15 =	simm.s32 $0x1  }
0x139: {  	s15 =	simm.s32 @!p0 $0x0;
	p1 =	slt.u32 s18, $0x3C  }
0x13a: {  	s13 =	sadd.s32 $0x400, s13;
	s15 =	sshll.u32 s15, $0x9  }
0x13b: {  	s15 =	sadd.s32 s15, s13  }
0x13c: {  	s16 =	sor.u32 $0x440, s15  }
0x13d: {  	[tilespmem:s16+$0x5400] =	vst v3  }
0x13e: {  	v3 =	vld [tilespmem:s19+$0xFFFFFF10];
	_ =	sdelay $0x3  }
0x13f: {  	s16 =	sor.u32 $0x450, s15  }
0x140: {  	[tilespmem:s16+$0x5400] =	vst v3  }
0x141: {  	v3 =	vld [tilespmem:s19+$0xFFFFFF20];
	_ =	sdelay $0x3  }
0x142: {  	s16 =	sor.u32 $0x460, s15  }
0x143: {  	[tilespmem:s16+$0x5400] =	vst v3  }
0x144: {  	v3 =	vld [tilespmem:s19+$0xFFFFFF30];
	_ =	sdelay $0x3  }
0x145: {  	s15 =	sor.u32 $0x470, s15  }
0x146: {  	s20 =	sadd.s32 $0x4, s20;
	[tilespmem:s15+$0x5400] =	vst v3  }
0x147: {  	s15 =	sand.u32 $0x7, s20;
	v3 =	vld [tilespmem:s19+$0xFFFFFF80]  }
0x148: {  	s15 =	sshll.u32 s15, $0x7  }
0x149: {  	s16 =	sadd.s32 s15, s13  }
0x14a: {  	s15 =	sadd.s32 $0x80, s16  }
0x14b: {  	s22 =	sor.u32 $0x440, s15  }
0x14c: {  	[tilespmem:s22+$0x5400] =	vst v3  }
0x14d: {  	v3 =	vld [tilespmem:s19+$0xFFFFFF90];
	_ =	sdelay $0x3  }
0x14e: {  	s22 =	sor.u32 $0x450, s15  }
0x14f: {  	[tilespmem:s22+$0x5400] =	vst v3  }
0x150: {  	v3 =	vld [tilespmem:s19+$0xFFFFFFA0];
	_ =	sdelay $0x3  }
0x151: {  	s22 =	sor.u32 $0x460, s15  }
0x152: {  	[tilespmem:s22+$0x5400] =	vst v3  }
0x153: {  	v3 =	vld [tilespmem:s19+$0xFFFFFFB0];
	_ =	sdelay $0x3  }
0x154: {  	s15 =	sor.u32 $0x470, s15  }
0x155: {  	[tilespmem:s15+$0x5400] =	vst v3  }
0x156: {  	s21 =	sadd.s32 $0x2, s21;
	v3 =	vld [tilespmem:s19+$0x0]  }
0x157: {  	s15 =	sand.u32 $0x3, s21  }
0x158: {  	s17 =	sadd.s32 $0x400, s17;
	s15 =	sshll.u32 s15, $0x8  }
0x159: {  	s15 =	sadd.s32 s15, s17  }
0x15a: {  	s22 =	sor.u32 $0x440, s15  }
0x15b: {  	[tilespmem:s22+$0x5400] =	vst v3  }
0x15c: {  	v3 =	vld [tilespmem:s19+$0x10];
	_ =	sdelay $0x3  }
0x15d: {  	s22 =	sor.u32 $0x450, s15  }
0x15e: {  	[tilespmem:s22+$0x5400] =	vst v3  }
0x15f: {  	v3 =	vld [tilespmem:s19+$0x20];
	_ =	sdelay $0x3  }
0x160: {  	s22 =	sor.u32 $0x460, s15  }
0x161: {  	[tilespmem:s22+$0x5400] =	vst v3  }
0x162: {  	v3 =	vld [tilespmem:s19+$0x30];
	_ =	sdelay $0x3  }
0x163: {  	s15 =	sor.u32 $0x470, s15  }
0x164: {  	[tilespmem:s15+$0x5400] =	vst v3  }
0x165: {  	v3 =	vld [tilespmem:s19+$0x80];
	_ =	sdelay $0x2  }
0x166: {  	s15 =	sadd.s32 $0x180, s16  }
0x167: {  	s16 =	sor.u32 $0x440, s15  }
0x168: {  	[tilespmem:s16+$0x5400] =	vst v3  }
0x169: {  	v3 =	vld [tilespmem:s19+$0x90];
	_ =	sdelay $0x3  }
0x16a: {  	s16 =	sor.u32 $0x450, s15  }
0x16b: {  	[tilespmem:s16+$0x5400] =	vst v3  }
0x16c: {  	v3 =	vld [tilespmem:s19+$0xA0];
	_ =	sdelay $0x3  }
0x16d: {  	s16 =	sor.u32 $0x460, s15  }
0x16e: {  	[tilespmem:s16+$0x5400] =	vst v3  }
0x16f: {  	v3 =	vld [tilespmem:s19+$0xB0]  }
.Ltmp2:
0x170: {  	(pc) =	sbr.rel @p1 .LBB2_3-.Ltmp2, $3  }
0x171: {  	_ =	sdelay $0x1  }
0x172: {  	s15 =	sor.u32 $0x470, s15  }
0x173: {  	s19 =	sadd.s32 $0x200, s19;
	[tilespmem:s15+$0x5400] =	vst v3  }
0x174: {  	s17 =	sshll.u32 s6, $0x10  }
0x175: {  	s13 =	sadd.s32 s7, s17  }
0x176: {  	p0 =	seq.s32 s6, $0x0;
	s13 =	sshrl.u32 s13, $0x3  }
0x177: {  	s8 =	simm.s32 $0x5400;
	s15 =	simm.s32 @!p0 $0xC;
	s13 =	sadd.s32 s3, s13  }
0x178: {  	[hbm4b:s13+s4] =	stream.linear.scatter [tilespmem:s8], [sflag:$0x9], $0x4000, $0x38;
	[tilespmem:$0x1D400] =	vst v63  }
0x179: {  	_ =	swait.ge @!p0 [sflag:s15], $0x4000  }
0x17a: {  	s13 =	sshllo.u32 s6, $0x2;
	[sflag:s15] =	ssyncset.done @!p0 $0x0  }
0x17b: {  	[sflag:s15] =	ssyncadd.s32 @!p0 $0xFFFFC000;
	s15 =	sshll.u32 s13, $0x6  }
0x17c: {  	v3 =	vld [tilespmem:s15+$0x0];
	_ =	sdelay $0x4  }
0x17d: {  	v4 =	vperm.xlane v3, v0;
	_ =	sdelay $0x1  }
0x17e: {  	v3 =	vperm.xlane v3, v2;
	v4 =	vadd.s32 v1, v4;
	_ =	sdelay $0x1  }
0x17f: {  	v3 =	vadd.s32 v1, v3;
	_ =	sdelay $0x1  }
0x180: {  	s18 =	simm.s32 $0x0  }
0x181: {  	[tilespmem:s26], [sflag:$0x4] =	stream.indirect_vreg.gather [hbm4b:s1+s18], $0x80, v4, vm0, $0xb8;
	[tilespmem:$0x1D400] =	vst v63  }
0x182: {  	s9 =	simm.s32 $0x11C00  }
0x183: {  	[tilespmem:s9], [sflag:$0x4] =	stream.indirect_vreg.gather [hbm4b:s1+s18], $0x80, v3, vm0, $0xb8;
	[tilespmem:$0x1D400] =	vst v63  }
0x184: {  	v3 =	vld [tilespmem:s15+$0x10];
	_ =	sdelay $0x4  }
0x185: {  	v4 =	vperm.xlane v3, v0;
	_ =	sdelay $0x1  }
0x186: {  	v3 =	vperm.xlane v3, v2;
	v4 =	vadd.s32 v1, v4;
	_ =	sdelay $0x1  }
0x187: {  	v3 =	vadd.s32 v1, v3;
	_ =	sdelay $0x1  }
0x188: {  	s16 =	simm.s32 $0x12400  }
0x189: {  	[tilespmem:s16], [sflag:$0x4] =	stream.indirect_vreg.gather [hbm4b:s1+s18], $0x80, v4, vm0, $0xb8;
	[tilespmem:$0x1D400] =	vst v63  }
0x18a: {  	s19 =	simm.s32 $0x12C00  }
0x18b: {  	[tilespmem:s19], [sflag:$0x4] =	stream.indirect_vreg.gather [hbm4b:s1+s18], $0x80, v3, vm0, $0xb8;
	[tilespmem:$0x1D400] =	vst v63  }
0x18c: {  	v3 =	vld [tilespmem:s15+$0x20];
	_ =	sdelay $0x4  }
0x18d: {  	v4 =	vperm.xlane v3, v0;
	_ =	sdelay $0x1  }
0x18e: {  	v3 =	vperm.xlane v3, v2;
	v4 =	vadd.s32 v1, v4;
	_ =	sdelay $0x1  }
0x18f: {  	v3 =	vadd.s32 v1, v3;
	_ =	sdelay $0x1  }
0x190: {  	s20 =	simm.s32 $0x13400  }
0x191: {  	[tilespmem:s20], [sflag:$0x4] =	stream.indirect_vreg.gather [hbm4b:s1+s18], $0x80, v4, vm0, $0xb8;
	[tilespmem:$0x1D400] =	vst v63  }
0x192: {  	s21 =	simm.s32 $0x13C00  }
0x193: {  	[tilespmem:s21], [sflag:$0x4] =	stream.indirect_vreg.gather [hbm4b:s1+s18], $0x80, v3, vm0, $0xb8;
	[tilespmem:$0x1D400] =	vst v63  }
0x194: {  	v3 =	vld [tilespmem:s15+$0x30];
	_ =	sdelay $0x4  }
0x195: {  	v4 =	vperm.xlane v3, v0;
	_ =	sdelay $0x1  }
0x196: {  	v3 =	vperm.xlane v3, v2;
	v4 =	vadd.s32 v1, v4;
	_ =	sdelay $0x1  }
0x197: {  	v3 =	vadd.s32 v1, v3;
	_ =	sdelay $0x1  }
0x198: {  	s22 =	simm.s32 $0x14400  }
0x199: {  	[tilespmem:s22], [sflag:$0x4] =	stream.indirect_vreg.gather [hbm4b:s1+s18], $0x80, v4, vm0, $0xb8;
	[tilespmem:$0x1D400] =	vst v63  }
0x19a: {  	s9 =	simm.s32 $0x14C00  }
0x19b: {  	[tilespmem:s9], [sflag:$0x4] =	stream.indirect_vreg.gather [hbm4b:s1+s18], $0x80, v3, vm0, $0xb8;
	[tilespmem:$0x1D400] =	vst v63  }
0x19c: {  	v3 =	vld [tilespmem:s15+$0x1C00];
	_ =	sdelay $0x4  }
0x19d: {  	v4 =	vperm.xlane v3, v0;
	_ =	sdelay $0x1  }
0x19e: {  	v3 =	vperm.xlane v3, v2;
	v4 =	vadd.s32 v1, v4;
	_ =	sdelay $0x1  }
0x19f: {  	v3 =	vadd.s32 v1, v3;
	_ =	sdelay $0x1  }
0x1a0: {  	s16 =	simm.s32 $0x11800  }
0x1a1: {  	[tilespmem:s16], [sflag:$0x4] =	stream.indirect_vreg.gather [hbm4b:s5+s18], $0x80, v4, vm0, $0xb8;
	[tilespmem:$0x1D400] =	vst v63  }
0x1a2: {  	s19 =	simm.s32 $0x12000  }
0x1a3: {  	[tilespmem:s19], [sflag:$0x4] =	stream.indirect_vreg.gather [hbm4b:s5+s18], $0x80, v3, vm0, $0xb8;
	[tilespmem:$0x1D400] =	vst v63  }
0x1a4: {  	v3 =	vld [tilespmem:s15+$0x1C10];
	_ =	sdelay $0x4  }
0x1a5: {  	v4 =	vperm.xlane v3, v0;
	_ =	sdelay $0x1  }
0x1a6: {  	v3 =	vperm.xlane v3, v2;
	v4 =	vadd.s32 v1, v4;
	_ =	sdelay $0x1  }
0x1a7: {  	v3 =	vadd.s32 v1, v3;
	_ =	sdelay $0x1  }
0x1a8: {  	s20 =	simm.s32 $0x12800  }
0x1a9: {  	[tilespmem:s20], [sflag:$0x4] =	stream.indirect_vreg.gather [hbm4b:s5+s18], $0x80, v4, vm0, $0xb8;
	[tilespmem:$0x1D400] =	vst v63  }
0x1aa: {  	s21 =	simm.s32 $0x13000  }
0x1ab: {  	[tilespmem:s21], [sflag:$0x4] =	stream.indirect_vreg.gather [hbm4b:s5+s18], $0x80, v3, vm0, $0xb8;
	[tilespmem:$0x1D400] =	vst v63  }
0x1ac: {  	v3 =	vld [tilespmem:s15+$0x1C20];
	_ =	sdelay $0x4  }
0x1ad: {  	v4 =	vperm.xlane v3, v0;
	_ =	sdelay $0x1  }
0x1ae: {  	v3 =	vperm.xlane v3, v2;
	v4 =	vadd.s32 v1, v4;
	_ =	sdelay $0x1  }
0x1af: {  	v3 =	vadd.s32 v1, v3;
	_ =	sdelay $0x1  }
0x1b0: {  	s22 =	simm.s32 $0x13800  }
0x1b1: {  	[tilespmem:s22], [sflag:$0x4] =	stream.indirect_vreg.gather [hbm4b:s5+s18], $0x80, v4, vm0, $0xb8;
	[tilespmem:$0x1D400] =	vst v63  }
0x1b2: {  	s9 =	simm.s32 $0x14000  }
0x1b3: {  	[tilespmem:s9], [sflag:$0x4] =	stream.indirect_vreg.gather [hbm4b:s5+s18], $0x80, v3, vm0, $0xb8;
	[tilespmem:$0x1D400] =	vst v63  }
0x1b4: {  	v3 =	vld [tilespmem:s15+$0x1C30];
	_ =	sdelay $0x4  }
0x1b5: {  	v4 =	vperm.xlane v3, v0;
	_ =	sdelay $0x1  }
0x1b6: {  	v3 =	vperm.xlane v3, v2;
	v4 =	vadd.s32 v1, v4;
	_ =	sdelay $0x1  }
0x1b7: {  	v3 =	vadd.s32 v1, v3;
	_ =	sdelay $0x1  }
0x1b8: {  	s16 =	simm.s32 $0x14800  }
0x1b9: {  	[tilespmem:s16], [sflag:$0x4] =	stream.indirect_vreg.gather [hbm4b:s5+s18], $0x80, v4, vm0, $0xb8;
	[tilespmem:$0x1D400] =	vst v63  }
0x1ba: {  	s19 =	simm.s32 $0x15000  }
0x1bb: {  	[tilespmem:s19], [sflag:$0x4] =	stream.indirect_vreg.gather [hbm4b:s5+s18], $0x80, v3, vm0, $0xb8;
	[tilespmem:$0x1D400] =	vst v63  }
0x1bc: {  	s20 =	simm.s32 $0x1B400;
	s15 =	sadd.s32 $0x3800, s15  }
0x1bd: {  	[tilespmem:s20], [sflag:$0x8] =	stream.indirect.gather [hbm4b:s5+s0], $0x80, s15, s0, $0xb8;
	[tilespmem:$0x1D400] =	vst v63  }
0x1be: {  	_ =	swait.ge [sflag:s23], $0x2000  }
0x1bf: {  	[sflag:s23] =	ssyncset.done $0x0  }
0x1c0: {  	[sflag:s23] =	ssyncadd.s32 $0xFFFFE000  }
0x1c1: {  	_ =	swait.ge [sflag:s23], $0x2000  }
0x1c2: {  	[sflag:s23] =	ssyncset.done $0x0  }
0x1c3: {  	[sflag:s23] =	ssyncadd.s32 $0xFFFFE000  }
0x1c4: {  	_ =	swait.ge [sflag:s28], $0x2000  }
0x1c5: {  	[sflag:s28] =	ssyncset.done $0x0  }
0x1c6: {  	s16 =	simm.s32 $0x175F0;
	[sflag:s28] =	ssyncadd.s32 $0xFFFFE000  }
0x1c7: {  	p0 =	por $0x0, $0x0;
	s15 =	simm.s32 $0x1;
	v3 =	vld [tilespmem:s16+$0xFFFFFE50]  }
0x1c8: {  	s15 =	simm.s32 @!p0 $0x0  }
0x1c9: {  	s15 =	sshll.u32 s15, $0x9  }
0x1ca: {  	s15 =	sadd.s32 $0x0, s15  }
0x1cb: {  	s15 =	sor.u32 $0x4400, s15  }
0x1cc: {  	[tilespmem:s15+$0x5440] =	vst v3  }
0x1cd: {  	v3 =	vld [tilespmem:s16+$0xFFFFFE60];
	_ =	sdelay $0x4  }
0x1ce: {  	[tilespmem:s15+$0x5450] =	vst v3  }
0x1cf: {  	v3 =	vld [tilespmem:s16+$0xFFFFFE70];
	_ =	sdelay $0x4  }
0x1d0: {  	[tilespmem:s15+$0x5460] =	vst v3  }
0x1d1: {  	v3 =	vld [tilespmem:s16+$0xFFFFFE80];
	_ =	sdelay $0x4  }
0x1d2: {  	[tilespmem:s15+$0x5470] =	vst v3  }
0x1d3: {  	s21 =	sand.u32 $0x7, s18;
	v3 =	vld [tilespmem:s16+$0xFFFFFED0]  }
0x1d4: {  	s15 =	sshll.u32 s21, $0x7  }
0x1d5: {  	s15 =	sadd.s32 $0x0, s15  }
0x1d6: {  	s19 =	sadd.s32 $0x80, s15  }
0x1d7: {  	s19 =	sor.u32 $0x4400, s19  }
0x1d8: {  	[tilespmem:s19+$0x5440] =	vst v3  }
0x1d9: {  	v3 =	vld [tilespmem:s16+$0xFFFFFEE0];
	_ =	sdelay $0x4  }
0x1da: {  	[tilespmem:s19+$0x5450] =	vst v3  }
0x1db: {  	v3 =	vld [tilespmem:s16+$0xFFFFFEF0];
	_ =	sdelay $0x4  }
0x1dc: {  	[tilespmem:s19+$0x5460] =	vst v3  }
0x1dd: {  	v3 =	vld [tilespmem:s16+$0xFFFFFF00];
	_ =	sdelay $0x4  }
0x1de: {  	[tilespmem:s19+$0x5470] =	vst v3  }
0x1df: {  	v3 =	vld [tilespmem:s16+$0xFFFFFF50]  }
0x1e0: {  	s22 =	sand.u32 $0x3, s18  }
0x1e1: {  	s19 =	sshll.u32 s22, $0x8  }
0x1e2: {  	s19 =	sadd.s32 $0x100, s19  }
0x1e3: {  	s19 =	sor.u32 $0x4400, s19  }
0x1e4: {  	[tilespmem:s19+$0x5440] =	vst v3  }
0x1e5: {  	v3 =	vld [tilespmem:s16+$0xFFFFFF60];
	_ =	sdelay $0x4  }
0x1e6: {  	[tilespmem:s19+$0x5450] =	vst v3  }
0x1e7: {  	v3 =	vld [tilespmem:s16+$0xFFFFFF70];
	_ =	sdelay $0x4  }
0x1e8: {  	[tilespmem:s19+$0x5460] =	vst v3  }
0x1e9: {  	v3 =	vld [tilespmem:s16+$0xFFFFFF80];
	_ =	sdelay $0x4  }
0x1ea: {  	[tilespmem:s19+$0x5470] =	vst v3  }
0x1eb: {  	v3 =	vld [tilespmem:s16+$0xFFFFFFD0];
	_ =	sdelay $0x2  }
0x1ec: {  	s15 =	sadd.s32 $0x180, s15  }
0x1ed: {  	s15 =	sor.u32 $0x4400, s15  }
0x1ee: {  	[tilespmem:s15+$0x5440] =	vst v3  }
0x1ef: {  	v3 =	vld [tilespmem:s16+$0xFFFFFFE0];
	_ =	sdelay $0x4  }
0x1f0: {  	[tilespmem:s15+$0x5450] =	vst v3  }
0x1f1: {  	v3 =	vld [tilespmem:s16+$0xFFFFFFF0];
	_ =	sdelay $0x4  }
0x1f2: {  	[tilespmem:s15+$0x5460] =	vst v3  }
0x1f3: {  	v3 =	vld [tilespmem:s16+$0x0];
	_ =	sdelay $0x2  }
0x1f4: {  	s20 =	simm.s32 $0x177F0;
	p0 =	por !p0, !p0;
	s21 =	simm.s32 $0x500  }
0x1f5: {  	s22 =	simm.s32 $0x2;
	s19 =	simm.s32 $0x0;
	s16 =	simm.s32 $0x0  }
.LBB2_5:
0x1f6: {  	s19 =	sadd.s32 $0x4, s19;
	[tilespmem:s15+$0x5470] =	vst v3;
	s18 =	sadd.s32 $0x400, s18;
	s16 =	sadd.s32 $0x4, s16  }
0x1f7: {  	s15 =	simm.s32 $0x1;
	v3 =	vld [tilespmem:s20+$0xFFFFFE50];
	p1 =	slt.u32 s19, $0x3C  }
0x1f8: {  	s15 =	simm.s32 @!p0 $0x0  }
0x1f9: {  	s15 =	sshll.u32 s15, $0x9  }
0x1fa: {  	s15 =	sadd.s32 s15, s18  }
0x1fb: {  	s15 =	sor.u32 $0x4400, s15  }
0x1fc: {  	[tilespmem:s15+$0x5440] =	vst v3  }
0x1fd: {  	v3 =	vld [tilespmem:s20+$0xFFFFFE60];
	_ =	sdelay $0x4  }
0x1fe: {  	[tilespmem:s15+$0x5450] =	vst v3  }
0x1ff: {  	v3 =	vld [tilespmem:s20+$0xFFFFFE70];
	_ =	sdelay $0x4  }
0x200: {  	[tilespmem:s15+$0x5460] =	vst v3  }
0x201: {  	v3 =	vld [tilespmem:s20+$0xFFFFFE80];
	_ =	sdelay $0x4  }
0x202: {  	[tilespmem:s15+$0x5470] =	vst v3  }
0x203: {  	s15 =	sand.u32 $0x7, s16;
	v3 =	vld [tilespmem:s20+$0xFFFFFED0]  }
0x204: {  	s15 =	sshll.u32 s15, $0x7  }
0x205: {  	s15 =	sadd.s32 s15, s18  }
0x206: {  	s8 =	sadd.s32 $0x80, s15;
	s15 =	sadd.s32 $0x180, s15  }
0x207: {  	s8 =	sor.u32 $0x4400, s8  }
0x208: {  	[tilespmem:s8+$0x5440] =	vst v3  }
0x209: {  	v3 =	vld [tilespmem:s20+$0xFFFFFEE0];
	_ =	sdelay $0x4  }
0x20a: {  	[tilespmem:s8+$0x5450] =	vst v3  }
0x20b: {  	v3 =	vld [tilespmem:s20+$0xFFFFFEF0];
	_ =	sdelay $0x4  }
0x20c: {  	[tilespmem:s8+$0x5460] =	vst v3  }
0x20d: {  	v3 =	vld [tilespmem:s20+$0xFFFFFF00];
	_ =	sdelay $0x4  }
0x20e: {  	[tilespmem:s8+$0x5470] =	vst v3  }
0x20f: {  	v3 =	vld [tilespmem:s20+$0xFFFFFF50]  }
0x210: {  	s8 =	sand.u32 $0x3, s22  }
0x211: {  	s8 =	sshll.u32 s8, $0x8  }
0x212: {  	s8 =	sadd.s32 s8, s21  }
0x213: {  	s8 =	sor.u32 $0x4400, s8  }
0x214: {  	[tilespmem:s8+$0x5440] =	vst v3  }
0x215: {  	v3 =	vld [tilespmem:s20+$0xFFFFFF60];
	_ =	sdelay $0x4  }
0x216: {  	[tilespmem:s8+$0x5450] =	vst v3  }
0x217: {  	v3 =	vld [tilespmem:s20+$0xFFFFFF70];
	_ =	sdelay $0x4  }
0x218: {  	[tilespmem:s8+$0x5460] =	vst v3  }
0x219: {  	v3 =	vld [tilespmem:s20+$0xFFFFFF80];
	_ =	sdelay $0x4  }
0x21a: {  	[tilespmem:s8+$0x5470] =	vst v3  }
0x21b: {  	v3 =	vld [tilespmem:s20+$0xFFFFFFD0];
	_ =	sdelay $0x3  }
0x21c: {  	s15 =	sor.u32 $0x4400, s15  }
0x21d: {  	[tilespmem:s15+$0x5440] =	vst v3  }
0x21e: {  	v3 =	vld [tilespmem:s20+$0xFFFFFFE0];
	_ =	sdelay $0x4  }
0x21f: {  	[tilespmem:s15+$0x5450] =	vst v3  }
0x220: {  	v3 =	vld [tilespmem:s20+$0xFFFFFFF0];
	_ =	sdelay $0x4  }
0x221: {  	[tilespmem:s15+$0x5460] =	vst v3  }
.Ltmp3:
0x222: {  	v3 =	vld [tilespmem:s20+$0x0];
	(pc) =	sbr.rel @p1 .LBB2_5-.Ltmp3, $3  }
0x223: {  	_ =	sdelay $0x1  }
0x224: {  	s20 =	sadd.s32 $0x200, s20  }
0x225: {  	p0 =	por !p0, !p0;
	s22 =	sadd.s32 $0x2, s22;
	s21 =	sadd.s32 $0x400, s21  }
0x226: {  	p0 =	seq.s32 s6, $0x18  }
.Ltmp4:
0x227: {  	_ = 	snop;
	(pc) =	sbr.rel @p0 .LBB2_8-.Ltmp4, $4  }
0x228: {  	s8 =	sadd.s32 s17, s10  }
0x229: {  	s8 =	sshrl.u32 s8, $0x3  }
0x22a: {  	[tilespmem:s15+$0x5470] =	vst v3;
	s9 =	simm.s32 $0x9400;
	s8 =	sadd.s32 s3, s8  }
0x22b: {  	[hbm4b:s8+s4] =	stream.linear.scatter [tilespmem:s9], [sflag:$0xA], $0x4000, $0x38;
	[tilespmem:$0x1D400] =	vst v63  }
0x22c: {  	s8 =	simm.s32 $0x9  }
0x22d: {  	_ =	swait.ge [sflag:s8], $0x4000  }
0x22e: {  	[sflag:s8] =	ssyncset.done $0x0  }
0x22f: {  	[sflag:s8] =	ssyncadd.s32 $0xFFFFC000;
	s8 =	sshll.u32 s6, $0x8  }
0x230: {  	v3 =	vld [tilespmem:s8+$0x100];
	_ =	sdelay $0x4  }
0x231: {  	v4 =	vperm.xlane v3, v0;
	_ =	sdelay $0x1  }
0x232: {  	v3 =	vperm.xlane v3, v2;
	v4 =	vadd.s32 v1, v4;
	_ =	sdelay $0x1  }
0x233: {  	v3 =	vadd.s32 v1, v3;
	_ =	sdelay $0x1  }
0x234: {  	s9 =	simm.s32 $0x5400  }
0x235: {  	[tilespmem:s9], [sflag:$0x1] =	stream.indirect_vreg.gather [hbm4b:s1+s4], $0x80, v4, vm0, $0xb8;
	[tilespmem:$0x1D400] =	vst v63  }
0x236: {  	s21 =	simm.s32 $0x5C00  }
0x237: {  	[tilespmem:s21], [sflag:$0x1] =	stream.indirect_vreg.gather [hbm4b:s1+s4], $0x80, v3, vm0, $0xb8;
	[tilespmem:$0x1D400] =	vst v63  }
0x238: {  	v3 =	vld [tilespmem:s8+$0x110];
	_ =	sdelay $0x4  }
0x239: {  	v57 =	vperm.xlane v3, v0;
	_ =	sdelay $0x1  }
0x23a: {  	v3 =	vperm.xlane v3, v2;
	v4 =	vadd.s32 v1, v57;
	_ =	sdelay $0x1  }
0x23b: {  	v3 =	vadd.s32 v1, v3;
	_ =	sdelay $0x1  }
0x23c: {  	s22 =	simm.s32 $0x6400  }
0x23d: {  	[tilespmem:s22], [sflag:$0x1] =	stream.indirect_vreg.gather [hbm4b:s1+s4], $0x80, v4, vm0, $0xb8;
	[tilespmem:$0x1D400] =	vst v63  }
0x23e: {  	s15 =	simm.s32 $0x6C00  }
0x23f: {  	[tilespmem:s15], [sflag:$0x1] =	stream.indirect_vreg.gather [hbm4b:s1+s4], $0x80, v3, vm0, $0xb8;
	[tilespmem:$0x1D400] =	vst v63  }
0x240: {  	v3 =	vld [tilespmem:s8+$0x120];
	_ =	sdelay $0x4  }
0x241: {  	v58 =	vperm.xlane v3, v0;
	_ =	sdelay $0x1  }
0x242: {  	v3 =	vperm.xlane v3, v2;
	v4 =	vadd.s32 v1, v58;
	_ =	sdelay $0x1  }
0x243: {  	v3 =	vadd.s32 v1, v3;
	_ =	sdelay $0x1  }
0x244: {  	s16 =	simm.s32 $0x7400  }
0x245: {  	[tilespmem:s16], [sflag:$0x1] =	stream.indirect_vreg.gather [hbm4b:s1+s4], $0x80, v4, vm0, $0xb8;
	[tilespmem:$0x1D400] =	vst v63  }
0x246: {  	s18 =	simm.s32 $0x7C00  }
0x247: {  	[tilespmem:s18], [sflag:$0x1] =	stream.indirect_vreg.gather [hbm4b:s1+s4], $0x80, v3, vm0, $0xb8;
	[tilespmem:$0x1D400] =	vst v63  }
0x248: {  	v3 =	vld [tilespmem:s8+$0x130];
	_ =	sdelay $0x4  }
0x249: {  	v59 =	vperm.xlane v3, v0;
	_ =	sdelay $0x1  }
0x24a: {  	v3 =	vperm.xlane v3, v2;
	v4 =	vadd.s32 v1, v59;
	_ =	sdelay $0x1  }
0x24b: {  	v3 =	vadd.s32 v1, v3;
	_ =	sdelay $0x1  }
0x24c: {  	s19 =	simm.s32 $0x8400  }
0x24d: {  	[tilespmem:s19], [sflag:$0x1] =	stream.indirect_vreg.gather [hbm4b:s1+s4], $0x80, v4, vm0, $0xb8;
	[tilespmem:$0x1D400] =	vst v63  }
0x24e: {  	s20 =	simm.s32 $0x8C00  }
0x24f: {  	[tilespmem:s20], [sflag:$0x1] =	stream.indirect_vreg.gather [hbm4b:s1+s4], $0x80, v3, vm0, $0xb8;
	[tilespmem:$0x1D400] =	vst v63  }
0x250: {  	v3 =	vld [tilespmem:s8+$0x1D00];
	_ =	sdelay $0x4  }
0x251: {  	v60 =	vperm.xlane v3, v0;
	_ =	sdelay $0x1  }
0x252: {  	v3 =	vperm.xlane v3, v2;
	v4 =	vadd.s32 v1, v60;
	_ =	sdelay $0x1  }
0x253: {  	v3 =	vadd.s32 v1, v3;
	_ =	sdelay $0x1  }
0x254: {  	s21 =	simm.s32 $0x5800  }
0x255: {  	[tilespmem:s21], [sflag:$0x1] =	stream.indirect_vreg.gather [hbm4b:s5+s4], $0x80, v4, vm0, $0xb8;
	[tilespmem:$0x1D400] =	vst v63  }
0x256: {  	s22 =	simm.s32 $0x6000  }
0x257: {  	[tilespmem:s22], [sflag:$0x1] =	stream.indirect_vreg.gather [hbm4b:s5+s4], $0x80, v3, vm0, $0xb8;
	[tilespmem:$0x1D400] =	vst v63  }
0x258: {  	v3 =	vld [tilespmem:s8+$0x1D10];
	_ =	sdelay $0x4  }
0x259: {  	v61 =	vperm.xlane v3, v0;
	_ =	sdelay $0x1  }
0x25a: {  	v3 =	vperm.xlane v3, v2;
	v4 =	vadd.s32 v1, v61;
	_ =	sdelay $0x1  }
0x25b: {  	v3 =	vadd.s32 v1, v3;
	_ =	sdelay $0x1  }
0x25c: {  	s15 =	simm.s32 $0x6800  }
0x25d: {  	[tilespmem:s15], [sflag:$0x1] =	stream.indirect_vreg.gather [hbm4b:s5+s4], $0x80, v4, vm0, $0xb8;
	[tilespmem:$0x1D400] =	vst v63  }
0x25e: {  	s16 =	simm.s32 $0x7000  }
0x25f: {  	[tilespmem:s16], [sflag:$0x1] =	stream.indirect_vreg.gather [hbm4b:s5+s4], $0x80, v3, vm0, $0xb8;
	[tilespmem:$0x1D400] =	vst v63  }
0x260: {  	v3 =	vld [tilespmem:s8+$0x1D20];
	_ =	sdelay $0x4  }
0x261: {  	v62 =	vperm.xlane v3, v0;
	_ =	sdelay $0x1  }
0x262: {  	v3 =	vperm.xlane v3, v2;
	v4 =	vadd.s32 v1, v62;
	_ =	sdelay $0x1  }
0x263: {  	v3 =	vadd.s32 v1, v3;
	_ =	sdelay $0x1  }
0x264: {  	s18 =	simm.s32 $0x7800  }
0x265: {  	[tilespmem:s18], [sflag:$0x1] =	stream.indirect_vreg.gather [hbm4b:s5+s4], $0x80, v4, vm0, $0xb8;
	[tilespmem:$0x1D400] =	vst v63  }
0x266: {  	s19 =	simm.s32 $0x8000  }
0x267: {  	[tilespmem:s19], [sflag:$0x1] =	stream.indirect_vreg.gather [hbm4b:s5+s4], $0x80, v3, vm0, $0xb8;
	[tilespmem:$0x1D400] =	vst v63  }
0x268: {  	v3 =	vld [tilespmem:s8+$0x1D30];
	_ =	sdelay $0x4  }
0x269: {  	v63 =	vperm.xlane v3, v0;
	_ =	sdelay $0x1  }
0x26a: {  	v3 =	vperm.xlane v3, v2;
	v4 =	vadd.s32 v1, v63;
	_ =	sdelay $0x1  }
0x26b: {  	v3 =	vadd.s32 v1, v3;
	_ =	sdelay $0x1  }
0x26c: {  	s20 =	simm.s32 $0x8800  }
0x26d: {  	[tilespmem:s20], [sflag:$0x1] =	stream.indirect_vreg.gather [hbm4b:s5+s4], $0x80, v4, vm0, $0xb8;
	[tilespmem:$0x1D400] =	vst v63  }
0x26e: {  	s21 =	simm.s32 $0x9000  }
0x26f: {  	[tilespmem:s21], [sflag:$0x1] =	stream.indirect_vreg.gather [hbm4b:s5+s4], $0x80, v3, vm0, $0xb8;
	[tilespmem:$0x1D400] =	vst v63  }
0x270: {  	s22 =	simm.s32 $0x15400;
	s8 =	sadd.s32 $0x3900, s8  }
0x271: {  	[tilespmem:s22], [sflag:$0x5] =	stream.indirect.gather [hbm4b:s5+s0], $0x80, s8, s0, $0xb8;
	[tilespmem:$0x1D400] =	vst v63  }
.LBB2_8:
0x272: {  	_ =	swait.ge [sflag:s30], $0x2000  }
0x273: {  	[sflag:s30] =	ssyncset.done $0x0  }
0x274: {  	[sflag:s30] =	ssyncadd.s32 $0xFFFFE000  }
0x275: {  	_ =	swait.ge [sflag:s30], $0x2000  }
0x276: {  	[sflag:s30] =	ssyncset.done $0x0  }
0x277: {  	[sflag:s30] =	ssyncadd.s32 $0xFFFFE000  }
0x278: {  	_ =	swait.ge [sflag:s31], $0x2000  }
0x279: {  	[sflag:s31] =	ssyncset.done $0x0  }
0x27a: {  	s8 =	simm.s32 $0x195F0;
	[sflag:s31] =	ssyncadd.s32 $0xFFFFE000  }
0x27b: {  	p1 =	por $0x0, $0x0;
	s15 =	simm.s32 $0x1;
	v3 =	vld [tilespmem:s8+$0xFFFFFE50]  }
0x27c: {  	s15 =	simm.s32 @!p1 $0x0  }
0x27d: {  	s15 =	sshll.u32 s15, $0x9  }
0x27e: {  	s15 =	sadd.s32 $0x0, s15  }
0x27f: {  	s15 =	sor.u32 $0x8400, s15  }
0x280: {  	[tilespmem:s15+$0x5440] =	vst v3  }
0x281: {  	v3 =	vld [tilespmem:s8+$0xFFFFFE60];
	_ =	sdelay $0x4  }
0x282: {  	[tilespmem:s15+$0x5450] =	vst v3  }
0x283: {  	v3 =	vld [tilespmem:s8+$0xFFFFFE70];
	_ =	sdelay $0x4  }
0x284: {  	[tilespmem:s15+$0x5460] =	vst v3  }
0x285: {  	v3 =	vld [tilespmem:s8+$0xFFFFFE80];
	_ =	sdelay $0x4  }
0x286: {  	s18 =	simm.s32 $0x0;
	[tilespmem:s15+$0x5470] =	vst v3  }
0x287: {  	s21 =	sand.u32 $0x7, s18;
	v3 =	vld [tilespmem:s8+$0xFFFFFED0]  }
0x288: {  	s15 =	sshll.u32 s21, $0x7  }
0x289: {  	s15 =	sadd.s32 $0x0, s15  }
0x28a: {  	s16 =	sadd.s32 $0x80, s15  }
0x28b: {  	s16 =	sor.u32 $0x8400, s16  }
0x28c: {  	[tilespmem:s16+$0x5440] =	vst v3  }
0x28d: {  	v3 =	vld [tilespmem:s8+$0xFFFFFEE0];
	_ =	sdelay $0x4  }
0x28e: {  	[tilespmem:s16+$0x5450] =	vst v3  }
0x28f: {  	v3 =	vld [tilespmem:s8+$0xFFFFFEF0];
	_ =	sdelay $0x4  }
0x290: {  	[tilespmem:s16+$0x5460] =	vst v3  }
0x291: {  	v3 =	vld [tilespmem:s8+$0xFFFFFF00];
	_ =	sdelay $0x4  }
0x292: {  	[tilespmem:s16+$0x5470] =	vst v3  }
0x293: {  	v3 =	vld [tilespmem:s8+$0xFFFFFF50]  }
0x294: {  	s22 =	sand.u32 $0x3, s18  }
0x295: {  	s16 =	sshll.u32 s22, $0x8  }
0x296: {  	s16 =	sadd.s32 $0x100, s16  }
0x297: {  	s16 =	sor.u32 $0x8400, s16  }
0x298: {  	[tilespmem:s16+$0x5440] =	vst v3  }
0x299: {  	v3 =	vld [tilespmem:s8+$0xFFFFFF60];
	_ =	sdelay $0x4  }
0x29a: {  	[tilespmem:s16+$0x5450] =	vst v3  }
0x29b: {  	v3 =	vld [tilespmem:s8+$0xFFFFFF70];
	_ =	sdelay $0x4  }
0x29c: {  	[tilespmem:s16+$0x5460] =	vst v3  }
0x29d: {  	v3 =	vld [tilespmem:s8+$0xFFFFFF80];
	_ =	sdelay $0x4  }
0x29e: {  	[tilespmem:s16+$0x5470] =	vst v3  }
0x29f: {  	v3 =	vld [tilespmem:s8+$0xFFFFFFD0];
	_ =	sdelay $0x2  }
0x2a0: {  	s15 =	sadd.s32 $0x180, s15  }
0x2a1: {  	s15 =	sor.u32 $0x8400, s15  }
0x2a2: {  	[tilespmem:s15+$0x5440] =	vst v3  }
0x2a3: {  	v3 =	vld [tilespmem:s8+$0xFFFFFFE0];
	_ =	sdelay $0x4  }
0x2a4: {  	[tilespmem:s15+$0x5450] =	vst v3  }
0x2a5: {  	v3 =	vld [tilespmem:s8+$0xFFFFFFF0];
	_ =	sdelay $0x4  }
0x2a6: {  	[tilespmem:s15+$0x5460] =	vst v3  }
0x2a7: {  	v3 =	vld [tilespmem:s8+$0x0];
	_ =	sdelay $0x2  }
0x2a8: {  	s19 =	simm.s32 $0x0;
	s20 =	simm.s32 $0x197F0;
	p1 =	por !p1, !p1  }
0x2a9: {  	s21 =	simm.s32 $0x500;
	s22 =	simm.s32 $0x2;
	s16 =	simm.s32 $0x0  }
.LBB2_9:
0x2aa: {  	s19 =	sadd.s32 $0x4, s19;
	[tilespmem:s15+$0x5470] =	vst v3;
	s18 =	sadd.s32 $0x400, s18;
	s16 =	sadd.s32 $0x4, s16  }
0x2ab: {  	s8 =	simm.s32 $0x1;
	v3 =	vld [tilespmem:s20+$0xFFFFFE50];
	p2 =	slt.u32 s19, $0x3C  }
0x2ac: {  	s8 =	simm.s32 @!p1 $0x0  }
0x2ad: {  	s8 =	sshll.u32 s8, $0x9  }
0x2ae: {  	s8 =	sadd.s32 s8, s18  }
0x2af: {  	s8 =	sor.u32 $0x8400, s8  }
0x2b0: {  	[tilespmem:s8+$0x5440] =	vst v3  }
0x2b1: {  	v3 =	vld [tilespmem:s20+$0xFFFFFE60];
	_ =	sdelay $0x4  }
0x2b2: {  	[tilespmem:s8+$0x5450] =	vst v3  }
0x2b3: {  	v3 =	vld [tilespmem:s20+$0xFFFFFE70];
	_ =	sdelay $0x4  }
0x2b4: {  	[tilespmem:s8+$0x5460] =	vst v3  }
0x2b5: {  	v3 =	vld [tilespmem:s20+$0xFFFFFE80];
	_ =	sdelay $0x4  }
0x2b6: {  	[tilespmem:s8+$0x5470] =	vst v3  }
0x2b7: {  	s8 =	sand.u32 $0x7, s16;
	v3 =	vld [tilespmem:s20+$0xFFFFFED0]  }
0x2b8: {  	s8 =	sshll.u32 s8, $0x7  }
0x2b9: {  	s8 =	sadd.s32 s8, s18  }
0x2ba: {  	s9 =	sadd.s32 $0x80, s8;
	s15 =	sadd.s32 $0x180, s8  }
0x2bb: {  	s8 =	sor.u32 $0x8400, s9  }
0x2bc: {  	[tilespmem:s8+$0x5440] =	vst v3  }
0x2bd: {  	v3 =	vld [tilespmem:s20+$0xFFFFFEE0];
	_ =	sdelay $0x4  }
0x2be: {  	[tilespmem:s8+$0x5450] =	vst v3  }
0x2bf: {  	v3 =	vld [tilespmem:s20+$0xFFFFFEF0];
	_ =	sdelay $0x4  }
0x2c0: {  	[tilespmem:s8+$0x5460] =	vst v3  }
0x2c1: {  	v3 =	vld [tilespmem:s20+$0xFFFFFF00];
	_ =	sdelay $0x4  }
0x2c2: {  	[tilespmem:s8+$0x5470] =	vst v3  }
0x2c3: {  	v3 =	vld [tilespmem:s20+$0xFFFFFF50]  }
0x2c4: {  	s8 =	sand.u32 $0x3, s22  }
0x2c5: {  	s8 =	sshll.u32 s8, $0x8  }
0x2c6: {  	s8 =	sadd.s32 s8, s21  }
0x2c7: {  	s8 =	sor.u32 $0x8400, s8  }
0x2c8: {  	[tilespmem:s8+$0x5440] =	vst v3  }
0x2c9: {  	v3 =	vld [tilespmem:s20+$0xFFFFFF60];
	_ =	sdelay $0x4  }
0x2ca: {  	[tilespmem:s8+$0x5450] =	vst v3  }
0x2cb: {  	v3 =	vld [tilespmem:s20+$0xFFFFFF70];
	_ =	sdelay $0x4  }
0x2cc: {  	[tilespmem:s8+$0x5460] =	vst v3  }
0x2cd: {  	v3 =	vld [tilespmem:s20+$0xFFFFFF80];
	_ =	sdelay $0x4  }
0x2ce: {  	[tilespmem:s8+$0x5470] =	vst v3  }
0x2cf: {  	v3 =	vld [tilespmem:s20+$0xFFFFFFD0];
	_ =	sdelay $0x3  }
0x2d0: {  	s15 =	sor.u32 $0x8400, s15  }
0x2d1: {  	[tilespmem:s15+$0x5440] =	vst v3  }
0x2d2: {  	v3 =	vld [tilespmem:s20+$0xFFFFFFE0];
	_ =	sdelay $0x4  }
0x2d3: {  	[tilespmem:s15+$0x5450] =	vst v3  }
0x2d4: {  	v3 =	vld [tilespmem:s20+$0xFFFFFFF0];
	_ =	sdelay $0x4  }
0x2d5: {  	[tilespmem:s15+$0x5460] =	vst v3  }
.Ltmp5:
0x2d6: {  	v3 =	vld [tilespmem:s20+$0x0];
	(pc) =	sbr.rel @p2 .LBB2_9-.Ltmp5, $3  }
0x2d7: {  	_ =	sdelay $0x1  }
0x2d8: {  	s20 =	sadd.s32 $0x200, s20  }
0x2d9: {  	p1 =	por !p1, !p1;
	s22 =	sadd.s32 $0x2, s22;
	s21 =	sadd.s32 $0x400, s21  }
.Ltmp6:
0x2da: {  	(pc) =	sbr.rel @p0 .LBB2_12-.Ltmp6, $4  }
0x2db: {  	s8 =	sadd.s32 s17, s11  }
0x2dc: {  	s8 =	sshrl.u32 s8, $0x3  }
0x2dd: {  	[tilespmem:s15+$0x5470] =	vst v3;
	s8 =	sadd.s32 s3, s8  }
0x2de: {  	[hbm4b:s8+s4] =	stream.linear.scatter [tilespmem:s29], [sflag:$0xB], $0x4000, $0x38;
	[tilespmem:$0x1D400] =	vst v63  }
0x2df: {  	s8 =	simm.s32 $0xA  }
0x2e0: {  	_ =	swait.ge [sflag:s8], $0x4000  }
0x2e1: {  	[sflag:s8] =	ssyncset.done $0x0  }
0x2e2: {  	[sflag:s8] =	ssyncadd.s32 $0xFFFFC000;
	s8 =	sshll.u32 s6, $0x8  }
0x2e3: {  	v3 =	vld [tilespmem:s8+$0x140];
	_ =	sdelay $0x4  }
0x2e4: {  	v4 =	vperm.xlane v3, v0;
	_ =	sdelay $0x1  }
0x2e5: {  	v3 =	vperm.xlane v3, v2;
	v4 =	vadd.s32 v1, v4;
	_ =	sdelay $0x1  }
0x2e6: {  	v3 =	vadd.s32 v1, v3;
	_ =	sdelay $0x1  }
0x2e7: {  	s9 =	simm.s32 $0x9400  }
0x2e8: {  	[tilespmem:s9], [sflag:$0x2] =	stream.indirect_vreg.gather [hbm4b:s1+s4], $0x80, v4, vm0, $0xb8;
	[tilespmem:$0x1D400] =	vst v63  }
0x2e9: {  	s15 =	simm.s32 $0x9C00  }
0x2ea: {  	[tilespmem:s15], [sflag:$0x2] =	stream.indirect_vreg.gather [hbm4b:s1+s4], $0x80, v3, vm0, $0xb8;
	[tilespmem:$0x1D400] =	vst v63  }
0x2eb: {  	v3 =	vld [tilespmem:s8+$0x150];
	_ =	sdelay $0x4  }
0x2ec: {  	v57 =	vperm.xlane v3, v0;
	_ =	sdelay $0x1  }
0x2ed: {  	v3 =	vperm.xlane v3, v2;
	v4 =	vadd.s32 v1, v57;
	_ =	sdelay $0x1  }
0x2ee: {  	v3 =	vadd.s32 v1, v3;
	_ =	sdelay $0x1  }
0x2ef: {  	s16 =	simm.s32 $0xA400  }
0x2f0: {  	[tilespmem:s16], [sflag:$0x2] =	stream.indirect_vreg.gather [hbm4b:s1+s4], $0x80, v4, vm0, $0xb8;
	[tilespmem:$0x1D400] =	vst v63  }
0x2f1: {  	s17 =	simm.s32 $0xAC00  }
0x2f2: {  	[tilespmem:s17], [sflag:$0x2] =	stream.indirect_vreg.gather [hbm4b:s1+s4], $0x80, v3, vm0, $0xb8;
	[tilespmem:$0x1D400] =	vst v63  }
0x2f3: {  	v3 =	vld [tilespmem:s8+$0x160];
	_ =	sdelay $0x4  }
0x2f4: {  	v58 =	vperm.xlane v3, v0;
	_ =	sdelay $0x1  }
0x2f5: {  	v3 =	vperm.xlane v3, v2;
	v4 =	vadd.s32 v1, v58;
	_ =	sdelay $0x1  }
0x2f6: {  	v3 =	vadd.s32 v1, v3;
	_ =	sdelay $0x1  }
0x2f7: {  	s18 =	simm.s32 $0xB400  }
0x2f8: {  	[tilespmem:s18], [sflag:$0x2] =	stream.indirect_vreg.gather [hbm4b:s1+s4], $0x80, v4, vm0, $0xb8;
	[tilespmem:$0x1D400] =	vst v63  }
0x2f9: {  	s19 =	simm.s32 $0xBC00  }
0x2fa: {  	[tilespmem:s19], [sflag:$0x2] =	stream.indirect_vreg.gather [hbm4b:s1+s4], $0x80, v3, vm0, $0xb8;
	[tilespmem:$0x1D400] =	vst v63  }
0x2fb: {  	v3 =	vld [tilespmem:s8+$0x170];
	_ =	sdelay $0x4  }
0x2fc: {  	v59 =	vperm.xlane v3, v0;
	_ =	sdelay $0x1  }
0x2fd: {  	v3 =	vperm.xlane v3, v2;
	v4 =	vadd.s32 v1, v59;
	_ =	sdelay $0x1  }
0x2fe: {  	v3 =	vadd.s32 v1, v3;
	_ =	sdelay $0x1  }
0x2ff: {  	s20 =	simm.s32 $0xC400  }
0x300: {  	[tilespmem:s20], [sflag:$0x2] =	stream.indirect_vreg.gather [hbm4b:s1+s4], $0x80, v4, vm0, $0xb8;
	[tilespmem:$0x1D400] =	vst v63  }
0x301: {  	s21 =	simm.s32 $0xCC00  }
0x302: {  	[tilespmem:s21], [sflag:$0x2] =	stream.indirect_vreg.gather [hbm4b:s1+s4], $0x80, v3, vm0, $0xb8;
	[tilespmem:$0x1D400] =	vst v63  }
0x303: {  	v3 =	vld [tilespmem:s8+$0x1D40];
	_ =	sdelay $0x4  }
0x304: {  	v60 =	vperm.xlane v3, v0;
	_ =	sdelay $0x1  }
0x305: {  	v3 =	vperm.xlane v3, v2;
	v4 =	vadd.s32 v1, v60;
	_ =	sdelay $0x1  }
0x306: {  	v3 =	vadd.s32 v1, v3;
	_ =	sdelay $0x1  }
0x307: {  	s22 =	simm.s32 $0x9800  }
0x308: {  	[tilespmem:s22], [sflag:$0x2] =	stream.indirect_vreg.gather [hbm4b:s5+s4], $0x80, v4, vm0, $0xb8;
	[tilespmem:$0x1D400] =	vst v63  }
0x309: {  	s15 =	simm.s32 $0xA000  }
0x30a: {  	[tilespmem:s15], [sflag:$0x2] =	stream.indirect_vreg.gather [hbm4b:s5+s4], $0x80, v3, vm0, $0xb8;
	[tilespmem:$0x1D400] =	vst v63  }
0x30b: {  	v3 =	vld [tilespmem:s8+$0x1D50];
	_ =	sdelay $0x4  }
0x30c: {  	v61 =	vperm.xlane v3, v0;
	_ =	sdelay $0x1  }
0x30d: {  	v3 =	vperm.xlane v3, v2;
	v4 =	vadd.s32 v1, v61;
	_ =	sdelay $0x1  }
0x30e: {  	v3 =	vadd.s32 v1, v3;
	_ =	sdelay $0x1  }
0x30f: {  	s16 =	simm.s32 $0xA800  }
0x310: {  	[tilespmem:s16], [sflag:$0x2] =	stream.indirect_vreg.gather [hbm4b:s5+s4], $0x80, v4, vm0, $0xb8;
	[tilespmem:$0x1D400] =	vst v63  }
0x311: {  	s17 =	simm.s32 $0xB000  }
0x312: {  	[tilespmem:s17], [sflag:$0x2] =	stream.indirect_vreg.gather [hbm4b:s5+s4], $0x80, v3, vm0, $0xb8;
	[tilespmem:$0x1D400] =	vst v63  }
0x313: {  	v3 =	vld [tilespmem:s8+$0x1D60];
	_ =	sdelay $0x4  }
0x314: {  	v62 =	vperm.xlane v3, v0;
	_ =	sdelay $0x1  }
0x315: {  	v3 =	vperm.xlane v3, v2;
	v4 =	vadd.s32 v1, v62;
	_ =	sdelay $0x1  }
0x316: {  	v3 =	vadd.s32 v1, v3;
	_ =	sdelay $0x1  }
0x317: {  	s18 =	simm.s32 $0xB800  }
0x318: {  	[tilespmem:s18], [sflag:$0x2] =	stream.indirect_vreg.gather [hbm4b:s5+s4], $0x80, v4, vm0, $0xb8;
	[tilespmem:$0x1D400] =	vst v63  }
0x319: {  	s19 =	simm.s32 $0xC000  }
0x31a: {  	[tilespmem:s19], [sflag:$0x2] =	stream.indirect_vreg.gather [hbm4b:s5+s4], $0x80, v3, vm0, $0xb8;
	[tilespmem:$0x1D400] =	vst v63  }
0x31b: {  	v3 =	vld [tilespmem:s8+$0x1D70];
	_ =	sdelay $0x4  }
0x31c: {  	v63 =	vperm.xlane v3, v0;
	_ =	sdelay $0x1  }
0x31d: {  	v3 =	vperm.xlane v3, v2;
	v4 =	vadd.s32 v1, v63;
	_ =	sdelay $0x1  }
0x31e: {  	v3 =	vadd.s32 v1, v3;
	_ =	sdelay $0x1  }
0x31f: {  	s20 =	simm.s32 $0xC800  }
0x320: {  	[tilespmem:s20], [sflag:$0x2] =	stream.indirect_vreg.gather [hbm4b:s5+s4], $0x80, v4, vm0, $0xb8;
	[tilespmem:$0x1D400] =	vst v63  }
0x321: {  	s21 =	simm.s32 $0xD000  }
0x322: {  	[tilespmem:s21], [sflag:$0x2] =	stream.indirect_vreg.gather [hbm4b:s5+s4], $0x80, v3, vm0, $0xb8;
	[tilespmem:$0x1D400] =	vst v63  }
0x323: {  	s22 =	simm.s32 $0x17400;
	s8 =	sadd.s32 $0x3940, s8  }
0x324: {  	[tilespmem:s22], [sflag:$0x6] =	stream.indirect.gather [hbm4b:s5+s0], $0x80, s8, s0, $0xb8;
	[tilespmem:$0x1D400] =	vst v63  }
.LBB2_12:
0x325: {  	_ =	swait.ge [sflag:s2], $0x2000  }
0x326: {  	[sflag:s2] =	ssyncset.done $0x0  }
0x327: {  	[sflag:s2] =	ssyncadd.s32 $0xFFFFE000  }
0x328: {  	_ =	swait.ge [sflag:s2], $0x2000  }
0x329: {  	[sflag:s2] =	ssyncset.done $0x0  }
0x32a: {  	[sflag:s2] =	ssyncadd.s32 $0xFFFFE000  }
0x32b: {  	_ =	swait.ge [sflag:s14], $0x2000  }
0x32c: {  	[sflag:s14] =	ssyncset.done $0x0  }
0x32d: {  	s8 =	simm.s32 $0x1B5F0;
	[sflag:s14] =	ssyncadd.s32 $0xFFFFE000  }
0x32e: {  	p1 =	por $0x0, $0x0;
	s9 =	simm.s32 $0x1;
	v3 =	vld [tilespmem:s8+$0xFFFFFE50]  }
0x32f: {  	s9 =	simm.s32 @!p1 $0x0  }
0x330: {  	s9 =	sshll.u32 s9, $0x9  }
0x331: {  	s9 =	sadd.s32 $0x0, s9  }
0x332: {  	s9 =	sor.u32 $0xC400, s9  }
0x333: {  	[tilespmem:s9+$0x5440] =	vst v3  }
0x334: {  	v3 =	vld [tilespmem:s8+$0xFFFFFE60];
	_ =	sdelay $0x4  }
0x335: {  	[tilespmem:s9+$0x5450] =	vst v3  }
0x336: {  	v3 =	vld [tilespmem:s8+$0xFFFFFE70];
	_ =	sdelay $0x4  }
0x337: {  	[tilespmem:s9+$0x5460] =	vst v3  }
0x338: {  	v3 =	vld [tilespmem:s8+$0xFFFFFE80];
	_ =	sdelay $0x4  }
0x339: {  	s17 =	simm.s32 $0x0;
	[tilespmem:s9+$0x5470] =	vst v3  }
0x33a: {  	s21 =	sand.u32 $0x7, s17;
	v3 =	vld [tilespmem:s8+$0xFFFFFED0]  }
0x33b: {  	s9 =	sshll.u32 s21, $0x7  }
0x33c: {  	s9 =	sadd.s32 $0x0, s9  }
0x33d: {  	s15 =	sadd.s32 $0x80, s9  }
0x33e: {  	s15 =	sor.u32 $0xC400, s15  }
0x33f: {  	[tilespmem:s15+$0x5440] =	vst v3  }
0x340: {  	v3 =	vld [tilespmem:s8+$0xFFFFFEE0];
	_ =	sdelay $0x4  }
0x341: {  	[tilespmem:s15+$0x5450] =	vst v3  }
0x342: {  	v3 =	vld [tilespmem:s8+$0xFFFFFEF0];
	_ =	sdelay $0x4  }
0x343: {  	[tilespmem:s15+$0x5460] =	vst v3  }
0x344: {  	v3 =	vld [tilespmem:s8+$0xFFFFFF00];
	_ =	sdelay $0x4  }
0x345: {  	[tilespmem:s15+$0x5470] =	vst v3  }
0x346: {  	v3 =	vld [tilespmem:s8+$0xFFFFFF50]  }
0x347: {  	s22 =	sand.u32 $0x3, s17  }
0x348: {  	s15 =	sshll.u32 s22, $0x8  }
0x349: {  	s15 =	sadd.s32 $0x100, s15  }
0x34a: {  	s15 =	sor.u32 $0xC400, s15  }
0x34b: {  	[tilespmem:s15+$0x5440] =	vst v3  }
0x34c: {  	v3 =	vld [tilespmem:s8+$0xFFFFFF60];
	_ =	sdelay $0x4  }
0x34d: {  	[tilespmem:s15+$0x5450] =	vst v3  }
0x34e: {  	v3 =	vld [tilespmem:s8+$0xFFFFFF70];
	_ =	sdelay $0x4  }
0x34f: {  	[tilespmem:s15+$0x5460] =	vst v3  }
0x350: {  	v3 =	vld [tilespmem:s8+$0xFFFFFF80];
	_ =	sdelay $0x4  }
0x351: {  	[tilespmem:s15+$0x5470] =	vst v3  }
0x352: {  	v3 =	vld [tilespmem:s8+$0xFFFFFFD0];
	_ =	sdelay $0x2  }
0x353: {  	s9 =	sadd.s32 $0x180, s9  }
0x354: {  	s15 =	sor.u32 $0xC400, s9  }
0x355: {  	[tilespmem:s15+$0x5440] =	vst v3  }
0x356: {  	v3 =	vld [tilespmem:s8+$0xFFFFFFE0];
	_ =	sdelay $0x4  }
0x357: {  	[tilespmem:s15+$0x5450] =	vst v3  }
0x358: {  	v3 =	vld [tilespmem:s8+$0xFFFFFFF0];
	_ =	sdelay $0x4  }
0x359: {  	[tilespmem:s15+$0x5460] =	vst v3  }
0x35a: {  	v3 =	vld [tilespmem:s8+$0x0];
	_ =	sdelay $0x2  }
0x35b: {  	s18 =	simm.s32 $0x0;
	s19 =	simm.s32 $0x1B7F0;
	s20 =	simm.s32 $0x500  }
0x35c: {  	s16 =	simm.s32 $0x0;
	p1 =	por !p1, !p1;
	s21 =	simm.s32 $0x2  }
.LBB2_13:
0x35d: {  	s18 =	sadd.s32 $0x4, s18;
	[tilespmem:s15+$0x5470] =	vst v3;
	s17 =	sadd.s32 $0x400, s17;
	s16 =	sadd.s32 $0x4, s16  }
0x35e: {  	s8 =	simm.s32 $0x1;
	v3 =	vld [tilespmem:s19+$0xFFFFFE50];
	p2 =	slt.u32 s18, $0x3C  }
0x35f: {  	s8 =	simm.s32 @!p1 $0x0  }
0x360: {  	s8 =	sshll.u32 s8, $0x9  }
0x361: {  	s8 =	sadd.s32 s8, s17  }
0x362: {  	s8 =	sor.u32 $0xC400, s8  }
0x363: {  	[tilespmem:s8+$0x5440] =	vst v3  }
0x364: {  	v3 =	vld [tilespmem:s19+$0xFFFFFE60];
	_ =	sdelay $0x4  }
0x365: {  	[tilespmem:s8+$0x5450] =	vst v3  }
0x366: {  	v3 =	vld [tilespmem:s19+$0xFFFFFE70];
	_ =	sdelay $0x4  }
0x367: {  	[tilespmem:s8+$0x5460] =	vst v3  }
0x368: {  	v3 =	vld [tilespmem:s19+$0xFFFFFE80];
	_ =	sdelay $0x4  }
0x369: {  	[tilespmem:s8+$0x5470] =	vst v3  }
0x36a: {  	s8 =	sand.u32 $0x7, s16;
	v3 =	vld [tilespmem:s19+$0xFFFFFED0]  }
0x36b: {  	s8 =	sshll.u32 s8, $0x7  }
0x36c: {  	s8 =	sadd.s32 s8, s17  }
0x36d: {  	s9 =	sadd.s32 $0x80, s8;
	s15 =	sadd.s32 $0x180, s8  }
0x36e: {  	s8 =	sor.u32 $0xC400, s9  }
0x36f: {  	[tilespmem:s8+$0x5440] =	vst v3  }
0x370: {  	v3 =	vld [tilespmem:s19+$0xFFFFFEE0];
	_ =	sdelay $0x4  }
0x371: {  	[tilespmem:s8+$0x5450] =	vst v3  }
0x372: {  	v3 =	vld [tilespmem:s19+$0xFFFFFEF0];
	_ =	sdelay $0x4  }
0x373: {  	[tilespmem:s8+$0x5460] =	vst v3  }
0x374: {  	v3 =	vld [tilespmem:s19+$0xFFFFFF00];
	_ =	sdelay $0x4  }
0x375: {  	[tilespmem:s8+$0x5470] =	vst v3  }
0x376: {  	v3 =	vld [tilespmem:s19+$0xFFFFFF50]  }
0x377: {  	s8 =	sand.u32 $0x3, s21  }
0x378: {  	s8 =	sshll.u32 s8, $0x8  }
0x379: {  	s8 =	sadd.s32 s8, s20  }
0x37a: {  	s8 =	sor.u32 $0xC400, s8  }
0x37b: {  	[tilespmem:s8+$0x5440] =	vst v3  }
0x37c: {  	v3 =	vld [tilespmem:s19+$0xFFFFFF60];
	_ =	sdelay $0x4  }
0x37d: {  	[tilespmem:s8+$0x5450] =	vst v3  }
0x37e: {  	v3 =	vld [tilespmem:s19+$0xFFFFFF70];
	_ =	sdelay $0x4  }
0x37f: {  	[tilespmem:s8+$0x5460] =	vst v3  }
0x380: {  	v3 =	vld [tilespmem:s19+$0xFFFFFF80];
	_ =	sdelay $0x4  }
0x381: {  	[tilespmem:s8+$0x5470] =	vst v3  }
0x382: {  	v3 =	vld [tilespmem:s19+$0xFFFFFFD0];
	_ =	sdelay $0x3  }
0x383: {  	s15 =	sor.u32 $0xC400, s15  }
0x384: {  	[tilespmem:s15+$0x5440] =	vst v3  }
0x385: {  	v3 =	vld [tilespmem:s19+$0xFFFFFFE0];
	_ =	sdelay $0x4  }
0x386: {  	[tilespmem:s15+$0x5450] =	vst v3  }
0x387: {  	v3 =	vld [tilespmem:s19+$0xFFFFFFF0];
	_ =	sdelay $0x4  }
0x388: {  	[tilespmem:s15+$0x5460] =	vst v3  }
.Ltmp7:
0x389: {  	v3 =	vld [tilespmem:s19+$0x0];
	(pc) =	sbr.rel @p2 .LBB2_13-.Ltmp7, $3  }
0x38a: {  	_ =	sdelay $0x1  }
0x38b: {  	s19 =	sadd.s32 $0x200, s19  }
0x38c: {  	p1 =	por !p1, !p1;
	s21 =	sadd.s32 $0x2, s21;
	s20 =	sadd.s32 $0x400, s20  }
.Ltmp8:
0x38d: {  	s8 =	sshll.u32 s13, $0xE;
	(pc) =	sbr.rel @p0 .LBB2_16-.Ltmp8, $4  }
0x38e: {  	s8 =	sadd.s32 s7, s8  }
0x38f: {  	s8 =	sshrl.u32 s8, $0x3  }
0x390: {  	[tilespmem:s15+$0x5470] =	vst v3;
	s8 =	sadd.s32 s3, s8  }
0x391: {  	[hbm4b:s8+s4] =	stream.linear.scatter [tilespmem:s26], [sflag:$0xC], $0x4000, $0x38;
	[tilespmem:$0x1D400] =	vst v63  }
0x392: {  	_ =	swait.ge [sflag:s12], $0x4000  }
0x393: {  	[sflag:s12] =	ssyncset.done $0x0  }
0x394: {  	s8 =	sshll.u32 s6, $0x8;
	[sflag:s12] =	ssyncadd.s32 $0xFFFFC000  }
0x395: {  	v3 =	vld [tilespmem:s8+$0x180];
	_ =	sdelay $0x4  }
0x396: {  	v4 =	vperm.xlane v3, v0;
	_ =	sdelay $0x1  }
0x397: {  	v3 =	vperm.xlane v3, v2;
	v4 =	vadd.s32 v1, v4;
	_ =	sdelay $0x1  }
0x398: {  	v3 =	vadd.s32 v1, v3;
	_ =	sdelay $0x2  }
0x399: {  	[tilespmem:s29], [sflag:$0x3] =	stream.indirect_vreg.gather [hbm4b:s1+s4], $0x80, v4, vm0, $0xb8;
	[tilespmem:$0x1D400] =	vst v63  }
0x39a: {  	s9 =	simm.s32 $0xDC00  }
0x39b: {  	[tilespmem:s9], [sflag:$0x3] =	stream.indirect_vreg.gather [hbm4b:s1+s4], $0x80, v3, vm0, $0xb8;
	[tilespmem:$0x1D400] =	vst v63  }
0x39c: {  	v3 =	vld [tilespmem:s8+$0x190];
	_ =	sdelay $0x4  }
0x39d: {  	v57 =	vperm.xlane v3, v0;
	_ =	sdelay $0x1  }
0x39e: {  	v3 =	vperm.xlane v3, v2;
	v4 =	vadd.s32 v1, v57;
	_ =	sdelay $0x1  }
0x39f: {  	v3 =	vadd.s32 v1, v3;
	_ =	sdelay $0x1  }
0x3a0: {  	s17 =	simm.s32 $0xE400  }
0x3a1: {  	[tilespmem:s17], [sflag:$0x3] =	stream.indirect_vreg.gather [hbm4b:s1+s4], $0x80, v4, vm0, $0xb8;
	[tilespmem:$0x1D400] =	vst v63  }
0x3a2: {  	s18 =	simm.s32 $0xEC00  }
0x3a3: {  	[tilespmem:s18], [sflag:$0x3] =	stream.indirect_vreg.gather [hbm4b:s1+s4], $0x80, v3, vm0, $0xb8;
	[tilespmem:$0x1D400] =	vst v63  }
0x3a4: {  	v3 =	vld [tilespmem:s8+$0x1A0];
	_ =	sdelay $0x4  }
0x3a5: {  	v58 =	vperm.xlane v3, v0;
	_ =	sdelay $0x1  }
0x3a6: {  	v3 =	vperm.xlane v3, v2;
	v4 =	vadd.s32 v1, v58;
	_ =	sdelay $0x1  }
0x3a7: {  	v3 =	vadd.s32 v1, v3;
	_ =	sdelay $0x1  }
0x3a8: {  	s19 =	simm.s32 $0xF400  }
0x3a9: {  	[tilespmem:s19], [sflag:$0x3] =	stream.indirect_vreg.gather [hbm4b:s1+s4], $0x80, v4, vm0, $0xb8;
	[tilespmem:$0x1D400] =	vst v63  }
0x3aa: {  	s20 =	simm.s32 $0xFC00  }
0x3ab: {  	[tilespmem:s20], [sflag:$0x3] =	stream.indirect_vreg.gather [hbm4b:s1+s4], $0x80, v3, vm0, $0xb8;
	[tilespmem:$0x1D400] =	vst v63  }
0x3ac: {  	v3 =	vld [tilespmem:s8+$0x1B0];
	_ =	sdelay $0x4  }
0x3ad: {  	v59 =	vperm.xlane v3, v0;
	_ =	sdelay $0x1  }
0x3ae: {  	v3 =	vperm.xlane v3, v2;
	v4 =	vadd.s32 v1, v59;
	_ =	sdelay $0x1  }
0x3af: {  	v3 =	vadd.s32 v1, v3;
	_ =	sdelay $0x1  }
0x3b0: {  	s21 =	simm.s32 $0x10400  }
0x3b1: {  	[tilespmem:s21], [sflag:$0x3] =	stream.indirect_vreg.gather [hbm4b:s1+s4], $0x80, v4, vm0, $0xb8;
	[tilespmem:$0x1D400] =	vst v63  }
0x3b2: {  	s22 =	simm.s32 $0x10C00  }
0x3b3: {  	[tilespmem:s22], [sflag:$0x3] =	stream.indirect_vreg.gather [hbm4b:s1+s4], $0x80, v3, vm0, $0xb8;
	[tilespmem:$0x1D400] =	vst v63  }
0x3b4: {  	v3 =	vld [tilespmem:s8+$0x1D80];
	_ =	sdelay $0x4  }
0x3b5: {  	v60 =	vperm.xlane v3, v0;
	_ =	sdelay $0x1  }
0x3b6: {  	v3 =	vperm.xlane v3, v2;
	v4 =	vadd.s32 v1, v60;
	_ =	sdelay $0x1  }
0x3b7: {  	v3 =	vadd.s32 v1, v3;
	_ =	sdelay $0x1  }
0x3b8: {  	s13 =	simm.s32 $0xD800  }
0x3b9: {  	[tilespmem:s13], [sflag:$0x3] =	stream.indirect_vreg.gather [hbm4b:s5+s4], $0x80, v4, vm0, $0xb8;
	[tilespmem:$0x1D400] =	vst v63  }
0x3ba: {  	s15 =	simm.s32 $0xE000  }
0x3bb: {  	[tilespmem:s15], [sflag:$0x3] =	stream.indirect_vreg.gather [hbm4b:s5+s4], $0x80, v3, vm0, $0xb8;
	[tilespmem:$0x1D400] =	vst v63  }
0x3bc: {  	v3 =	vld [tilespmem:s8+$0x1D90];
	_ =	sdelay $0x4  }
0x3bd: {  	v61 =	vperm.xlane v3, v0;
	_ =	sdelay $0x1  }
0x3be: {  	v3 =	vperm.xlane v3, v2;
	v4 =	vadd.s32 v1, v61;
	_ =	sdelay $0x1  }
0x3bf: {  	v3 =	vadd.s32 v1, v3;
	_ =	sdelay $0x1  }
0x3c0: {  	s16 =	simm.s32 $0xE800  }
0x3c1: {  	[tilespmem:s16], [sflag:$0x3] =	stream.indirect_vreg.gather [hbm4b:s5+s4], $0x80, v4, vm0, $0xb8;
	[tilespmem:$0x1D400] =	vst v63  }
0x3c2: {  	s17 =	simm.s32 $0xF000  }
0x3c3: {  	[tilespmem:s17], [sflag:$0x3] =	stream.indirect_vreg.gather [hbm4b:s5+s4], $0x80, v3, vm0, $0xb8;
	[tilespmem:$0x1D400] =	vst v63  }
0x3c4: {  	v3 =	vld [tilespmem:s8+$0x1DA0];
	_ =	sdelay $0x4  }
0x3c5: {  	v62 =	vperm.xlane v3, v0;
	_ =	sdelay $0x1  }
0x3c6: {  	v3 =	vperm.xlane v3, v2;
	v4 =	vadd.s32 v1, v62;
	_ =	sdelay $0x1  }
0x3c7: {  	v3 =	vadd.s32 v1, v3;
	_ =	sdelay $0x1  }
0x3c8: {  	s18 =	simm.s32 $0xF800  }
0x3c9: {  	[tilespmem:s18], [sflag:$0x3] =	stream.indirect_vreg.gather [hbm4b:s5+s4], $0x80, v4, vm0, $0xb8;
	[tilespmem:$0x1D400] =	vst v63  }
0x3ca: {  	s19 =	simm.s32 $0x10000  }
0x3cb: {  	[tilespmem:s19], [sflag:$0x3] =	stream.indirect_vreg.gather [hbm4b:s5+s4], $0x80, v3, vm0, $0xb8;
	[tilespmem:$0x1D400] =	vst v63  }
0x3cc: {  	v3 =	vld [tilespmem:s8+$0x1DB0];
	_ =	sdelay $0x4  }
0x3cd: {  	v63 =	vperm.xlane v3, v0;
	_ =	sdelay $0x1  }
0x3ce: {  	v4 =	vadd.s32 v1, v63  }
0x3cf: {  	v3 =	vperm.xlane v3, v2;
	_ =	sdelay $0x1  }
0x3d0: {  	v3 =	vadd.s32 v1, v3  }
0x3d1: {  	s20 =	simm.s32 $0x10800  }
0x3d2: {  	[tilespmem:s20], [sflag:$0x3] =	stream.indirect_vreg.gather [hbm4b:s5+s4], $0x80, v4, vm0, $0xb8;
	[tilespmem:$0x1D400] =	vst v63  }
.Ltmp9:
0x3d3: {  	_ = 	snop;
	(pc) =	sbr.rel .LBB2_2-.Ltmp9, $4  }
0x3d4: {  	s21 =	simm.s32 $0x11000  }
0x3d5: {  	[tilespmem:s21], [sflag:$0x3] =	stream.indirect_vreg.gather [hbm4b:s5+s4], $0x80, v3, vm0, $0xb8;
	[tilespmem:$0x1D400] =	vst v63  }
0x3d6: {  	s6 =	sadd.s32 $0x1, s6;
	s22 =	simm.s32 $0x19400;
	s8 =	sadd.s32 $0x3980, s8  }
0x3d7: {  	[tilespmem:s22], [sflag:$0x7] =	stream.indirect.gather [hbm4b:s5+s0], $0x80, s8, s0, $0xb8;
	[tilespmem:$0x1D400] =	vst v63  }
.LBB2_17:
0x3d8: {  	_ =	sfence.sel $0x180000  }
0x3d9: {  	[bflag:$0x0] =	sbarrier.arrive $0xFFFF  }
0x3da: {  	_ =	strace $0x90000047  }
0x3db: {  	s0 =	stileid.u32;
	[bflag:$0x2] =	sbarrier.arrive $0xFFFF  }
0x3dc: {  	p0 =	sne.s32 s0, $0x0;
	s0 =	rddreg [dreg:$0x3]  }
0x3dd: {  	s0 =	sadd.s32 @!p0 $0x100000, s0  }
0x3de: {  	[sflag:s0] =	ssyncadd.tile.s32 @!p0 $0x1;
	_ =	shalt  }
.Lfunc_end2:
_tile_overlayer_lowered:
.L_overlay_start_2:
0x3df: {  	(tag) =	ssettag $0x2  }
0x3e0: {  	s0 =	rddreg [dreg:$0x0];
	s2 =	stileid.u32  }
0x3e1: {  	s1 =	rddreg [dreg:$0x1];
	p0 =	sne.s32 s2, $0x0  }
0x3e2: {  	s3 =	rddreg [dreg:$0x2];
	[bflag:$0x3] =	sbarrier.arrive $0xFFFF;
	s2 =	simm.s32 @!p0 $0x1C0D  }
0x3e3: {  	[timem:s3], [sflag:s2] =	dma.local @!p0 [hbm:s0], s1  }
0x3e4: {  	s0 =	simm.s32 @!p0 $0xD  }
0x3e5: {  	_ =	swait.ge @!p0 [sflag:s0], s1  }
0x3e6: {  	s1 =	ssub.s32 @!p0 $0x0, s1;
	[sflag:s0] =	ssyncset.done @!p0 $0x0  }
0x3e7: {  	[sflag:s0] =	ssyncadd.s32 @!p0 s1  }
0x3e8: {  	[bflag:$0x3] =	sbarrier.arrive $0xFFFF  }
0x3e9: {  	_ =	shalt  }

</sc_bundles>
